<compile_context>
chip_gen: v7x
topology: tpu7x:2x2x1
jax: 0.10.2.dev20260603
libtpu: 0.0.44.dev20260713+nightly
codegen_flags: <defaults>
</compile_context>

<pallas_src>
import functools

import jax
import jax.numpy as jnp
from jax import lax
from jax.experimental import pallas as pl
from jax.experimental.pallas import tpu as pltpu
from jax.experimental.pallas import tpu_sc as plsc


@functools.cache
def _build(B, V, D, scale):
    info = plsc.get_sparse_core_info()
    NC, NS, L = info.num_cores, info.num_subcores, info.num_lanes
    NW = NC * NS
    assert B % NW == 0
    bpw = B // NW
    C = 256
    NG = 4
    NSB = 2
    RU = 8
    assert bpw % C == 0 and D % L == 0 and C % RU == 0
    nchunks = bpw // C
    assert nchunks % NG == 0
    kmax = nchunks // NG

    mesh = plsc.VectorSubcoreMesh(core_axis_name="c", subcore_axis_name="s")

    @functools.partial(
        pl.kernel,
        mesh=mesh,
        out_type=jax.ShapeDtypeStruct((B, D), jnp.float32),
        scratch_types=[pltpu.VMEM((C,), jnp.int32)] * NG
        + [pltpu.VMEM((C, D), jnp.float32)] * (NG + NSB)
        + [pltpu.SemaphoreType.DMA] * (NG + NSB),
        compiler_params=pltpu.CompilerParams(use_tc_tiling_on_sc=False),
    )
    def emb(idx_hbm, tbl_hbm, out_hbm, *refs):
        idxs = refs[:NG]
        rows = refs[NG : 2 * NG]
        srows = refs[2 * NG : 2 * NG + NSB]
        gsems = refs[2 * NG + NSB : 3 * NG + NSB]
        ssems = refs[3 * NG + NSB :]
        wid = lax.axis_index("s") * NC + lax.axis_index("c")
        base = wid * bpw

        def gather(c, b):
            pltpu.sync_copy(idx_hbm.at[pl.ds(base + c * C, C)], idxs[b])
            pltpu.async_copy(tbl_hbm.at[idxs[b]], rows[b], gsems[b])

        for b in range(NG):
            gather(b, b)

        def outer(k, carry):
            for j in range(NG):
                s = j % NSB
                c = k * NG + j
                pltpu.make_async_copy(tbl_hbm.at[idxs[j]], rows[j], gsems[j]).wait()
                if j < NSB:

                    @pl.when(k > 0)
                    def _():
                        pltpu.make_async_copy(
                            srows[s], out_hbm.at[pl.ds(base, C)], ssems[s]
                        ).wait()

                else:
                    pltpu.make_async_copy(
                        srows[s], out_hbm.at[pl.ds(base, C)], ssems[s]
                    ).wait()

                def scale_body(r, carry2):
                    row0 = r * RU
                    for q in range(RU):
                        for t in range(D // L):
                            sl = pl.ds(t * L, L)
                            srows[s][row0 + q, sl] = rows[j][row0 + q, sl] * scale
                    return carry2

                lax.fori_loop(0, C // RU, scale_body, 0)

                pltpu.async_copy(srows[s], out_hbm.at[pl.ds(base + c * C, C)], ssems[s])

                @pl.when(k < kmax - 1)
                def _():
                    gather(c + NG, j)

            return carry

        lax.fori_loop(0, kmax, outer, 0)

        for s in range(NSB):
            pltpu.make_async_copy(
                srows[s], out_hbm.at[pl.ds(base, C)], ssems[s]
            ).wait()

    return emb


def kernel(X, weight):
    B = X.shape[0] * X.shape[1]
    V, D = weight.shape
    scale = float(D) ** 0.5
    idx = X.reshape(B).astype(jnp.int32)
    out = _build(B, V, D, scale)(idx, weight)
    return out.reshape(X.shape[0], X.shape[1], D)

# --- scband reference (transcript-rebuilt; emitter-appended) ---
"""Pipeline reference for scband-embedding-layer-61340722922024 (READ-ONLY COPY).

The authoritative reference and input builder live on the scoring server;
editing this copy changes nothing except your own understanding.
"""

import jax, jax.numpy as jnp
import numpy as np

VOCAB = 1000000
EMBED_DIM = 64

def setup_inputs(seed: int = 0) -> dict:
    key = jax.random.key(seed)
    k1, k2 = jax.random.split(key)
    X = jax.random.randint(k1, (4096, 200), 0, VOCAB, dtype=jnp.int64 if jax.config.jax_enable_x64 else jnp.int32)
    weight = jax.random.normal(k2, (VOCAB, EMBED_DIM), dtype=jnp.float32)
    return {"X": X, "weight": weight}

def reference(X, weight):
    scaled = EMBED_DIM ** 0.5
    emb = jnp.take(weight, X, axis=0)
    return emb * scaled

if __name__ == "__main__":
    import jax
    _d = setup_inputs()
    print(jax.jit(kernel)(*tuple(_d.values())))

</pallas_src>

<mosaic_0001>
#map = affine_map<(d0, d1) -> (0)>
#map1 = affine_map<(d0, d1) -> (0, 0)>
module attributes {stable_mosaic.version = 14 : i64} {
  func.func @emb(%arg0: i32, %arg1: i32, %arg2: memref<819200xi32, #tpu.memory_space<hbm>>, %arg3: memref<1000000x64xf32, #tpu.memory_space<hbm>>, %arg4: memref<819200x64xf32, #tpu.memory_space<hbm>>, %arg5: memref<256xi32, #tpu.memory_space<vmem>>, %arg6: memref<256xi32, #tpu.memory_space<vmem>>, %arg7: memref<256xi32, #tpu.memory_space<vmem>>, %arg8: memref<256xi32, #tpu.memory_space<vmem>>, %arg9: memref<256x64xf32, #tpu.memory_space<vmem>>, %arg10: memref<256x64xf32, #tpu.memory_space<vmem>>, %arg11: memref<256x64xf32, #tpu.memory_space<vmem>>, %arg12: memref<256x64xf32, #tpu.memory_space<vmem>>, %arg13: memref<256x64xf32, #tpu.memory_space<vmem>>, %arg14: memref<256x64xf32, #tpu.memory_space<vmem>>, %arg15: memref<!tpu.dma_semaphore, #tpu.memory_space<semaphore_mem>>, %arg16: memref<!tpu.dma_semaphore, #tpu.memory_space<semaphore_mem>>, %arg17: memref<!tpu.dma_semaphore, #tpu.memory_space<semaphore_mem>>, %arg18: memref<!tpu.dma_semaphore, #tpu.memory_space<semaphore_mem>>, %arg19: memref<!tpu.dma_semaphore, #tpu.memory_space<semaphore_mem>>, %arg20: memref<!tpu.dma_semaphore, #tpu.memory_space<semaphore_mem>>) attributes {dimension_semantics = [#tpu.dimension_semantics<core_parallel>, #tpu.dimension_semantics<subcore_parallel>], iteration_bounds = array<i64: 2, 16>, scalar_prefetch = 0 : i64, scratch_operands = 16 : i64, tpu.core_type = #tpu.core_type<sc_vector_subcore>, window_params = [{transform_indices = #map}, {transform_indices = #map1}, {transform_indices = #map1}]} {
    %mul3A = arith.constant 2 : i32
    %mul3A_0 = arith.muli %arg1, %mul3A : i32
    %add3A = arith.addi %mul3A_0, %arg0 : i32
    %mul3A_1 = arith.constant 25600 : i32
    %mul3A_2 = arith.muli %add3A, %mul3A_1 : i32
    %add3A_3 = arith.constant 0 : i32
    %add3A_4 = arith.addi %mul3A_2, %add3A_3 : i32
    "tpu.region"() ({
      %run_scoped3A = tpu.sem_alloc : memref<!tpu.dma_semaphore, #tpu.memory_space<semaphore_mem>>
      %dma_start3A_34 = tpu.memref_slice %arg2[%add3A_4] : memref<819200xi32, #tpu.memory_space<hbm>> -> memref<256xi32, #tpu.memory_space<hbm>>
      %dma_start3A_35 = tpu.memref_slice %arg2[%add3A_4] : memref<819200xi32, #tpu.memory_space<hbm>> -> memref<256xi32, #tpu.memory_space<hbm>>
      tpu.enqueue_dma source(%dma_start3A_35 : memref<256xi32, #tpu.memory_space<hbm>>) target(%arg5 : memref<256xi32, #tpu.memory_space<vmem>>) target_semaphore(%run_scoped3A : memref<!tpu.dma_semaphore, #tpu.memory_space<semaphore_mem>>)
      %dma_wait3A_36 = tpu.memref_slice %arg2[%add3A_4] : memref<819200xi32, #tpu.memory_space<hbm>> -> memref<256xi32, #tpu.memory_space<hbm>>
      %dma_wait3A_37 = tpu.memref_slice %arg2[%add3A_4] : memref<819200xi32, #tpu.memory_space<hbm>> -> memref<256xi32, #tpu.memory_space<hbm>>
      tpu.wait_dma2 semaphore(%run_scoped3A : memref<!tpu.dma_semaphore, #tpu.memory_space<semaphore_mem>>) src(%dma_wait3A_37 : memref<256xi32, #tpu.memory_space<hbm>>) dst(%arg5 : memref<256xi32, #tpu.memory_space<vmem>>)
      tpu.yield
    }) : () -> ()
    %dma_start3A = arith.constant 0 : i32
    %dma_start3A_5 = arith.constant 0 : i32
    %dma_start3A_6 = tpu.memref_slice %arg3[%dma_start3A, %dma_start3A_5] : memref<1000000x64xf32, #tpu.memory_space<hbm>> -> memref<1000000x64xf32, #tpu.memory_space<hbm>>
    tpu.enqueue_indirect_dma source(%dma_start3A_6 : memref<1000000x64xf32, #tpu.memory_space<hbm>>) target(%arg9 : memref<256x64xf32, #tpu.memory_space<vmem>>) offsets(%arg5 : memref<256xi32, #tpu.memory_space<vmem>>) semaphore(%arg15 : memref<!tpu.dma_semaphore, #tpu.memory_space<semaphore_mem>>)
    %add3A_7 = arith.constant 256 : i32
    %add3A_8 = arith.addi %mul3A_2, %add3A_7 : i32
    "tpu.region"() ({
      %run_scoped3A = tpu.sem_alloc : memref<!tpu.dma_semaphore, #tpu.memory_space<semaphore_mem>>
      %dma_start3A_34 = tpu.memref_slice %arg2[%add3A_8] : memref<819200xi32, #tpu.memory_space<hbm>> -> memref<256xi32, #tpu.memory_space<hbm>>
      %dma_start3A_35 = tpu.memref_slice %arg2[%add3A_8] : memref<819200xi32, #tpu.memory_space<hbm>> -> memref<256xi32, #tpu.memory_space<hbm>>
      tpu.enqueue_dma source(%dma_start3A_35 : memref<256xi32, #tpu.memory_space<hbm>>) target(%arg6 : memref<256xi32, #tpu.memory_space<vmem>>) target_semaphore(%run_scoped3A : memref<!tpu.dma_semaphore, #tpu.memory_space<semaphore_mem>>)
      %dma_wait3A_36 = tpu.memref_slice %arg2[%add3A_8] : memref<819200xi32, #tpu.memory_space<hbm>> -> memref<256xi32, #tpu.memory_space<hbm>>
      %dma_wait3A_37 = tpu.memref_slice %arg2[%add3A_8] : memref<819200xi32, #tpu.memory_space<hbm>> -> memref<256xi32, #tpu.memory_space<hbm>>
      tpu.wait_dma2 semaphore(%run_scoped3A : memref<!tpu.dma_semaphore, #tpu.memory_space<semaphore_mem>>) src(%dma_wait3A_37 : memref<256xi32, #tpu.memory_space<hbm>>) dst(%arg6 : memref<256xi32, #tpu.memory_space<vmem>>)
      tpu.yield
    }) : () -> ()
    %dma_start3A_9 = arith.constant 0 : i32
    %dma_start3A_10 = arith.constant 0 : i32
    %dma_start3A_11 = tpu.memref_slice %arg3[%dma_start3A_9, %dma_start3A_10] : memref<1000000x64xf32, #tpu.memory_space<hbm>> -> memref<1000000x64xf32, #tpu.memory_space<hbm>>
    tpu.enqueue_indirect_dma source(%dma_start3A_11 : memref<1000000x64xf32, #tpu.memory_space<hbm>>) target(%arg10 : memref<256x64xf32, #tpu.memory_space<vmem>>) offsets(%arg6 : memref<256xi32, #tpu.memory_space<vmem>>) semaphore(%arg16 : memref<!tpu.dma_semaphore, #tpu.memory_space<semaphore_mem>>)
    %add3A_12 = arith.constant 512 : i32
    %add3A_13 = arith.addi %mul3A_2, %add3A_12 : i32
    "tpu.region"() ({
      %run_scoped3A = tpu.sem_alloc : memref<!tpu.dma_semaphore, #tpu.memory_space<semaphore_mem>>
      %dma_start3A_34 = tpu.memref_slice %arg2[%add3A_13] : memref<819200xi32, #tpu.memory_space<hbm>> -> memref<256xi32, #tpu.memory_space<hbm>>
      %dma_start3A_35 = tpu.memref_slice %arg2[%add3A_13] : memref<819200xi32, #tpu.memory_space<hbm>> -> memref<256xi32, #tpu.memory_space<hbm>>
      tpu.enqueue_dma source(%dma_start3A_35 : memref<256xi32, #tpu.memory_space<hbm>>) target(%arg7 : memref<256xi32, #tpu.memory_space<vmem>>) target_semaphore(%run_scoped3A : memref<!tpu.dma_semaphore, #tpu.memory_space<semaphore_mem>>)
      %dma_wait3A_36 = tpu.memref_slice %arg2[%add3A_13] : memref<819200xi32, #tpu.memory_space<hbm>> -> memref<256xi32, #tpu.memory_space<hbm>>
      %dma_wait3A_37 = tpu.memref_slice %arg2[%add3A_13] : memref<819200xi32, #tpu.memory_space<hbm>> -> memref<256xi32, #tpu.memory_space<hbm>>
      tpu.wait_dma2 semaphore(%run_scoped3A : memref<!tpu.dma_semaphore, #tpu.memory_space<semaphore_mem>>) src(%dma_wait3A_37 : memref<256xi32, #tpu.memory_space<hbm>>) dst(%arg7 : memref<256xi32, #tpu.memory_space<vmem>>)
      tpu.yield
    }) : () -> ()
    %dma_start3A_14 = arith.constant 0 : i32
    %dma_start3A_15 = arith.constant 0 : i32
    %dma_start3A_16 = tpu.memref_slice %arg3[%dma_start3A_14, %dma_start3A_15] : memref<1000000x64xf32, #tpu.memory_space<hbm>> -> memref<1000000x64xf32, #tpu.memory_space<hbm>>
    tpu.enqueue_indirect_dma source(%dma_start3A_16 : memref<1000000x64xf32, #tpu.memory_space<hbm>>) target(%arg11 : memref<256x64xf32, #tpu.memory_space<vmem>>) offsets(%arg7 : memref<256xi32, #tpu.memory_space<vmem>>) semaphore(%arg17 : memref<!tpu.dma_semaphore, #tpu.memory_space<semaphore_mem>>)
    %add3A_17 = arith.constant 768 : i32
    %add3A_18 = arith.addi %mul3A_2, %add3A_17 : i32
    "tpu.region"() ({
      %run_scoped3A = tpu.sem_alloc : memref<!tpu.dma_semaphore, #tpu.memory_space<semaphore_mem>>
      %dma_start3A_34 = tpu.memref_slice %arg2[%add3A_18] : memref<819200xi32, #tpu.memory_space<hbm>> -> memref<256xi32, #tpu.memory_space<hbm>>
      %dma_start3A_35 = tpu.memref_slice %arg2[%add3A_18] : memref<819200xi32, #tpu.memory_space<hbm>> -> memref<256xi32, #tpu.memory_space<hbm>>
      tpu.enqueue_dma source(%dma_start3A_35 : memref<256xi32, #tpu.memory_space<hbm>>) target(%arg8 : memref<256xi32, #tpu.memory_space<vmem>>) target_semaphore(%run_scoped3A : memref<!tpu.dma_semaphore, #tpu.memory_space<semaphore_mem>>)
      %dma_wait3A_36 = tpu.memref_slice %arg2[%add3A_18] : memref<819200xi32, #tpu.memory_space<hbm>> -> memref<256xi32, #tpu.memory_space<hbm>>
      %dma_wait3A_37 = tpu.memref_slice %arg2[%add3A_18] : memref<819200xi32, #tpu.memory_space<hbm>> -> memref<256xi32, #tpu.memory_space<hbm>>
      tpu.wait_dma2 semaphore(%run_scoped3A : memref<!tpu.dma_semaphore, #tpu.memory_space<semaphore_mem>>) src(%dma_wait3A_37 : memref<256xi32, #tpu.memory_space<hbm>>) dst(%arg8 : memref<256xi32, #tpu.memory_space<vmem>>)
      tpu.yield
    }) : () -> ()
    %dma_start3A_19 = arith.constant 0 : i32
    %dma_start3A_20 = arith.constant 0 : i32
    %dma_start3A_21 = tpu.memref_slice %arg3[%dma_start3A_19, %dma_start3A_20] : memref<1000000x64xf32, #tpu.memory_space<hbm>> -> memref<1000000x64xf32, #tpu.memory_space<hbm>>
    tpu.enqueue_indirect_dma source(%dma_start3A_21 : memref<1000000x64xf32, #tpu.memory_space<hbm>>) target(%arg12 : memref<256x64xf32, #tpu.memory_space<vmem>>) offsets(%arg8 : memref<256xi32, #tpu.memory_space<vmem>>) semaphore(%arg18 : memref<!tpu.dma_semaphore, #tpu.memory_space<semaphore_mem>>)
    %scan3A = arith.constant 0 : i32
    %scan3A_22 = arith.constant 0 : i32
    %scan3A_23 = arith.constant 25 : i32
    %scan3A_24 = arith.addi %scan3A_22, %scan3A_23 : i32
    %scan3A_25 = arith.constant 1 : i32
    scf.for %scan3A_34 = %scan3A_22 to %scan3A_24 step %scan3A_25  : i32 {
      %mul3A_35 = arith.constant 4 : i32
      %mul3A_36 = arith.muli %scan3A_34, %mul3A_35 : i32
      %add3A_37 = arith.constant 0 : i32
      %add3A_38 = arith.addi %mul3A_36, %add3A_37 : i32
      %dma_wait3A_39 = arith.constant 0 : i32
      %dma_wait3A_40 = arith.constant 0 : i32
      %dma_wait3A_41 = tpu.memref_slice %arg3[%dma_wait3A_39, %dma_wait3A_40] : memref<1000000x64xf32, #tpu.memory_space<hbm>> -> memref<1000000x64xf32, #tpu.memory_space<hbm>>
      tpu.wait_indirect_dma semaphore(%arg15 : memref<!tpu.dma_semaphore, #tpu.memory_space<semaphore_mem>>) src(%dma_wait3A_41 : memref<1000000x64xf32, #tpu.memory_space<hbm>>) dst(%arg9 : memref<256x64xf32, #tpu.memory_space<vmem>>)
      %gt3A = arith.constant 0 : i32
      %gt3A_42 = arith.cmpi sgt, %scan3A_34, %gt3A : i32
      %convert_element_type3A = arith.extui %gt3A_42 : i1 to i32
      %cond3A = arith.constant 0 : i32
      %cond3A_43 = arith.cmpi ne, %convert_element_type3A, %cond3A : i32
      scf.if %cond3A_43 {
        %dma_wait3A_149 = arith.constant 0 : i32
        %dma_wait3A_150 = tpu.memref_slice %arg4[%mul3A_2, %dma_wait3A_149] : memref<819200x64xf32, #tpu.memory_space<hbm>> -> memref<256x64xf32, #tpu.memory_space<hbm>>
        %dma_wait3A_151 = arith.constant 0 : i32
        %dma_wait3A_152 = tpu.memref_slice %arg4[%mul3A_2, %dma_wait3A_151] : memref<819200x64xf32, #tpu.memory_space<hbm>> -> memref<256x64xf32, #tpu.memory_space<hbm>>
        tpu.wait_dma2 semaphore(%arg19 : memref<!tpu.dma_semaphore, #tpu.memory_space<semaphore_mem>>) src(%arg13 : memref<256x64xf32, #tpu.memory_space<vmem>>) dst(%dma_wait3A_152 : memref<256x64xf32, #tpu.memory_space<hbm>>)
      } else {
      }
      %scan3A_44 = arith.constant 0 : i32
      %scan3A_45 = arith.constant 0 : i32
      %scan3A_46 = arith.constant 32 : i32
      %scan3A_47 = arith.addi %scan3A_45, %scan3A_46 : i32
      %scan3A_48 = arith.constant 1 : i32
      scf.for %scan3A_149 = %scan3A_45 to %scan3A_47 step %scan3A_48  : i32 {
        %mul3A_150 = arith.constant 8 : i32
        %mul3A_151 = arith.muli %scan3A_149, %mul3A_150 : i32
        %add3A_152 = arith.constant 0 : i32
        %add3A_153 = arith.addi %mul3A_151, %add3A_152 : i32
        %get3A = arith.index_cast %add3A_153 : i32 to index
        %get3A_154 = arith.constant 0 : index
        %get3A_155 = tpu.vector_load %arg9[%get3A, %get3A_154] {strides = array<i32>} : memref<256x64xf32, #tpu.memory_space<vmem>>, vector<1x16xf32>,
        %get3A_156 = vector.shape_cast %get3A_155 : vector<1x16xf32> to vector<16xf32>
        %mul3A_157 = arith.constant 8.000000e+00 : f32
        %mul3A_158 = vector.broadcast %mul3A_157 : f32 to vector<16xf32>
        %mul3A_159 = arith.mulf %get3A_156, %mul3A_158 : vector<16xf32>
        %add3A_160 = arith.constant 0 : i32
        %add3A_161 = arith.addi %mul3A_151, %add3A_160 : i32
        %swap3A = arith.index_cast %add3A_161 : i32 to index
        %swap3A_162 = arith.constant 0 : index
        %swap3A_163 = tpu.vector_load %arg13[%swap3A, %swap3A_162] {strides = array<i32>} : memref<256x64xf32, #tpu.memory_space<vmem>>, vector<1x16xf32>,
        %swap3A_164 = vector.shape_cast %swap3A_163 : vector<1x16xf32> to vector<16xf32>
        %swap3A_165 = vector.shape_cast %mul3A_159 : vector<16xf32> to vector<1x16xf32>
        tpu.vector_store %arg13[%swap3A, %swap3A_162], %swap3A_165 {strides = array<i32>} : memref<256x64xf32, #tpu.memory_space<vmem>>, vector<1x16xf32>,
        %add3A_166 = arith.constant 0 : i32
        %add3A_167 = arith.addi %mul3A_151, %add3A_166 : i32
        %get3A_168 = arith.index_cast %add3A_167 : i32 to index
        %get3A_169 = arith.constant 16 : index
        %get3A_170 = tpu.vector_load %arg9[%get3A_168, %get3A_169] {strides = array<i32>} : memref<256x64xf32, #tpu.memory_space<vmem>>, vector<1x16xf32>,
        %get3A_171 = vector.shape_cast %get3A_170 : vector<1x16xf32> to vector<16xf32>
        %mul3A_172 = arith.constant 8.000000e+00 : f32
        %mul3A_173 = vector.broadcast %mul3A_172 : f32 to vector<16xf32>
        %mul3A_174 = arith.mulf %get3A_171, %mul3A_173 : vector<16xf32>
        %add3A_175 = arith.constant 0 : i32
        %add3A_176 = arith.addi %mul3A_151, %add3A_175 : i32
        %swap3A_177 = arith.index_cast %add3A_176 : i32 to index
        %swap3A_178 = arith.constant 16 : index
        %swap3A_179 = tpu.vector_load %arg13[%swap3A_177, %swap3A_178] {strides = array<i32>} : memref<256x64xf32, #tpu.memory_space<vmem>>, vector<1x16xf32>,
        %swap3A_180 = vector.shape_cast %swap3A_179 : vector<1x16xf32> to vector<16xf32>
        %swap3A_181 = vector.shape_cast %mul3A_174 : vector<16xf32> to vector<1x16xf32>
        tpu.vector_store %arg13[%swap3A_177, %swap3A_178], %swap3A_181 {strides = array<i32>} : memref<256x64xf32, #tpu.memory_space<vmem>>, vector<1x16xf32>,
        %add3A_182 = arith.constant 0 : i32
        %add3A_183 = arith.addi %mul3A_151, %add3A_182 : i32
        %get3A_184 = arith.index_cast %add3A_183 : i32 to index
        %get3A_185 = arith.constant 32 : index
        %get3A_186 = tpu.vector_load %arg9[%get3A_184, %get3A_185] {strides = array<i32>} : memref<256x64xf32, #tpu.memory_space<vmem>>, vector<1x16xf32>,
        %get3A_187 = vector.shape_cast %get3A_186 : vector<1x16xf32> to vector<16xf32>
        %mul3A_188 = arith.constant 8.000000e+00 : f32
        %mul3A_189 = vector.broadcast %mul3A_188 : f32 to vector<16xf32>
        %mul3A_190 = arith.mulf %get3A_187, %mul3A_189 : vector<16xf32>
        %add3A_191 = arith.constant 0 : i32
        %add3A_192 = arith.addi %mul3A_151, %add3A_191 : i32
        %swap3A_193 = arith.index_cast %add3A_192 : i32 to index
        %swap3A_194 = arith.constant 32 : index
        %swap3A_195 = tpu.vector_load %arg13[%swap3A_193, %swap3A_194] {strides = array<i32>} : memref<256x64xf32, #tpu.memory_space<vmem>>, vector<1x16xf32>,
        %swap3A_196 = vector.shape_cast %swap3A_195 : vector<1x16xf32> to vector<16xf32>
        %swap3A_197 = vector.shape_cast %mul3A_190 : vector<16xf32> to vector<1x16xf32>
        tpu.vector_store %arg13[%swap3A_193, %swap3A_194], %swap3A_197 {strides = array<i32>} : memref<256x64xf32, #tpu.memory_space<vmem>>, vector<1x16xf32>,
        %add3A_198 = arith.constant 0 : i32
        %add3A_199 = arith.addi %mul3A_151, %add3A_198 : i32
        %get3A_200 = arith.index_cast %add3A_199 : i32 to index
        %get3A_201 = arith.constant 48 : index
        %get3A_202 = tpu.vector_load %arg9[%get3A_200, %get3A_201] {strides = array<i32>} : memref<256x64xf32, #tpu.memory_space<vmem>>, vector<1x16xf32>,
        %get3A_203 = vector.shape_cast %get3A_202 : vector<1x16xf32> to vector<16xf32>
        %mul3A_204 = arith.constant 8.000000e+00 : f32
        %mul3A_205 = vector.broadcast %mul3A_204 : f32 to vector<16xf32>
        %mul3A_206 = arith.mulf %get3A_203, %mul3A_205 : vector<16xf32>
        %add3A_207 = arith.constant 0 : i32
        %add3A_208 = arith.addi %mul3A_151, %add3A_207 : i32
        %swap3A_209 = arith.index_cast %add3A_208 : i32 to index
        %swap3A_210 = arith.constant 48 : index
        %swap3A_211 = tpu.vector_load %arg13[%swap3A_209, %swap3A_210] {strides = array<i32>} : memref<256x64xf32, #tpu.memory_space<vmem>>, vector<1x16xf32>,
        %swap3A_212 = vector.shape_cast %swap3A_211 : vector<1x16xf32> to vector<16xf32>
        %swap3A_213 = vector.shape_cast %mul3A_206 : vector<16xf32> to vector<1x16xf32>
        tpu.vector_store %arg13[%swap3A_209, %swap3A_210], %swap3A_213 {strides = array<i32>} : memref<256x64xf32, #tpu.memory_space<vmem>>, vector<1x16xf32>,
        %add3A_214 = arith.constant 1 : i32
        %add3A_215 = arith.addi %mul3A_151, %add3A_214 : i32
        %get3A_216 = arith.index_cast %add3A_215 : i32 to index
        %get3A_217 = arith.constant 0 : index
        %get3A_218 = tpu.vector_load %arg9[%get3A_216, %get3A_217] {strides = array<i32>} : memref<256x64xf32, #tpu.memory_space<vmem>>, vector<1x16xf32>,
        %get3A_219 = vector.shape_cast %get3A_218 : vector<1x16xf32> to vector<16xf32>
        %mul3A_220 = arith.constant 8.000000e+00 : f32
        %mul3A_221 = vector.broadcast %mul3A_220 : f32 to vector<16xf32>
        %mul3A_222 = arith.mulf %get3A_219, %mul3A_221 : vector<16xf32>
        %add3A_223 = arith.constant 1 : i32
        %add3A_224 = arith.addi %mul3A_151, %add3A_223 : i32
        %swap3A_225 = arith.index_cast %add3A_224 : i32 to index
        %swap3A_226 = arith.constant 0 : index
        %swap3A_227 = tpu.vector_load %arg13[%swap3A_225, %swap3A_226] {strides = array<i32>} : memref<256x64xf32, #tpu.memory_space<vmem>>, vector<1x16xf32>,
        %swap3A_228 = vector.shape_cast %swap3A_227 : vector<1x16xf32> to vector<16xf32>
        %swap3A_229 = vector.shape_cast %mul3A_222 : vector<16xf32> to vector<1x16xf32>
        tpu.vector_store %arg13[%swap3A_225, %swap3A_226], %swap3A_229 {strides = array<i32>} : memref<256x64xf32, #tpu.memory_space<vmem>>, vector<1x16xf32>,
        %add3A_230 = arith.constant 1 : i32
        %add3A_231 = arith.addi %mul3A_151, %add3A_230 : i32
        %get3A_232 = arith.index_cast %add3A_231 : i32 to index
        %get3A_233 = arith.constant 16 : index
        %get3A_234 = tpu.vector_load %arg9[%get3A_232, %get3A_233] {strides = array<i32>} : memref<256x64xf32, #tpu.memory_space<vmem>>, vector<1x16xf32>,
        %get3A_235 = vector.shape_cast %get3A_234 : vector<1x16xf32> to vector<16xf32>
        %mul3A_236 = arith.constant 8.000000e+00 : f32
        %mul3A_237 = vector.broadcast %mul3A_236 : f32 to vector<16xf32>
        %mul3A_238 = arith.mulf %get3A_235, %mul3A_237 : vector<16xf32>
        %add3A_239 = arith.constant 1 : i32
        %add3A_240 = arith.addi %mul3A_151, %add3A_239 : i32
        %swap3A_241 = arith.index_cast %add3A_240 : i32 to index
        %swap3A_242 = arith.constant 16 : index
        %swap3A_243 = tpu.vector_load %arg13[%swap3A_241, %swap3A_242] {strides = array<i32>} : memref<256x64xf32, #tpu.memory_space<vmem>>, vector<1x16xf32>,
        %swap3A_244 = vector.shape_cast %swap3A_243 : vector<1x16xf32> to vector<16xf32>
        %swap3A_245 = vector.shape_cast %mul3A_238 : vector<16xf32> to vector<1x16xf32>
        tpu.vector_store %arg13[%swap3A_241, %swap3A_242], %swap3A_245 {strides = array<i32>} : memref<256x64xf32, #tpu.memory_space<vmem>>, vector<1x16xf32>,
        %add3A_246 = arith.constant 1 : i32
        %add3A_247 = arith.addi %mul3A_151, %add3A_246 : i32
        %get3A_248 = arith.index_cast %add3A_247 : i32 to index
        %get3A_249 = arith.constant 32 : index
        %get3A_250 = tpu.vector_load %arg9[%get3A_248, %get3A_249] {strides = array<i32>} : memref<256x64xf32, #tpu.memory_space<vmem>>, vector<1x16xf32>,
        %get3A_251 = vector.shape_cast %get3A_250 : vector<1x16xf32> to vector<16xf32>
        %mul3A_252 = arith.constant 8.000000e+00 : f32
        %mul3A_253 = vector.broadcast %mul3A_252 : f32 to vector<16xf32>
        %mul3A_254 = arith.mulf %get3A_251, %mul3A_253 : vector<16xf32>
        %add3A_255 = arith.constant 1 : i32
        %add3A_256 = arith.addi %mul3A_151, %add3A_255 : i32
        %swap3A_257 = arith.index_cast %add3A_256 : i32 to index
        %swap3A_258 = arith.constant 32 : index
        %swap3A_259 = tpu.vector_load %arg13[%swap3A_257, %swap3A_258] {strides = array<i32>} : memref<256x64xf32, #tpu.memory_space<vmem>>, vector<1x16xf32>,
        %swap3A_260 = vector.shape_cast %swap3A_259 : vector<1x16xf32> to vector<16xf32>
        %swap3A_261 = vector.shape_cast %mul3A_254 : vector<16xf32> to vector<1x16xf32>
        tpu.vector_store %arg13[%swap3A_257, %swap3A_258], %swap3A_261 {strides = array<i32>} : memref<256x64xf32, #tpu.memory_space<vmem>>, vector<1x16xf32>,
        %add3A_262 = arith.constant 1 : i32
        %add3A_263 = arith.addi %mul3A_151, %add3A_262 : i32
        %get3A_264 = arith.index_cast %add3A_263 : i32 to index
        %get3A_265 = arith.constant 48 : index
        %get3A_266 = tpu.vector_load %arg9[%get3A_264, %get3A_265] {strides = array<i32>} : memref<256x64xf32, #tpu.memory_space<vmem>>, vector<1x16xf32>,
        %get3A_267 = vector.shape_cast %get3A_266 : vector<1x16xf32> to vector<16xf32>
        %mul3A_268 = arith.constant 8.000000e+00 : f32
        %mul3A_269 = vector.broadcast %mul3A_268 : f32 to vector<16xf32>
        %mul3A_270 = arith.mulf %get3A_267, %mul3A_269 : vector<16xf32>
        %add3A_271 = arith.constant 1 : i32
        %add3A_272 = arith.addi %mul3A_151, %add3A_271 : i32
        %swap3A_273 = arith.index_cast %add3A_272 : i32 to index
        %swap3A_274 = arith.constant 48 : index
        %swap3A_275 = tpu.vector_load %arg13[%swap3A_273, %swap3A_274] {strides = array<i32>} : memref<256x64xf32, #tpu.memory_space<vmem>>, vector<1x16xf32>,
        %swap3A_276 = vector.shape_cast %swap3A_275 : vector<1x16xf32> to vector<16xf32>
        %swap3A_277 = vector.shape_cast %mul3A_270 : vector<16xf32> to vector<1x16xf32>
        tpu.vector_store %arg13[%swap3A_273, %swap3A_274], %swap3A_277 {strides = array<i32>} : memref<256x64xf32, #tpu.memory_space<vmem>>, vector<1x16xf32>,
        %add3A_278 = arith.constant 2 : i32
        %add3A_279 = arith.addi %mul3A_151, %add3A_278 : i32
        %get3A_280 = arith.index_cast %add3A_279 : i32 to index
        %get3A_281 = arith.constant 0 : index
        %get3A_282 = tpu.vector_load %arg9[%get3A_280, %get3A_281] {strides = array<i32>} : memref<256x64xf32, #tpu.memory_space<vmem>>, vector<1x16xf32>,
        %get3A_283 = vector.shape_cast %get3A_282 : vector<1x16xf32> to vector<16xf32>
        %mul3A_284 = arith.constant 8.000000e+00 : f32
        %mul3A_285 = vector.broadcast %mul3A_284 : f32 to vector<16xf32>
        %mul3A_286 = arith.mulf %get3A_283, %mul3A_285 : vector<16xf32>
        %add3A_287 = arith.constant 2 : i32
        %add3A_288 = arith.addi %mul3A_151, %add3A_287 : i32
        %swap3A_289 = arith.index_cast %add3A_288 : i32 to index
        %swap3A_290 = arith.constant 0 : index
        %swap3A_291 = tpu.vector_load %arg13[%swap3A_289, %swap3A_290] {strides = array<i32>} : memref<256x64xf32, #tpu.memory_space<vmem>>, vector<1x16xf32>,
        %swap3A_292 = vector.shape_cast %swap3A_291 : vector<1x16xf32> to vector<16xf32>
        %swap3A_293 = vector.shape_cast %mul3A_286 : vector<16xf32> to vector<1x16xf32>
        tpu.vector_store %arg13[%swap3A_289, %swap3A_290], %swap3A_293 {strides = array<i32>} : memref<256x64xf32, #tpu.memory_space<vmem>>, vector<1x16xf32>,
        %add3A_294 = arith.constant 2 : i32
        %add3A_295 = arith.addi %mul3A_151, %add3A_294 : i32
        %get3A_296 = arith.index_cast %add3A_295 : i32 to index
        %get3A_297 = arith.constant 16 : index
        %get3A_298 = tpu.vector_load %arg9[%get3A_296, %get3A_297] {strides = array<i32>} : memref<256x64xf32, #tpu.memory_space<vmem>>, vector<1x16xf32>,
        %get3A_299 = vector.shape_cast %get3A_298 : vector<1x16xf32> to vector<16xf32>
        %mul3A_300 = arith.constant 8.000000e+00 : f32
        %mul3A_301 = vector.broadcast %mul3A_300 : f32 to vector<16xf32>
        %mul3A_302 = arith.mulf %get3A_299, %mul3A_301 : vector<16xf32>
        %add3A_303 = arith.constant 2 : i32
        %add3A_304 = arith.addi %mul3A_151, %add3A_303 : i32
        %swap3A_305 = arith.index_cast %add3A_304 : i32 to index
        %swap3A_306 = arith.constant 16 : index
        %swap3A_307 = tpu.vector_load %arg13[%swap3A_305, %swap3A_306] {strides = array<i32>} : memref<256x64xf32, #tpu.memory_space<vmem>>, vector<1x16xf32>,
        %swap3A_308 = vector.shape_cast %swap3A_307 : vector<1x16xf32> to vector<16xf32>
        %swap3A_309 = vector.shape_cast %mul3A_302 : vector<16xf32> to vector<1x16xf32>
        tpu.vector_store %arg13[%swap3A_305, %swap3A_306], %swap3A_309 {strides = array<i32>} : memref<256x64xf32, #tpu.memory_space<vmem>>, vector<1x16xf32>,
        %add3A_310 = arith.constant 2 : i32
        %add3A_311 = arith.addi %mul3A_151, %add3A_310 : i32
        %get3A_312 = arith.index_cast %add3A_311 : i32 to index
        %get3A_313 = arith.constant 32 : index
        %get3A_314 = tpu.vector_load %arg9[%get3A_312, %get3A_313] {strides = array<i32>} : memref<256x64xf32, #tpu.memory_space<vmem>>, vector<1x16xf32>,
        %get3A_315 = vector.shape_cast %get3A_314 : vector<1x16xf32> to vector<16xf32>
        %mul3A_316 = arith.constant 8.000000e+00 : f32
        %mul3A_317 = vector.broadcast %mul3A_316 : f32 to vector<16xf32>
        %mul3A_318 = arith.mulf %get3A_315, %mul3A_317 : vector<16xf32>
        %add3A_319 = arith.constant 2 : i32
        %add3A_320 = arith.addi %mul3A_151, %add3A_319 : i32
        %swap3A_321 = arith.index_cast %add3A_320 : i32 to index
        %swap3A_322 = arith.constant 32 : index
        %swap3A_323 = tpu.vector_load %arg13[%swap3A_321, %swap3A_322] {strides = array<i32>} : memref<256x64xf32, #tpu.memory_space<vmem>>, vector<1x16xf32>,
        %swap3A_324 = vector.shape_cast %swap3A_323 : vector<1x16xf32> to vector<16xf32>
        %swap3A_325 = vector.shape_cast %mul3A_318 : vector<16xf32> to vector<1x16xf32>
        tpu.vector_store %arg13[%swap3A_321, %swap3A_322], %swap3A_325 {strides = array<i32>} : memref<256x64xf32, #tpu.memory_space<vmem>>, vector<1x16xf32>,
        %add3A_326 = arith.constant 2 : i32
        %add3A_327 = arith.addi %mul3A_151, %add3A_326 : i32
        %get3A_328 = arith.index_cast %add3A_327 : i32 to index
        %get3A_329 = arith.constant 48 : index
        %get3A_330 = tpu.vector_load %arg9[%get3A_328, %get3A_329] {strides = array<i32>} : memref<256x64xf32, #tpu.memory_space<vmem>>, vector<1x16xf32>,
        %get3A_331 = vector.shape_cast %get3A_330 : vector<1x16xf32> to vector<16xf32>
        %mul3A_332 = arith.constant 8.000000e+00 : f32
        %mul3A_333 = vector.broadcast %mul3A_332 : f32 to vector<16xf32>
        %mul3A_334 = arith.mulf %get3A_331, %mul3A_333 : vector<16xf32>
        %add3A_335 = arith.constant 2 : i32
        %add3A_336 = arith.addi %mul3A_151, %add3A_335 : i32
        %swap3A_337 = arith.index_cast %add3A_336 : i32 to index
        %swap3A_338 = arith.constant 48 : index
        %swap3A_339 = tpu.vector_load %arg13[%swap3A_337, %swap3A_338] {strides = array<i32>} : memref<256x64xf32, #tpu.memory_space<vmem>>, vector<1x16xf32>,
        %swap3A_340 = vector.shape_cast %swap3A_339 : vector<1x16xf32> to vector<16xf32>
        %swap3A_341 = vector.shape_cast %mul3A_334 : vector<16xf32> to vector<1x16xf32>
        tpu.vector_store %arg13[%swap3A_337, %swap3A_338], %swap3A_341 {strides = array<i32>} : memref<256x64xf32, #tpu.memory_space<vmem>>, vector<1x16xf32>,
        %add3A_342 = arith.constant 3 : i32
        %add3A_343 = arith.addi %mul3A_151, %add3A_342 : i32
        %get3A_344 = arith.index_cast %add3A_343 : i32 to index
        %get3A_345 = arith.constant 0 : index
        %get3A_346 = tpu.vector_load %arg9[%get3A_344, %get3A_345] {strides = array<i32>} : memref<256x64xf32, #tpu.memory_space<vmem>>, vector<1x16xf32>,
        %get3A_347 = vector.shape_cast %get3A_346 : vector<1x16xf32> to vector<16xf32>
        %mul3A_348 = arith.constant 8.000000e+00 : f32
        %mul3A_349 = vector.broadcast %mul3A_348 : f32 to vector<16xf32>
        %mul3A_350 = arith.mulf %get3A_347, %mul3A_349 : vector<16xf32>
        %add3A_351 = arith.constant 3 : i32
        %add3A_352 = arith.addi %mul3A_151, %add3A_351 : i32
        %swap3A_353 = arith.index_cast %add3A_352 : i32 to index
        %swap3A_354 = arith.constant 0 : index
        %swap3A_355 = tpu.vector_load %arg13[%swap3A_353, %swap3A_354] {strides = array<i32>} : memref<256x64xf32, #tpu.memory_space<vmem>>, vector<1x16xf32>,
        %swap3A_356 = vector.shape_cast %swap3A_355 : vector<1x16xf32> to vector<16xf32>
        %swap3A_357 = vector.shape_cast %mul3A_350 : vector<16xf32> to vector<1x16xf32>
        tpu.vector_store %arg13[%swap3A_353, %swap3A_354], %swap3A_357 {strides = array<i32>} : memref<256x64xf32, #tpu.memory_space<vmem>>, vector<1x16xf32>,
        %add3A_358 = arith.constant 3 : i32
        %add3A_359 = arith.addi %mul3A_151, %add3A_358 : i32
        %get3A_360 = arith.index_cast %add3A_359 : i32 to index
        %get3A_361 = arith.constant 16 : index
        %get3A_362 = tpu.vector_load %arg9[%get3A_360, %get3A_361] {strides = array<i32>} : memref<256x64xf32, #tpu.memory_space<vmem>>, vector<1x16xf32>,
        %get3A_363 = vector.shape_cast %get3A_362 : vector<1x16xf32> to vector<16xf32>
        %mul3A_364 = arith.constant 8.000000e+00 : f32
        %mul3A_365 = vector.broadcast %mul3A_364 : f32 to vector<16xf32>
        %mul3A_366 = arith.mulf %get3A_363, %mul3A_365 : vector<16xf32>
        %add3A_367 = arith.constant 3 : i32
        %add3A_368 = arith.addi %mul3A_151, %add3A_367 : i32
        %swap3A_369 = arith.index_cast %add3A_368 : i32 to index
        %swap3A_370 = arith.constant 16 : index
        %swap3A_371 = tpu.vector_load %arg13[%swap3A_369, %swap3A_370] {strides = array<i32>} : memref<256x64xf32, #tpu.memory_space<vmem>>, vector<1x16xf32>,
        %swap3A_372 = vector.shape_cast %swap3A_371 : vector<1x16xf32> to vector<16xf32>
        %swap3A_373 = vector.shape_cast %mul3A_366 : vector<16xf32> to vector<1x16xf32>
        tpu.vector_store %arg13[%swap3A_369, %swap3A_370], %swap3A_373 {strides = array<i32>} : memref<256x64xf32, #tpu.memory_space<vmem>>, vector<1x16xf32>,
        %add3A_374 = arith.constant 3 : i32
        %add3A_375 = arith.addi %mul3A_151, %add3A_374 : i32
        %get3A_376 = arith.index_cast %add3A_375 : i32 to index
        %get3A_377 = arith.constant 32 : index
        %get3A_378 = tpu.vector_load %arg9[%get3A_376, %get3A_377] {strides = array<i32>} : memref<256x64xf32, #tpu.memory_space<vmem>>, vector<1x16xf32>,
        %get3A_379 = vector.shape_cast %get3A_378 : vector<1x16xf32> to vector<16xf32>
        %mul3A_380 = arith.constant 8.000000e+00 : f32
        %mul3A_381 = vector.broadcast %mul3A_380 : f32 to vector<16xf32>
        %mul3A_382 = arith.mulf %get3A_379, %mul3A_381 : vector<16xf32>
        %add3A_383 = arith.constant 3 : i32
        %add3A_384 = arith.addi %mul3A_151, %add3A_383 : i32
        %swap3A_385 = arith.index_cast %add3A_384 : i32 to index
        %swap3A_386 = arith.constant 32 : index
        %swap3A_387 = tpu.vector_load %arg13[%swap3A_385, %swap3A_386] {strides = array<i32>} : memref<256x64xf32, #tpu.memory_space<vmem>>, vector<1x16xf32>,
        %swap3A_388 = vector.shape_cast %swap3A_387 : vector<1x16xf32> to vector<16xf32>
        %swap3A_389 = vector.shape_cast %mul3A_382 : vector<16xf32> to vector<1x16xf32>
        tpu.vector_store %arg13[%swap3A_385, %swap3A_386], %swap3A_389 {strides = array<i32>} : memref<256x64xf32, #tpu.memory_space<vmem>>, vector<1x16xf32>,
        %add3A_390 = arith.constant 3 : i32
        %add3A_391 = arith.addi %mul3A_151, %add3A_390 : i32
        %get3A_392 = arith.index_cast %add3A_391 : i32 to index
        %get3A_393 = arith.constant 48 : index
        %get3A_394 = tpu.vector_load %arg9[%get3A_392, %get3A_393] {strides = array<i32>} : memref<256x64xf32, #tpu.memory_space<vmem>>, vector<1x16xf32>,
        %get3A_395 = vector.shape_cast %get3A_394 : vector<1x16xf32> to vector<16xf32>
        %mul3A_396 = arith.constant 8.000000e+00 : f32
        %mul3A_397 = vector.broadcast %mul3A_396 : f32 to vector<16xf32>
        %mul3A_398 = arith.mulf %get3A_395, %mul3A_397 : vector<16xf32>
        %add3A_399 = arith.constant 3 : i32
        %add3A_400 = arith.addi %mul3A_151, %add3A_399 : i32
        %swap3A_401 = arith.index_cast %add3A_400 : i32 to index
        %swap3A_402 = arith.constant 48 : index
        %swap3A_403 = tpu.vector_load %arg13[%swap3A_401, %swap3A_402] {strides = array<i32>} : memref<256x64xf32, #tpu.memory_space<vmem>>, vector<1x16xf32>,
        %swap3A_404 = vector.shape_cast %swap3A_403 : vector<1x16xf32> to vector<16xf32>
        %swap3A_405 = vector.shape_cast %mul3A_398 : vector<16xf32> to vector<1x16xf32>
        tpu.vector_store %arg13[%swap3A_401, %swap3A_402], %swap3A_405 {strides = array<i32>} : memref<256x64xf32, #tpu.memory_space<vmem>>, vector<1x16xf32>,
        %add3A_406 = arith.constant 4 : i32
        %add3A_407 = arith.addi %mul3A_151, %add3A_406 : i32
        %get3A_408 = arith.index_cast %add3A_407 : i32 to index
        %get3A_409 = arith.constant 0 : index
        %get3A_410 = tpu.vector_load %arg9[%get3A_408, %get3A_409] {strides = array<i32>} : memref<256x64xf32, #tpu.memory_space<vmem>>, vector<1x16xf32>,
        %get3A_411 = vector.shape_cast %get3A_410 : vector<1x16xf32> to vector<16xf32>
        %mul3A_412 = arith.constant 8.000000e+00 : f32
        %mul3A_413 = vector.broadcast %mul3A_412 : f32 to vector<16xf32>
        %mul3A_414 = arith.mulf %get3A_411, %mul3A_413 : vector<16xf32>
        %add3A_415 = arith.constant 4 : i32
        %add3A_416 = arith.addi %mul3A_151, %add3A_415 : i32
        %swap3A_417 = arith.index_cast %add3A_416 : i32 to index
        %swap3A_418 = arith.constant 0 : index
        %swap3A_419 = tpu.vector_load %arg13[%swap3A_417, %swap3A_418] {strides = array<i32>} : memref<256x64xf32, #tpu.memory_space<vmem>>, vector<1x16xf32>,
        %swap3A_420 = vector.shape_cast %swap3A_419 : vector<1x16xf32> to vector<16xf32>
        %swap3A_421 = vector.shape_cast %mul3A_414 : vector<16xf32> to vector<1x16xf32>
        tpu.vector_store %arg13[%swap3A_417, %swap3A_418], %swap3A_421 {strides = array<i32>} : memref<256x64xf32, #tpu.memory_space<vmem>>, vector<1x16xf32>,
        %add3A_422 = arith.constant 4 : i32
        %add3A_423 = arith.addi %mul3A_151, %add3A_422 : i32
        %get3A_424 = arith.index_cast %add3A_423 : i32 to index
        %get3A_425 = arith.constant 16 : index
        %get3A_426 = tpu.vector_load %arg9[%get3A_424, %get3A_425] {strides = array<i32>} : memref<256x64xf32, #tpu.memory_space<vmem>>, vector<1x16xf32>,
        %get3A_427 = vector.shape_cast %get3A_426 : vector<1x16xf32> to vector<16xf32>
        %mul3A_428 = arith.constant 8.000000e+00 : f32
        %mul3A_429 = vector.broadcast %mul3A_428 : f32 to vector<16xf32>
        %mul3A_430 = arith.mulf %get3A_427, %mul3A_429 : vector<16xf32>
        %add3A_431 = arith.constant 4 : i32
        %add3A_432 = arith.addi %mul3A_151, %add3A_431 : i32
        %swap3A_433 = arith.index_cast %add3A_432 : i32 to index
        %swap3A_434 = arith.constant 16 : index
        %swap3A_435 = tpu.vector_load %arg13[%swap3A_433, %swap3A_434] {strides = array<i32>} : memref<256x64xf32, #tpu.memory_space<vmem>>, vector<1x16xf32>,
        %swap3A_436 = vector.shape_cast %swap3A_435 : vector<1x16xf32> to vector<16xf32>
        %swap3A_437 = vector.shape_cast %mul3A_430 : vector<16xf32> to vector<1x16xf32>
        tpu.vector_store %arg13[%swap3A_433, %swap3A_434], %swap3A_437 {strides = array<i32>} : memref<256x64xf32, #tpu.memory_space<vmem>>, vector<1x16xf32>,
        %add3A_438 = arith.constant 4 : i32
        %add3A_439 = arith.addi %mul3A_151, %add3A_438 : i32
        %get3A_440 = arith.index_cast %add3A_439 : i32 to index
        %get3A_441 = arith.constant 32 : index
        %get3A_442 = tpu.vector_load %arg9[%get3A_440, %get3A_441] {strides = array<i32>} : memref<256x64xf32, #tpu.memory_space<vmem>>, vector<1x16xf32>,
        %get3A_443 = vector.shape_cast %get3A_442 : vector<1x16xf32> to vector<16xf32>
        %mul3A_444 = arith.constant 8.000000e+00 : f32
        %mul3A_445 = vector.broadcast %mul3A_444 : f32 to vector<16xf32>
        %mul3A_446 = arith.mulf %get3A_443, %mul3A_445 : vector<16xf32>
        %add3A_447 = arith.constant 4 : i32
        %add3A_448 = arith.addi %mul3A_151, %add3A_447 : i32
        %swap3A_449 = arith.index_cast %add3A_448 : i32 to index
        %swap3A_450 = arith.constant 32 : index
        %swap3A_451 = tpu.vector_load %arg13[%swap3A_449, %swap3A_450] {strides = array<i32>} : memref<256x64xf32, #tpu.memory_space<vmem>>, vector<1x16xf32>,
        %swap3A_452 = vector.shape_cast %swap3A_451 : vector<1x16xf32> to vector<16xf32>
        %swap3A_453 = vector.shape_cast %mul3A_446 : vector<16xf32> to vector<1x16xf32>
        tpu.vector_store %arg13[%swap3A_449, %swap3A_450], %swap3A_453 {strides = array<i32>} : memref<256x64xf32, #tpu.memory_space<vmem>>, vector<1x16xf32>,
        %add3A_454 = arith.constant 4 : i32
        %add3A_455 = arith.addi %mul3A_151, %add3A_454 : i32
        %get3A_456 = arith.index_cast %add3A_455 : i32 to index
        %get3A_457 = arith.constant 48 : index
        %get3A_458 = tpu.vector_load %arg9[%get3A_456, %get3A_457] {strides = array<i32>} : memref<256x64xf32, #tpu.memory_space<vmem>>, vector<1x16xf32>,
        %get3A_459 = vector.shape_cast %get3A_458 : vector<1x16xf32> to vector<16xf32>
        %mul3A_460 = arith.constant 8.000000e+00 : f32
        %mul3A_461 = vector.broadcast %mul3A_460 : f32 to vector<16xf32>
        %mul3A_462 = arith.mulf %get3A_459, %mul3A_461 : vector<16xf32>
        %add3A_463 = arith.constant 4 : i32
        %add3A_464 = arith.addi %mul3A_151, %add3A_463 : i32
        %swap3A_465 = arith.index_cast %add3A_464 : i32 to index
        %swap3A_466 = arith.constant 48 : index
        %swap3A_467 = tpu.vector_load %arg13[%swap3A_465, %swap3A_466] {strides = array<i32>} : memref<256x64xf32, #tpu.memory_space<vmem>>, vector<1x16xf32>,
        %swap3A_468 = vector.shape_cast %swap3A_467 : vector<1x16xf32> to vector<16xf32>
        %swap3A_469 = vector.shape_cast %mul3A_462 : vector<16xf32> to vector<1x16xf32>
        tpu.vector_store %arg13[%swap3A_465, %swap3A_466], %swap3A_469 {strides = array<i32>} : memref<256x64xf32, #tpu.memory_space<vmem>>, vector<1x16xf32>,
        %add3A_470 = arith.constant 5 : i32
        %add3A_471 = arith.addi %mul3A_151, %add3A_470 : i32
        %get3A_472 = arith.index_cast %add3A_471 : i32 to index
        %get3A_473 = arith.constant 0 : index
        %get3A_474 = tpu.vector_load %arg9[%get3A_472, %get3A_473] {strides = array<i32>} : memref<256x64xf32, #tpu.memory_space<vmem>>, vector<1x16xf32>,
        %get3A_475 = vector.shape_cast %get3A_474 : vector<1x16xf32> to vector<16xf32>
        %mul3A_476 = arith.constant 8.000000e+00 : f32
        %mul3A_477 = vector.broadcast %mul3A_476 : f32 to vector<16xf32>
        %mul3A_478 = arith.mulf %get3A_475, %mul3A_477 : vector<16xf32>
        %add3A_479 = arith.constant 5 : i32
        %add3A_480 = arith.addi %mul3A_151, %add3A_479 : i32
        %swap3A_481 = arith.index_cast %add3A_480 : i32 to index
        %swap3A_482 = arith.constant 0 : index
        %swap3A_483 = tpu.vector_load %arg13[%swap3A_481, %swap3A_482] {strides = array<i32>} : memref<256x64xf32, #tpu.memory_space<vmem>>, vector<1x16xf32>,
        %swap3A_484 = vector.shape_cast %swap3A_483 : vector<1x16xf32> to vector<16xf32>
        %swap3A_485 = vector.shape_cast %mul3A_478 : vector<16xf32> to vector<1x16xf32>
        tpu.vector_store %arg13[%swap3A_481, %swap3A_482], %swap3A_485 {strides = array<i32>} : memref<256x64xf32, #tpu.memory_space<vmem>>, vector<1x16xf32>,
        %add3A_486 = arith.constant 5 : i32
        %add3A_487 = arith.addi %mul3A_151, %add3A_486 : i32
        %get3A_488 = arith.index_cast %add3A_487 : i32 to index
        %get3A_489 = arith.constant 16 : index
        %get3A_490 = tpu.vector_load %arg9[%get3A_488, %get3A_489] {strides = array<i32>} : memref<256x64xf32, #tpu.memory_space<vmem>>, vector<1x16xf32>,
        %get3A_491 = vector.shape_cast %get3A_490 : vector<1x16xf32> to vector<16xf32>
        %mul3A_492 = arith.constant 8.000000e+00 : f32
        %mul3A_493 = vector.broadcast %mul3A_492 : f32 to vector<16xf32>
        %mul3A_494 = arith.mulf %get3A_491, %mul3A_493 : vector<16xf32>
        %add3A_495 = arith.constant 5 : i32
        %add3A_496 = arith.addi %mul3A_151, %add3A_495 : i32
        %swap3A_497 = arith.index_cast %add3A_496 : i32 to index
        %swap3A_498 = arith.constant 16 : index
        %swap3A_499 = tpu.vector_load %arg13[%swap3A_497, %swap3A_498] {strides = array<i32>} : memref<256x64xf32, #tpu.memory_space<vmem>>, vector<1x16xf32>,
        %swap3A_500 = vector.shape_cast %swap3A_499 : vector<1x16xf32> to vector<16xf32>
        %swap3A_501 = vector.shape_cast %mul3A_494 : vector<16xf32> to vector<1x16xf32>
        tpu.vector_store %arg13[%swap3A_497, %swap3A_498], %swap3A_501 {strides = array<i32>} : memref<256x64xf32, #tpu.memory_space<vmem>>, vector<1x16xf32>,
        %add3A_502 = arith.constant 5 : i32
        %add3A_503 = arith.addi %mul3A_151, %add3A_502 : i32
        %get3A_504 = arith.index_cast %add3A_503 : i32 to index
        %get3A_505 = arith.constant 32 : index
        %get3A_506 = tpu.vector_load %arg9[%get3A_504, %get3A_505] {strides = array<i32>} : memref<256x64xf32, #tpu.memory_space<vmem>>, vector<1x16xf32>,
        %get3A_507 = vector.shape_cast %get3A_506 : vector<1x16xf32> to vector<16xf32>
        %mul3A_508 = arith.constant 8.000000e+00 : f32
        %mul3A_509 = vector.broadcast %mul3A_508 : f32 to vector<16xf32>
        %mul3A_510 = arith.mulf %get3A_507, %mul3A_509 : vector<16xf32>
        %add3A_511 = arith.constant 5 : i32
        %add3A_512 = arith.addi %mul3A_151, %add3A_511 : i32
        %swap3A_513 = arith.index_cast %add3A_512 : i32 to index
        %swap3A_514 = arith.constant 32 : index
        %swap3A_515 = tpu.vector_load %arg13[%swap3A_513, %swap3A_514] {strides = array<i32>} : memref<256x64xf32, #tpu.memory_space<vmem>>, vector<1x16xf32>,
        %swap3A_516 = vector.shape_cast %swap3A_515 : vector<1x16xf32> to vector<16xf32>
        %swap3A_517 = vector.shape_cast %mul3A_510 : vector<16xf32> to vector<1x16xf32>
        tpu.vector_store %arg13[%swap3A_513, %swap3A_514], %swap3A_517 {strides = array<i32>} : memref<256x64xf32, #tpu.memory_space<vmem>>, vector<1x16xf32>,
        %add3A_518 = arith.constant 5 : i32
        %add3A_519 = arith.addi %mul3A_151, %add3A_518 : i32
        %get3A_520 = arith.index_cast %add3A_519 : i32 to index
        %get3A_521 = arith.constant 48 : index
        %get3A_522 = tpu.vector_load %arg9[%get3A_520, %get3A_521] {strides = array<i32>} : memref<256x64xf32, #tpu.memory_space<vmem>>, vector<1x16xf32>,
        %get3A_523 = vector.shape_cast %get3A_522 : vector<1x16xf32> to vector<16xf32>
        %mul3A_524 = arith.constant 8.000000e+00 : f32
        %mul3A_525 = vector.broadcast %mul3A_524 : f32 to vector<16xf32>
        %mul3A_526 = arith.mulf %get3A_523, %mul3A_525 : vector<16xf32>
        %add3A_527 = arith.constant 5 : i32
        %add3A_528 = arith.addi %mul3A_151, %add3A_527 : i32
        %swap3A_529 = arith.index_cast %add3A_528 : i32 to index
        %swap3A_530 = arith.constant 48 : index
        %swap3A_531 = tpu.vector_load %arg13[%swap3A_529, %swap3A_530] {strides = array<i32>} : memref<256x64xf32, #tpu.memory_space<vmem>>, vector<1x16xf32>,
        %swap3A_532 = vector.shape_cast %swap3A_531 : vector<1x16xf32> to vector<16xf32>
        %swap3A_533 = vector.shape_cast %mul3A_526 : vector<16xf32> to vector<1x16xf32>
        tpu.vector_store %arg13[%swap3A_529, %swap3A_530], %swap3A_533 {strides = array<i32>} : memref<256x64xf32, #tpu.memory_space<vmem>>, vector<1x16xf32>,
        %add3A_534 = arith.constant 6 : i32
        %add3A_535 = arith.addi %mul3A_151, %add3A_534 : i32
        %get3A_536 = arith.index_cast %add3A_535 : i32 to index
        %get3A_537 = arith.constant 0 : index
        %get3A_538 = tpu.vector_load %arg9[%get3A_536, %get3A_537] {strides = array<i32>} : memref<256x64xf32, #tpu.memory_space<vmem>>, vector<1x16xf32>,
        %get3A_539 = vector.shape_cast %get3A_538 : vector<1x16xf32> to vector<16xf32>
        %mul3A_540 = arith.constant 8.000000e+00 : f32
        %mul3A_541 = vector.broadcast %mul3A_540 : f32 to vector<16xf32>
        %mul3A_542 = arith.mulf %get3A_539, %mul3A_541 : vector<16xf32>
        %add3A_543 = arith.constant 6 : i32
        %add3A_544 = arith.addi %mul3A_151, %add3A_543 : i32
        %swap3A_545 = arith.index_cast %add3A_544 : i32 to index
        %swap3A_546 = arith.constant 0 : index
        %swap3A_547 = tpu.vector_load %arg13[%swap3A_545, %swap3A_546] {strides = array<i32>} : memref<256x64xf32, #tpu.memory_space<vmem>>, vector<1x16xf32>,
        %swap3A_548 = vector.shape_cast %swap3A_547 : vector<1x16xf32> to vector<16xf32>
        %swap3A_549 = vector.shape_cast %mul3A_542 : vector<16xf32> to vector<1x16xf32>
        tpu.vector_store %arg13[%swap3A_545, %swap3A_546], %swap3A_549 {strides = array<i32>} : memref<256x64xf32, #tpu.memory_space<vmem>>, vector<1x16xf32>,
        %add3A_550 = arith.constant 6 : i32
        %add3A_551 = arith.addi %mul3A_151, %add3A_550 : i32
        %get3A_552 = arith.index_cast %add3A_551 : i32 to index
        %get3A_553 = arith.constant 16 : index
        %get3A_554 = tpu.vector_load %arg9[%get3A_552, %get3A_553] {strides = array<i32>} : memref<256x64xf32, #tpu.memory_space<vmem>>, vector<1x16xf32>,
        %get3A_555 = vector.shape_cast %get3A_554 : vector<1x16xf32> to vector<16xf32>
        %mul3A_556 = arith.constant 8.000000e+00 : f32
        %mul3A_557 = vector.broadcast %mul3A_556 : f32 to vector<16xf32>
        %mul3A_558 = arith.mulf %get3A_555, %mul3A_557 : vector<16xf32>
        %add3A_559 = arith.constant 6 : i32
        %add3A_560 = arith.addi %mul3A_151, %add3A_559 : i32
        %swap3A_561 = arith.index_cast %add3A_560 : i32 to index
        %swap3A_562 = arith.constant 16 : index
        %swap3A_563 = tpu.vector_load %arg13[%swap3A_561, %swap3A_562] {strides = array<i32>} : memref<256x64xf32, #tpu.memory_space<vmem>>, vector<1x16xf32>,
        %swap3A_564 = vector.shape_cast %swap3A_563 : vector<1x16xf32> to vector<16xf32>
        %swap3A_565 = vector.shape_cast %mul3A_558 : vector<16xf32> to vector<1x16xf32>
        tpu.vector_store %arg13[%swap3A_561, %swap3A_562], %swap3A_565 {strides = array<i32>} : memref<256x64xf32, #tpu.memory_space<vmem>>, vector<1x16xf32>,
        %add3A_566 = arith.constant 6 : i32
        %add3A_567 = arith.addi %mul3A_151, %add3A_566 : i32
        %get3A_568 = arith.index_cast %add3A_567 : i32 to index
        %get3A_569 = arith.constant 32 : index
        %get3A_570 = tpu.vector_load %arg9[%get3A_568, %get3A_569] {strides = array<i32>} : memref<256x64xf32, #tpu.memory_space<vmem>>, vector<1x16xf32>,
        %get3A_571 = vector.shape_cast %get3A_570 : vector<1x16xf32> to vector<16xf32>
        %mul3A_572 = arith.constant 8.000000e+00 : f32
        %mul3A_573 = vector.broadcast %mul3A_572 : f32 to vector<16xf32>
        %mul3A_574 = arith.mulf %get3A_571, %mul3A_573 : vector<16xf32>
        %add3A_575 = arith.constant 6 : i32
        %add3A_576 = arith.addi %mul3A_151, %add3A_575 : i32
        %swap3A_577 = arith.index_cast %add3A_576 : i32 to index
        %swap3A_578 = arith.constant 32 : index
        %swap3A_579 = tpu.vector_load %arg13[%swap3A_577, %swap3A_578] {strides = array<i32>} : memref<256x64xf32, #tpu.memory_space<vmem>>, vector<1x16xf32>,
        %swap3A_580 = vector.shape_cast %swap3A_579 : vector<1x16xf32> to vector<16xf32>
        %swap3A_581 = vector.shape_cast %mul3A_574 : vector<16xf32> to vector<1x16xf32>
        tpu.vector_store %arg13[%swap3A_577, %swap3A_578], %swap3A_581 {strides = array<i32>} : memref<256x64xf32, #tpu.memory_space<vmem>>, vector<1x16xf32>,
        %add3A_582 = arith.constant 6 : i32
        %add3A_583 = arith.addi %mul3A_151, %add3A_582 : i32
        %get3A_584 = arith.index_cast %add3A_583 : i32 to index
        %get3A_585 = arith.constant 48 : index
        %get3A_586 = tpu.vector_load %arg9[%get3A_584, %get3A_585] {strides = array<i32>} : memref<256x64xf32, #tpu.memory_space<vmem>>, vector<1x16xf32>,
        %get3A_587 = vector.shape_cast %get3A_586 : vector<1x16xf32> to vector<16xf32>
        %mul3A_588 = arith.constant 8.000000e+00 : f32
        %mul3A_589 = vector.broadcast %mul3A_588 : f32 to vector<16xf32>
        %mul3A_590 = arith.mulf %get3A_587, %mul3A_589 : vector<16xf32>
        %add3A_591 = arith.constant 6 : i32
        %add3A_592 = arith.addi %mul3A_151, %add3A_591 : i32
        %swap3A_593 = arith.index_cast %add3A_592 : i32 to index
        %swap3A_594 = arith.constant 48 : index
        %swap3A_595 = tpu.vector_load %arg13[%swap3A_593, %swap3A_594] {strides = array<i32>} : memref<256x64xf32, #tpu.memory_space<vmem>>, vector<1x16xf32>,
        %swap3A_596 = vector.shape_cast %swap3A_595 : vector<1x16xf32> to vector<16xf32>
        %swap3A_597 = vector.shape_cast %mul3A_590 : vector<16xf32> to vector<1x16xf32>
        tpu.vector_store %arg13[%swap3A_593, %swap3A_594], %swap3A_597 {strides = array<i32>} : memref<256x64xf32, #tpu.memory_space<vmem>>, vector<1x16xf32>,
        %add3A_598 = arith.constant 7 : i32
        %add3A_599 = arith.addi %mul3A_151, %add3A_598 : i32
        %get3A_600 = arith.index_cast %add3A_599 : i32 to index
        %get3A_601 = arith.constant 0 : index
        %get3A_602 = tpu.vector_load %arg9[%get3A_600, %get3A_601] {strides = array<i32>} : memref<256x64xf32, #tpu.memory_space<vmem>>, vector<1x16xf32>,
        %get3A_603 = vector.shape_cast %get3A_602 : vector<1x16xf32> to vector<16xf32>
        %mul3A_604 = arith.constant 8.000000e+00 : f32
        %mul3A_605 = vector.broadcast %mul3A_604 : f32 to vector<16xf32>
        %mul3A_606 = arith.mulf %get3A_603, %mul3A_605 : vector<16xf32>
        %add3A_607 = arith.constant 7 : i32
        %add3A_608 = arith.addi %mul3A_151, %add3A_607 : i32
        %swap3A_609 = arith.index_cast %add3A_608 : i32 to index
        %swap3A_610 = arith.constant 0 : index
        %swap3A_611 = tpu.vector_load %arg13[%swap3A_609, %swap3A_610] {strides = array<i32>} : memref<256x64xf32, #tpu.memory_space<vmem>>, vector<1x16xf32>,
        %swap3A_612 = vector.shape_cast %swap3A_611 : vector<1x16xf32> to vector<16xf32>
        %swap3A_613 = vector.shape_cast %mul3A_606 : vector<16xf32> to vector<1x16xf32>
        tpu.vector_store %arg13[%swap3A_609, %swap3A_610], %swap3A_613 {strides = array<i32>} : memref<256x64xf32, #tpu.memory_space<vmem>>, vector<1x16xf32>,
        %add3A_614 = arith.constant 7 : i32
        %add3A_615 = arith.addi %mul3A_151, %add3A_614 : i32
        %get3A_616 = arith.index_cast %add3A_615 : i32 to index
        %get3A_617 = arith.constant 16 : index
        %get3A_618 = tpu.vector_load %arg9[%get3A_616, %get3A_617] {strides = array<i32>} : memref<256x64xf32, #tpu.memory_space<vmem>>, vector<1x16xf32>,
        %get3A_619 = vector.shape_cast %get3A_618 : vector<1x16xf32> to vector<16xf32>
        %mul3A_620 = arith.constant 8.000000e+00 : f32
        %mul3A_621 = vector.broadcast %mul3A_620 : f32 to vector<16xf32>
        %mul3A_622 = arith.mulf %get3A_619, %mul3A_621 : vector<16xf32>
        %add3A_623 = arith.constant 7 : i32
        %add3A_624 = arith.addi %mul3A_151, %add3A_623 : i32
        %swap3A_625 = arith.index_cast %add3A_624 : i32 to index
        %swap3A_626 = arith.constant 16 : index
        %swap3A_627 = tpu.vector_load %arg13[%swap3A_625, %swap3A_626] {strides = array<i32>} : memref<256x64xf32, #tpu.memory_space<vmem>>, vector<1x16xf32>,
        %swap3A_628 = vector.shape_cast %swap3A_627 : vector<1x16xf32> to vector<16xf32>
        %swap3A_629 = vector.shape_cast %mul3A_622 : vector<16xf32> to vector<1x16xf32>
        tpu.vector_store %arg13[%swap3A_625, %swap3A_626], %swap3A_629 {strides = array<i32>} : memref<256x64xf32, #tpu.memory_space<vmem>>, vector<1x16xf32>,
        %add3A_630 = arith.constant 7 : i32
        %add3A_631 = arith.addi %mul3A_151, %add3A_630 : i32
        %get3A_632 = arith.index_cast %add3A_631 : i32 to index
        %get3A_633 = arith.constant 32 : index
        %get3A_634 = tpu.vector_load %arg9[%get3A_632, %get3A_633] {strides = array<i32>} : memref<256x64xf32, #tpu.memory_space<vmem>>, vector<1x16xf32>,
        %get3A_635 = vector.shape_cast %get3A_634 : vector<1x16xf32> to vector<16xf32>
        %mul3A_636 = arith.constant 8.000000e+00 : f32
        %mul3A_637 = vector.broadcast %mul3A_636 : f32 to vector<16xf32>
        %mul3A_638 = arith.mulf %get3A_635, %mul3A_637 : vector<16xf32>
        %add3A_639 = arith.constant 7 : i32
        %add3A_640 = arith.addi %mul3A_151, %add3A_639 : i32
        %swap3A_641 = arith.index_cast %add3A_640 : i32 to index
        %swap3A_642 = arith.constant 32 : index
        %swap3A_643 = tpu.vector_load %arg13[%swap3A_641, %swap3A_642] {strides = array<i32>} : memref<256x64xf32, #tpu.memory_space<vmem>>, vector<1x16xf32>,
        %swap3A_644 = vector.shape_cast %swap3A_643 : vector<1x16xf32> to vector<16xf32>
        %swap3A_645 = vector.shape_cast %mul3A_638 : vector<16xf32> to vector<1x16xf32>
        tpu.vector_store %arg13[%swap3A_641, %swap3A_642], %swap3A_645 {strides = array<i32>} : memref<256x64xf32, #tpu.memory_space<vmem>>, vector<1x16xf32>,
        %add3A_646 = arith.constant 7 : i32
        %add3A_647 = arith.addi %mul3A_151, %add3A_646 : i32
        %get3A_648 = arith.index_cast %add3A_647 : i32 to index
        %get3A_649 = arith.constant 48 : index
        %get3A_650 = tpu.vector_load %arg9[%get3A_648, %get3A_649] {strides = array<i32>} : memref<256x64xf32, #tpu.memory_space<vmem>>, vector<1x16xf32>,
        %get3A_651 = vector.shape_cast %get3A_650 : vector<1x16xf32> to vector<16xf32>
        %mul3A_652 = arith.constant 8.000000e+00 : f32
        %mul3A_653 = vector.broadcast %mul3A_652 : f32 to vector<16xf32>
        %mul3A_654 = arith.mulf %get3A_651, %mul3A_653 : vector<16xf32>
        %add3A_655 = arith.constant 7 : i32
        %add3A_656 = arith.addi %mul3A_151, %add3A_655 : i32
        %swap3A_657 = arith.index_cast %add3A_656 : i32 to index
        %swap3A_658 = arith.constant 48 : index
        %swap3A_659 = tpu.vector_load %arg13[%swap3A_657, %swap3A_658] {strides = array<i32>} : memref<256x64xf32, #tpu.memory_space<vmem>>, vector<1x16xf32>,
        %swap3A_660 = vector.shape_cast %swap3A_659 : vector<1x16xf32> to vector<16xf32>
        %swap3A_661 = vector.shape_cast %mul3A_654 : vector<16xf32> to vector<1x16xf32>
        tpu.vector_store %arg13[%swap3A_657, %swap3A_658], %swap3A_661 {strides = array<i32>} : memref<256x64xf32, #tpu.memory_space<vmem>>, vector<1x16xf32>,
      }
      %scan3A_49 = arith.constant 32 : i32
      %mul3A_50 = arith.constant 256 : i32
      %mul3A_51 = arith.muli %add3A_38, %mul3A_50 : i32
      %add3A_52 = arith.addi %mul3A_2, %mul3A_51 : i32
      %dma_start3A_53 = arith.constant 0 : i32
      %dma_start3A_54 = tpu.memref_slice %arg4[%add3A_52, %dma_start3A_53] : memref<819200x64xf32, #tpu.memory_space<hbm>> -> memref<256x64xf32, #tpu.memory_space<hbm>>
      %dma_start3A_55 = arith.constant 0 : i32
      %dma_start3A_56 = tpu.memref_slice %arg4[%add3A_52, %dma_start3A_55] : memref<819200x64xf32, #tpu.memory_space<hbm>> -> memref<256x64xf32, #tpu.memory_space<hbm>>
      tpu.enqueue_dma source(%arg13 : memref<256x64xf32, #tpu.memory_space<vmem>>) target(%dma_start3A_56 : memref<256x64xf32, #tpu.memory_space<hbm>>) target_semaphore(%arg19 : memref<!tpu.dma_semaphore, #tpu.memory_space<semaphore_mem>>)
      %lt3A = arith.constant 24 : i32
      %lt3A_57 = arith.cmpi slt, %scan3A_34, %lt3A : i32
      %convert_element_type3A_58 = arith.extui %lt3A_57 : i1 to i32
      %cond3A_59 = arith.constant 0 : i32
      %cond3A_60 = arith.cmpi ne, %convert_element_type3A_58, %cond3A_59 : i32
      scf.if %cond3A_60 {
        %add3A_149 = arith.constant 4 : i32
        %add3A_150 = arith.addi %add3A_38, %add3A_149 : i32
        %mul3A_151 = arith.constant 256 : i32
        %mul3A_152 = arith.muli %add3A_150, %mul3A_151 : i32
        %add3A_153 = arith.addi %mul3A_2, %mul3A_152 : i32
        "tpu.region"() ({
          %run_scoped3A = tpu.sem_alloc : memref<!tpu.dma_semaphore, #tpu.memory_space<semaphore_mem>>
          %dma_start3A_157 = tpu.memref_slice %arg2[%add3A_153] : memref<819200xi32, #tpu.memory_space<hbm>> -> memref<256xi32, #tpu.memory_space<hbm>>
          %dma_start3A_158 = tpu.memref_slice %arg2[%add3A_153] : memref<819200xi32, #tpu.memory_space<hbm>> -> memref<256xi32, #tpu.memory_space<hbm>>
          tpu.enqueue_dma source(%dma_start3A_158 : memref<256xi32, #tpu.memory_space<hbm>>) target(%arg5 : memref<256xi32, #tpu.memory_space<vmem>>) target_semaphore(%run_scoped3A : memref<!tpu.dma_semaphore, #tpu.memory_space<semaphore_mem>>)
          %dma_wait3A_159 = tpu.memref_slice %arg2[%add3A_153] : memref<819200xi32, #tpu.memory_space<hbm>> -> memref<256xi32, #tpu.memory_space<hbm>>
          %dma_wait3A_160 = tpu.memref_slice %arg2[%add3A_153] : memref<819200xi32, #tpu.memory_space<hbm>> -> memref<256xi32, #tpu.memory_space<hbm>>
          tpu.wait_dma2 semaphore(%run_scoped3A : memref<!tpu.dma_semaphore, #tpu.memory_space<semaphore_mem>>) src(%dma_wait3A_160 : memref<256xi32, #tpu.memory_space<hbm>>) dst(%arg5 : memref<256xi32, #tpu.memory_space<vmem>>)
          tpu.yield
        }) : () -> ()
        %dma_start3A_154 = arith.constant 0 : i32
        %dma_start3A_155 = arith.constant 0 : i32
        %dma_start3A_156 = tpu.memref_slice %arg3[%dma_start3A_154, %dma_start3A_155] : memref<1000000x64xf32, #tpu.memory_space<hbm>> -> memref<1000000x64xf32, #tpu.memory_space<hbm>>
        tpu.enqueue_indirect_dma source(%dma_start3A_156 : memref<1000000x64xf32, #tpu.memory_space<hbm>>) target(%arg9 : memref<256x64xf32, #tpu.memory_space<vmem>>) offsets(%arg5 : memref<256xi32, #tpu.memory_space<vmem>>) semaphore(%arg15 : memref<!tpu.dma_semaphore, #tpu.memory_space<semaphore_mem>>)
      } else {
      }
      %mul3A_61 = arith.constant 4 : i32
      %mul3A_62 = arith.muli %scan3A_34, %mul3A_61 : i32
      %add3A_63 = arith.constant 1 : i32
      %add3A_64 = arith.addi %mul3A_62, %add3A_63 : i32
      %dma_wait3A_65 = arith.constant 0 : i32
      %dma_wait3A_66 = arith.constant 0 : i32
      %dma_wait3A_67 = tpu.memref_slice %arg3[%dma_wait3A_65, %dma_wait3A_66] : memref<1000000x64xf32, #tpu.memory_space<hbm>> -> memref<1000000x64xf32, #tpu.memory_space<hbm>>
      tpu.wait_indirect_dma semaphore(%arg16 : memref<!tpu.dma_semaphore, #tpu.memory_space<semaphore_mem>>) src(%dma_wait3A_67 : memref<1000000x64xf32, #tpu.memory_space<hbm>>) dst(%arg10 : memref<256x64xf32, #tpu.memory_space<vmem>>)
      %gt3A_68 = arith.constant 0 : i32
      %gt3A_69 = arith.cmpi sgt, %scan3A_34, %gt3A_68 : i32
      %convert_element_type3A_70 = arith.extui %gt3A_69 : i1 to i32
      %cond3A_71 = arith.constant 0 : i32
      %cond3A_72 = arith.cmpi ne, %convert_element_type3A_70, %cond3A_71 : i32
      scf.if %cond3A_72 {
        %dma_wait3A_149 = arith.constant 0 : i32
        %dma_wait3A_150 = tpu.memref_slice %arg4[%mul3A_2, %dma_wait3A_149] : memref<819200x64xf32, #tpu.memory_space<hbm>> -> memref<256x64xf32, #tpu.memory_space<hbm>>
        %dma_wait3A_151 = arith.constant 0 : i32
        %dma_wait3A_152 = tpu.memref_slice %arg4[%mul3A_2, %dma_wait3A_151] : memref<819200x64xf32, #tpu.memory_space<hbm>> -> memref<256x64xf32, #tpu.memory_space<hbm>>
        tpu.wait_dma2 semaphore(%arg20 : memref<!tpu.dma_semaphore, #tpu.memory_space<semaphore_mem>>) src(%arg14 : memref<256x64xf32, #tpu.memory_space<vmem>>) dst(%dma_wait3A_152 : memref<256x64xf32, #tpu.memory_space<hbm>>)
      } else {
      }
      %scan3A_73 = arith.constant 0 : i32
      %scan3A_74 = arith.constant 0 : i32
      %scan3A_75 = arith.constant 32 : i32
      %scan3A_76 = arith.addi %scan3A_74, %scan3A_75 : i32
      %scan3A_77 = arith.constant 1 : i32
      scf.for %scan3A_149 = %scan3A_74 to %scan3A_76 step %scan3A_77  : i32 {
        %mul3A_150 = arith.constant 8 : i32
        %mul3A_151 = arith.muli %scan3A_149, %mul3A_150 : i32
        %add3A_152 = arith.constant 0 : i32
        %add3A_153 = arith.addi %mul3A_151, %add3A_152 : i32
        %get3A = arith.index_cast %add3A_153 : i32 to index
        %get3A_154 = arith.constant 0 : index
        %get3A_155 = tpu.vector_load %arg10[%get3A, %get3A_154] {strides = array<i32>} : memref<256x64xf32, #tpu.memory_space<vmem>>, vector<1x16xf32>,
        %get3A_156 = vector.shape_cast %get3A_155 : vector<1x16xf32> to vector<16xf32>
        %mul3A_157 = arith.constant 8.000000e+00 : f32
        %mul3A_158 = vector.broadcast %mul3A_157 : f32 to vector<16xf32>
        %mul3A_159 = arith.mulf %get3A_156, %mul3A_158 : vector<16xf32>
        %add3A_160 = arith.constant 0 : i32
        %add3A_161 = arith.addi %mul3A_151, %add3A_160 : i32
        %swap3A = arith.index_cast %add3A_161 : i32 to index
        %swap3A_162 = arith.constant 0 : index
        %swap3A_163 = tpu.vector_load %arg14[%swap3A, %swap3A_162] {strides = array<i32>} : memref<256x64xf32, #tpu.memory_space<vmem>>, vector<1x16xf32>,
        %swap3A_164 = vector.shape_cast %swap3A_163 : vector<1x16xf32> to vector<16xf32>
        %swap3A_165 = vector.shape_cast %mul3A_159 : vector<16xf32> to vector<1x16xf32>
        tpu.vector_store %arg14[%swap3A, %swap3A_162], %swap3A_165 {strides = array<i32>} : memref<256x64xf32, #tpu.memory_space<vmem>>, vector<1x16xf32>,
        %add3A_166 = arith.constant 0 : i32
        %add3A_167 = arith.addi %mul3A_151, %add3A_166 : i32
        %get3A_168 = arith.index_cast %add3A_167 : i32 to index
        %get3A_169 = arith.constant 16 : index
        %get3A_170 = tpu.vector_load %arg10[%get3A_168, %get3A_169] {strides = array<i32>} : memref<256x64xf32, #tpu.memory_space<vmem>>, vector<1x16xf32>,
        %get3A_171 = vector.shape_cast %get3A_170 : vector<1x16xf32> to vector<16xf32>
        %mul3A_172 = arith.constant 8.000000e+00 : f32
        %mul3A_173 = vector.broadcast %mul3A_172 : f32 to vector<16xf32>
        %mul3A_174 = arith.mulf %get3A_171, %mul3A_173 : vector<16xf32>
        %add3A_175 = arith.constant 0 : i32
        %add3A_176 = arith.addi %mul3A_151, %add3A_175 : i32
        %swap3A_177 = arith.index_cast %add3A_176 : i32 to index
        %swap3A_178 = arith.constant 16 : index
        %swap3A_179 = tpu.vector_load %arg14[%swap3A_177, %swap3A_178] {strides = array<i32>} : memref<256x64xf32, #tpu.memory_space<vmem>>, vector<1x16xf32>,
        %swap3A_180 = vector.shape_cast %swap3A_179 : vector<1x16xf32> to vector<16xf32>
        %swap3A_181 = vector.shape_cast %mul3A_174 : vector<16xf32> to vector<1x16xf32>
        tpu.vector_store %arg14[%swap3A_177, %swap3A_178], %swap3A_181 {strides = array<i32>} : memref<256x64xf32, #tpu.memory_space<vmem>>, vector<1x16xf32>,
        %add3A_182 = arith.constant 0 : i32
        %add3A_183 = arith.addi %mul3A_151, %add3A_182 : i32
        %get3A_184 = arith.index_cast %add3A_183 : i32 to index
        %get3A_185 = arith.constant 32 : index
        %get3A_186 = tpu.vector_load %arg10[%get3A_184, %get3A_185] {strides = array<i32>} : memref<256x64xf32, #tpu.memory_space<vmem>>, vector<1x16xf32>,
        %get3A_187 = vector.shape_cast %get3A_186 : vector<1x16xf32> to vector<16xf32>
        %mul3A_188 = arith.constant 8.000000e+00 : f32
        %mul3A_189 = vector.broadcast %mul3A_188 : f32 to vector<16xf32>
        %mul3A_190 = arith.mulf %get3A_187, %mul3A_189 : vector<16xf32>
        %add3A_191 = arith.constant 0 : i32
        %add3A_192 = arith.addi %mul3A_151, %add3A_191 : i32
        %swap3A_193 = arith.index_cast %add3A_192 : i32 to index
        %swap3A_194 = arith.constant 32 : index
        %swap3A_195 = tpu.vector_load %arg14[%swap3A_193, %swap3A_194] {strides = array<i32>} : memref<256x64xf32, #tpu.memory_space<vmem>>, vector<1x16xf32>,
        %swap3A_196 = vector.shape_cast %swap3A_195 : vector<1x16xf32> to vector<16xf32>
        %swap3A_197 = vector.shape_cast %mul3A_190 : vector<16xf32> to vector<1x16xf32>
        tpu.vector_store %arg14[%swap3A_193, %swap3A_194], %swap3A_197 {strides = array<i32>} : memref<256x64xf32, #tpu.memory_space<vmem>>, vector<1x16xf32>,
        %add3A_198 = arith.constant 0 : i32
        %add3A_199 = arith.addi %mul3A_151, %add3A_198 : i32
        %get3A_200 = arith.index_cast %add3A_199 : i32 to index
        %get3A_201 = arith.constant 48 : index
        %get3A_202 = tpu.vector_load %arg10[%get3A_200, %get3A_201] {strides = array<i32>} : memref<256x64xf32, #tpu.memory_space<vmem>>, vector<1x16xf32>,
        %get3A_203 = vector.shape_cast %get3A_202 : vector<1x16xf32> to vector<16xf32>
        %mul3A_204 = arith.constant 8.000000e+00 : f32
        %mul3A_205 = vector.broadcast %mul3A_204 : f32 to vector<16xf32>
        %mul3A_206 = arith.mulf %get3A_203, %mul3A_205 : vector<16xf32>
        %add3A_207 = arith.constant 0 : i32
        %add3A_208 = arith.addi %mul3A_151, %add3A_207 : i32
        %swap3A_209 = arith.index_cast %add3A_208 : i32 to index
        %swap3A_210 = arith.constant 48 : index
        %swap3A_211 = tpu.vector_load %arg14[%swap3A_209, %swap3A_210] {strides = array<i32>} : memref<256x64xf32, #tpu.memory_space<vmem>>, vector<1x16xf32>,
        %swap3A_212 = vector.shape_cast %swap3A_211 : vector<1x16xf32> to vector<16xf32>
        %swap3A_213 = vector.shape_cast %mul3A_206 : vector<16xf32> to vector<1x16xf32>
        tpu.vector_store %arg14[%swap3A_209, %swap3A_210], %swap3A_213 {strides = array<i32>} : memref<256x64xf32, #tpu.memory_space<vmem>>, vector<1x16xf32>,
        %add3A_214 = arith.constant 1 : i32
        %add3A_215 = arith.addi %mul3A_151, %add3A_214 : i32
        %get3A_216 = arith.index_cast %add3A_215 : i32 to index
        %get3A_217 = arith.constant 0 : index
        %get3A_218 = tpu.vector_load %arg10[%get3A_216, %get3A_217] {strides = array<i32>} : memref<256x64xf32, #tpu.memory_space<vmem>>, vector<1x16xf32>,
        %get3A_219 = vector.shape_cast %get3A_218 : vector<1x16xf32> to vector<16xf32>
        %mul3A_220 = arith.constant 8.000000e+00 : f32
        %mul3A_221 = vector.broadcast %mul3A_220 : f32 to vector<16xf32>
        %mul3A_222 = arith.mulf %get3A_219, %mul3A_221 : vector<16xf32>
        %add3A_223 = arith.constant 1 : i32
        %add3A_224 = arith.addi %mul3A_151, %add3A_223 : i32
        %swap3A_225 = arith.index_cast %add3A_224 : i32 to index
        %swap3A_226 = arith.constant 0 : index
        %swap3A_227 = tpu.vector_load %arg14[%swap3A_225, %swap3A_226] {strides = array<i32>} : memref<256x64xf32, #tpu.memory_space<vmem>>, vector<1x16xf32>,
        %swap3A_228 = vector.shape_cast %swap3A_227 : vector<1x16xf32> to vector<16xf32>
        %swap3A_229 = vector.shape_cast %mul3A_222 : vector<16xf32> to vector<1x16xf32>
        tpu.vector_store %arg14[%swap3A_225, %swap3A_226], %swap3A_229 {strides = array<i32>} : memref<256x64xf32, #tpu.memory_space<vmem>>, vector<1x16xf32>,
        %add3A_230 = arith.constant 1 : i32
        %add3A_231 = arith.addi %mul3A_151, %add3A_230 : i32
        %get3A_232 = arith.index_cast %add3A_231 : i32 to index
        %get3A_233 = arith.constant 16 : index
        %get3A_234 = tpu.vector_load %arg10[%get3A_232, %get3A_233] {strides = array<i32>} : memref<256x64xf32, #tpu.memory_space<vmem>>, vector<1x16xf32>,
        %get3A_235 = vector.shape_cast %get3A_234 : vector<1x16xf32> to vector<16xf32>
        %mul3A_236 = arith.constant 8.000000e+00 : f32
        %mul3A_237 = vector.broadcast %mul3A_236 : f32 to vector<16xf32>
        %mul3A_238 = arith.mulf %get3A_235, %mul3A_237 : vector<16xf32>
        %add3A_239 = arith.constant 1 : i32
        %add3A_240 = arith.addi %mul3A_151, %add3A_239 : i32
        %swap3A_241 = arith.index_cast %add3A_240 : i32 to index
        %swap3A_242 = arith.constant 16 : index
        %swap3A_243 = tpu.vector_load %arg14[%swap3A_241, %swap3A_242] {strides = array<i32>} : memref<256x64xf32, #tpu.memory_space<vmem>>, vector<1x16xf32>,
        %swap3A_244 = vector.shape_cast %swap3A_243 : vector<1x16xf32> to vector<16xf32>
        %swap3A_245 = vector.shape_cast %mul3A_238 : vector<16xf32> to vector<1x16xf32>
        tpu.vector_store %arg14[%swap3A_241, %swap3A_242], %swap3A_245 {strides = array<i32>} : memref<256x64xf32, #tpu.memory_space<vmem>>, vector<1x16xf32>,
        %add3A_246 = arith.constant 1 : i32
        %add3A_247 = arith.addi %mul3A_151, %add3A_246 : i32
        %get3A_248 = arith.index_cast %add3A_247 : i32 to index
        %get3A_249 = arith.constant 32 : index
        %get3A_250 = tpu.vector_load %arg10[%get3A_248, %get3A_249] {strides = array<i32>} : memref<256x64xf32, #tpu.memory_space<vmem>>, vector<1x16xf32>,
        %get3A_251 = vector.shape_cast %get3A_250 : vector<1x16xf32> to vector<16xf32>
        %mul3A_252 = arith.constant 8.000000e+00 : f32
        %mul3A_253 = vector.broadcast %mul3A_252 : f32 to vector<16xf32>
        %mul3A_254 = arith.mulf %get3A_251, %mul3A_253 : vector<16xf32>
        %add3A_255 = arith.constant 1 : i32
        %add3A_256 = arith.addi %mul3A_151, %add3A_255 : i32
        %swap3A_257 = arith.index_cast %add3A_256 : i32 to index
        %swap3A_258 = arith.constant 32 : index
        %swap3A_259 = tpu.vector_load %arg14[%swap3A_257, %swap3A_258] {strides = array<i32>} : memref<256x64xf32, #tpu.memory_space<vmem>>, vector<1x16xf32>,
        %swap3A_260 = vector.shape_cast %swap3A_259 : vector<1x16xf32> to vector<16xf32>
        %swap3A_261 = vector.shape_cast %mul3A_254 : vector<16xf32> to vector<1x16xf32>
        tpu.vector_store %arg14[%swap3A_257, %swap3A_258], %swap3A_261 {strides = array<i32>} : memref<256x64xf32, #tpu.memory_space<vmem>>, vector<1x16xf32>,
        %add3A_262 = arith.constant 1 : i32
        %add3A_263 = arith.addi %mul3A_151, %add3A_262 : i32
        %get3A_264 = arith.index_cast %add3A_263 : i32 to index
        %get3A_265 = arith.constant 48 : index
        %get3A_266 = tpu.vector_load %arg10[%get3A_264, %get3A_265] {strides = array<i32>} : memref<256x64xf32, #tpu.memory_space<vmem>>, vector<1x16xf32>,
        %get3A_267 = vector.shape_cast %get3A_266 : vector<1x16xf32> to vector<16xf32>
        %mul3A_268 = arith.constant 8.000000e+00 : f32
        %mul3A_269 = vector.broadcast %mul3A_268 : f32 to vector<16xf32>
        %mul3A_270 = arith.mulf %get3A_267, %mul3A_269 : vector<16xf32>
        %add3A_271 = arith.constant 1 : i32
        %add3A_272 = arith.addi %mul3A_151, %add3A_271 : i32
        %swap3A_273 = arith.index_cast %add3A_272 : i32 to index
        %swap3A_274 = arith.constant 48 : index
        %swap3A_275 = tpu.vector_load %arg14[%swap3A_273, %swap3A_274] {strides = array<i32>} : memref<256x64xf32, #tpu.memory_space<vmem>>, vector<1x16xf32>,
        %swap3A_276 = vector.shape_cast %swap3A_275 : vector<1x16xf32> to vector<16xf32>
        %swap3A_277 = vector.shape_cast %mul3A_270 : vector<16xf32> to vector<1x16xf32>
        tpu.vector_store %arg14[%swap3A_273, %swap3A_274], %swap3A_277 {strides = array<i32>} : memref<256x64xf32, #tpu.memory_space<vmem>>, vector<1x16xf32>,
        %add3A_278 = arith.constant 2 : i32
        %add3A_279 = arith.addi %mul3A_151, %add3A_278 : i32
        %get3A_280 = arith.index_cast %add3A_279 : i32 to index
        %get3A_281 = arith.constant 0 : index
        %get3A_282 = tpu.vector_load %arg10[%get3A_280, %get3A_281] {strides = array<i32>} : memref<256x64xf32, #tpu.memory_space<vmem>>, vector<1x16xf32>,
        %get3A_283 = vector.shape_cast %get3A_282 : vector<1x16xf32> to vector<16xf32>
        %mul3A_284 = arith.constant 8.000000e+00 : f32
        %mul3A_285 = vector.broadcast %mul3A_284 : f32 to vector<16xf32>
        %mul3A_286 = arith.mulf %get3A_283, %mul3A_285 : vector<16xf32>
        %add3A_287 = arith.constant 2 : i32
        %add3A_288 = arith.addi %mul3A_151, %add3A_287 : i32
        %swap3A_289 = arith.index_cast %add3A_288 : i32 to index
        %swap3A_290 = arith.constant 0 : index
        %swap3A_291 = tpu.vector_load %arg14[%swap3A_289, %swap3A_290] {strides = array<i32>} : memref<256x64xf32, #tpu.memory_space<vmem>>, vector<1x16xf32>,
        %swap3A_292 = vector.shape_cast %swap3A_291 : vector<1x16xf32> to vector<16xf32>
        %swap3A_293 = vector.shape_cast %mul3A_286 : vector<16xf32> to vector<1x16xf32>
        tpu.vector_store %arg14[%swap3A_289, %swap3A_290], %swap3A_293 {strides = array<i32>} : memref<256x64xf32, #tpu.memory_space<vmem>>, vector<1x16xf32>,
        %add3A_294 = arith.constant 2 : i32
        %add3A_295 = arith.addi %mul3A_151, %add3A_294 : i32
        %get3A_296 = arith.index_cast %add3A_295 : i32 to index
        %get3A_297 = arith.constant 16 : index
        %get3A_298 = tpu.vector_load %arg10[%get3A_296, %get3A_297] {strides = array<i32>} : memref<256x64xf32, #tpu.memory_space<vmem>>, vector<1x16xf32>,
        %get3A_299 = vector.shape_cast %get3A_298 : vector<1x16xf32> to vector<16xf32>
        %mul3A_300 = arith.constant 8.000000e+00 : f32
        %mul3A_301 = vector.broadcast %mul3A_300 : f32 to vector<16xf32>
        %mul3A_302 = arith.mulf %get3A_299, %mul3A_301 : vector<16xf32>
        %add3A_303 = arith.constant 2 : i32
        %add3A_304 = arith.addi %mul3A_151, %add3A_303 : i32
        %swap3A_305 = arith.index_cast %add3A_304 : i32 to index
        %swap3A_306 = arith.constant 16 : index
        %swap3A_307 = tpu.vector_load %arg14[%swap3A_305, %swap3A_306] {strides = array<i32>} : memref<256x64xf32, #tpu.memory_space<vmem>>, vector<1x16xf32>,
        %swap3A_308 = vector.shape_cast %swap3A_307 : vector<1x16xf32> to vector<16xf32>
        %swap3A_309 = vector.shape_cast %mul3A_302 : vector<16xf32> to vector<1x16xf32>
        tpu.vector_store %arg14[%swap3A_305, %swap3A_306], %swap3A_309 {strides = array<i32>} : memref<256x64xf32, #tpu.memory_space<vmem>>, vector<1x16xf32>,
        %add3A_310 = arith.constant 2 : i32
        %add3A_311 = arith.addi %mul3A_151, %add3A_310 : i32
        %get3A_312 = arith.index_cast %add3A_311 : i32 to index
        %get3A_313 = arith.constant 32 : index
        %get3A_314 = tpu.vector_load %arg10[%get3A_312, %get3A_313] {strides = array<i32>} : memref<256x64xf32, #tpu.memory_space<vmem>>, vector<1x16xf32>,
        %get3A_315 = vector.shape_cast %get3A_314 : vector<1x16xf32> to vector<16xf32>
        %mul3A_316 = arith.constant 8.000000e+00 : f32
        %mul3A_317 = vector.broadcast %mul3A_316 : f32 to vector<16xf32>
        %mul3A_318 = arith.mulf %get3A_315, %mul3A_317 : vector<16xf32>
        %add3A_319 = arith.constant 2 : i32
        %add3A_320 = arith.addi %mul3A_151, %add3A_319 : i32
        %swap3A_321 = arith.index_cast %add3A_320 : i32 to index
        %swap3A_322 = arith.constant 32 : index
        %swap3A_323 = tpu.vector_load %arg14[%swap3A_321, %swap3A_322] {strides = array<i32>} : memref<256x64xf32, #tpu.memory_space<vmem>>, vector<1x16xf32>,
        %swap3A_324 = vector.shape_cast %swap3A_323 : vector<1x16xf32> to vector<16xf32>
        %swap3A_325 = vector.shape_cast %mul3A_318 : vector<16xf32> to vector<1x16xf32>
        tpu.vector_store %arg14[%swap3A_321, %swap3A_322], %swap3A_325 {strides = array<i32>} : memref<256x64xf32, #tpu.memory_space<vmem>>, vector<1x16xf32>,
        %add3A_326 = arith.constant 2 : i32
        %add3A_327 = arith.addi %mul3A_151, %add3A_326 : i32
        %get3A_328 = arith.index_cast %add3A_327 : i32 to index
        %get3A_329 = arith.constant 48 : index
        %get3A_330 = tpu.vector_load %arg10[%get3A_328, %get3A_329] {strides = array<i32>} : memref<256x64xf32, #tpu.memory_space<vmem>>, vector<1x16xf32>,
        %get3A_331 = vector.shape_cast %get3A_330 : vector<1x16xf32> to vector<16xf32>
        %mul3A_332 = arith.constant 8.000000e+00 : f32
        %mul3A_333 = vector.broadcast %mul3A_332 : f32 to vector<16xf32>
        %mul3A_334 = arith.mulf %get3A_331, %mul3A_333 : vector<16xf32>
        %add3A_335 = arith.constant 2 : i32
        %add3A_336 = arith.addi %mul3A_151, %add3A_335 : i32
        %swap3A_337 = arith.index_cast %add3A_336 : i32 to index
        %swap3A_338 = arith.constant 48 : index
        %swap3A_339 = tpu.vector_load %arg14[%swap3A_337, %swap3A_338] {strides = array<i32>} : memref<256x64xf32, #tpu.memory_space<vmem>>, vector<1x16xf32>,
        %swap3A_340 = vector.shape_cast %swap3A_339 : vector<1x16xf32> to vector<16xf32>
        %swap3A_341 = vector.shape_cast %mul3A_334 : vector<16xf32> to vector<1x16xf32>
        tpu.vector_store %arg14[%swap3A_337, %swap3A_338], %swap3A_341 {strides = array<i32>} : memref<256x64xf32, #tpu.memory_space<vmem>>, vector<1x16xf32>,
        %add3A_342 = arith.constant 3 : i32
        %add3A_343 = arith.addi %mul3A_151, %add3A_342 : i32
        %get3A_344 = arith.index_cast %add3A_343 : i32 to index
        %get3A_345 = arith.constant 0 : index
        %get3A_346 = tpu.vector_load %arg10[%get3A_344, %get3A_345] {strides = array<i32>} : memref<256x64xf32, #tpu.memory_space<vmem>>, vector<1x16xf32>,
        %get3A_347 = vector.shape_cast %get3A_346 : vector<1x16xf32> to vector<16xf32>
        %mul3A_348 = arith.constant 8.000000e+00 : f32
        %mul3A_349 = vector.broadcast %mul3A_348 : f32 to vector<16xf32>
        %mul3A_350 = arith.mulf %get3A_347, %mul3A_349 : vector<16xf32>
        %add3A_351 = arith.constant 3 : i32
        %add3A_352 = arith.addi %mul3A_151, %add3A_351 : i32
        %swap3A_353 = arith.index_cast %add3A_352 : i32 to index
        %swap3A_354 = arith.constant 0 : index
        %swap3A_355 = tpu.vector_load %arg14[%swap3A_353, %swap3A_354] {strides = array<i32>} : memref<256x64xf32, #tpu.memory_space<vmem>>, vector<1x16xf32>,
        %swap3A_356 = vector.shape_cast %swap3A_355 : vector<1x16xf32> to vector<16xf32>
        %swap3A_357 = vector.shape_cast %mul3A_350 : vector<16xf32> to vector<1x16xf32>
        tpu.vector_store %arg14[%swap3A_353, %swap3A_354], %swap3A_357 {strides = array<i32>} : memref<256x64xf32, #tpu.memory_space<vmem>>, vector<1x16xf32>,
        %add3A_358 = arith.constant 3 : i32
        %add3A_359 = arith.addi %mul3A_151, %add3A_358 : i32
        %get3A_360 = arith.index_cast %add3A_359 : i32 to index
        %get3A_361 = arith.constant 16 : index
        %get3A_362 = tpu.vector_load %arg10[%get3A_360, %get3A_361] {strides = array<i32>} : memref<256x64xf32, #tpu.memory_space<vmem>>, vector<1x16xf32>,
        %get3A_363 = vector.shape_cast %get3A_362 : vector<1x16xf32> to vector<16xf32>
        %mul3A_364 = arith.constant 8.000000e+00 : f32
        %mul3A_365 = vector.broadcast %mul3A_364 : f32 to vector<16xf32>
        %mul3A_366 = arith.mulf %get3A_363, %mul3A_365 : vector<16xf32>
        %add3A_367 = arith.constant 3 : i32
        %add3A_368 = arith.addi %mul3A_151, %add3A_367 : i32
        %swap3A_369 = arith.index_cast %add3A_368 : i32 to index
        %swap3A_370 = arith.constant 16 : index
        %swap3A_371 = tpu.vector_load %arg14[%swap3A_369, %swap3A_370] {strides = array<i32>} : memref<256x64xf32, #tpu.memory_space<vmem>>, vector<1x16xf32>,
        %swap3A_372 = vector.shape_cast %swap3A_371 : vector<1x16xf32> to vector<16xf32>
        %swap3A_373 = vector.shape_cast %mul3A_366 : vector<16xf32> to vector<1x16xf32>
        tpu.vector_store %arg14[%swap3A_369, %swap3A_370], %swap3A_373 {strides = array<i32>} : memref<256x64xf32, #tpu.memory_space<vmem>>, vector<1x16xf32>,
        %add3A_374 = arith.constant 3 : i32
        %add3A_375 = arith.addi %mul3A_151, %add3A_374 : i32
        %get3A_376 = arith.index_cast %add3A_375 : i32 to index
        %get3A_377 = arith.constant 32 : index
        %get3A_378 = tpu.vector_load %arg10[%get3A_376, %get3A_377] {strides = array<i32>} : memref<256x64xf32, #tpu.memory_space<vmem>>, vector<1x16xf32>,
        %get3A_379 = vector.shape_cast %get3A_378 : vector<1x16xf32> to vector<16xf32>
        %mul3A_380 = arith.constant 8.000000e+00 : f32
        %mul3A_381 = vector.broadcast %mul3A_380 : f32 to vector<16xf32>
        %mul3A_382 = arith.mulf %get3A_379, %mul3A_381 : vector<16xf32>
        %add3A_383 = arith.constant 3 : i32
        %add3A_384 = arith.addi %mul3A_151, %add3A_383 : i32
        %swap3A_385 = arith.index_cast %add3A_384 : i32 to index
        %swap3A_386 = arith.constant 32 : index
        %swap3A_387 = tpu.vector_load %arg14[%swap3A_385, %swap3A_386] {strides = array<i32>} : memref<256x64xf32, #tpu.memory_space<vmem>>, vector<1x16xf32>,
        %swap3A_388 = vector.shape_cast %swap3A_387 : vector<1x16xf32> to vector<16xf32>
        %swap3A_389 = vector.shape_cast %mul3A_382 : vector<16xf32> to vector<1x16xf32>
        tpu.vector_store %arg14[%swap3A_385, %swap3A_386], %swap3A_389 {strides = array<i32>} : memref<256x64xf32, #tpu.memory_space<vmem>>, vector<1x16xf32>,
        %add3A_390 = arith.constant 3 : i32
        %add3A_391 = arith.addi %mul3A_151, %add3A_390 : i32
        %get3A_392 = arith.index_cast %add3A_391 : i32 to index
        %get3A_393 = arith.constant 48 : index
        %get3A_394 = tpu.vector_load %arg10[%get3A_392, %get3A_393] {strides = array<i32>} : memref<256x64xf32, #tpu.memory_space<vmem>>, vector<1x16xf32>,
        %get3A_395 = vector.shape_cast %get3A_394 : vector<1x16xf32> to vector<16xf32>
        %mul3A_396 = arith.constant 8.000000e+00 : f32
        %mul3A_397 = vector.broadcast %mul3A_396 : f32 to vector<16xf32>
        %mul3A_398 = arith.mulf %get3A_395, %mul3A_397 : vector<16xf32>
        %add3A_399 = arith.constant 3 : i32
        %add3A_400 = arith.addi %mul3A_151, %add3A_399 : i32
        %swap3A_401 = arith.index_cast %add3A_400 : i32 to index
        %swap3A_402 = arith.constant 48 : index
        %swap3A_403 = tpu.vector_load %arg14[%swap3A_401, %swap3A_402] {strides = array<i32>} : memref<256x64xf32, #tpu.memory_space<vmem>>, vector<1x16xf32>,
        %swap3A_404 = vector.shape_cast %swap3A_403 : vector<1x16xf32> to vector<16xf32>
        %swap3A_405 = vector.shape_cast %mul3A_398 : vector<16xf32> to vector<1x16xf32>
        tpu.vector_store %arg14[%swap3A_401, %swap3A_402], %swap3A_405 {strides = array<i32>} : memref<256x64xf32, #tpu.memory_space<vmem>>, vector<1x16xf32>,
        %add3A_406 = arith.constant 4 : i32
        %add3A_407 = arith.addi %mul3A_151, %add3A_406 : i32
        %get3A_408 = arith.index_cast %add3A_407 : i32 to index
        %get3A_409 = arith.constant 0 : index
        %get3A_410 = tpu.vector_load %arg10[%get3A_408, %get3A_409] {strides = array<i32>} : memref<256x64xf32, #tpu.memory_space<vmem>>, vector<1x16xf32>,
        %get3A_411 = vector.shape_cast %get3A_410 : vector<1x16xf32> to vector<16xf32>
        %mul3A_412 = arith.constant 8.000000e+00 : f32
        %mul3A_413 = vector.broadcast %mul3A_412 : f32 to vector<16xf32>
        %mul3A_414 = arith.mulf %get3A_411, %mul3A_413 : vector<16xf32>
        %add3A_415 = arith.constant 4 : i32
        %add3A_416 = arith.addi %mul3A_151, %add3A_415 : i32
        %swap3A_417 = arith.index_cast %add3A_416 : i32 to index
        %swap3A_418 = arith.constant 0 : index
        %swap3A_419 = tpu.vector_load %arg14[%swap3A_417, %swap3A_418] {strides = array<i32>} : memref<256x64xf32, #tpu.memory_space<vmem>>, vector<1x16xf32>,
        %swap3A_420 = vector.shape_cast %swap3A_419 : vector<1x16xf32> to vector<16xf32>
        %swap3A_421 = vector.shape_cast %mul3A_414 : vector<16xf32> to vector<1x16xf32>
        tpu.vector_store %arg14[%swap3A_417, %swap3A_418], %swap3A_421 {strides = array<i32>} : memref<256x64xf32, #tpu.memory_space<vmem>>, vector<1x16xf32>,
        %add3A_422 = arith.constant 4 : i32
        %add3A_423 = arith.addi %mul3A_151, %add3A_422 : i32
        %get3A_424 = arith.index_cast %add3A_423 : i32 to index
        %get3A_425 = arith.constant 16 : index
        %get3A_426 = tpu.vector_load %arg10[%get3A_424, %get3A_425] {strides = array<i32>} : memref<256x64xf32, #tpu.memory_space<vmem>>, vector<1x16xf32>,
        %get3A_427 = vector.shape_cast %get3A_426 : vector<1x16xf32> to vector<16xf32>
        %mul3A_428 = arith.constant 8.000000e+00 : f32
        %mul3A_429 = vector.broadcast %mul3A_428 : f32 to vector<16xf32>
        %mul3A_430 = arith.mulf %get3A_427, %mul3A_429 : vector<16xf32>
        %add3A_431 = arith.constant 4 : i32
        %add3A_432 = arith.addi %mul3A_151, %add3A_431 : i32
        %swap3A_433 = arith.index_cast %add3A_432 : i32 to index
        %swap3A_434 = arith.constant 16 : index
        %swap3A_435 = tpu.vector_load %arg14[%swap3A_433, %swap3A_434] {strides = array<i32>} : memref<256x64xf32, #tpu.memory_space<vmem>>, vector<1x16xf32>,
        %swap3A_436 = vector.shape_cast %swap3A_435 : vector<1x16xf32> to vector<16xf32>
        %swap3A_437 = vector.shape_cast %mul3A_430 : vector<16xf32> to vector<1x16xf32>
        tpu.vector_store %arg14[%swap3A_433, %swap3A_434], %swap3A_437 {strides = array<i32>} : memref<256x64xf32, #tpu.memory_space<vmem>>, vector<1x16xf32>,
        %add3A_438 = arith.constant 4 : i32
        %add3A_439 = arith.addi %mul3A_151, %add3A_438 : i32
        %get3A_440 = arith.index_cast %add3A_439 : i32 to index
        %get3A_441 = arith.constant 32 : index
        %get3A_442 = tpu.vector_load %arg10[%get3A_440, %get3A_441] {strides = array<i32>} : memref<256x64xf32, #tpu.memory_space<vmem>>, vector<1x16xf32>,
        %get3A_443 = vector.shape_cast %get3A_442 : vector<1x16xf32> to vector<16xf32>
        %mul3A_444 = arith.constant 8.000000e+00 : f32
        %mul3A_445 = vector.broadcast %mul3A_444 : f32 to vector<16xf32>
        %mul3A_446 = arith.mulf %get3A_443, %mul3A_445 : vector<16xf32>
        %add3A_447 = arith.constant 4 : i32
        %add3A_448 = arith.addi %mul3A_151, %add3A_447 : i32
        %swap3A_449 = arith.index_cast %add3A_448 : i32 to index
        %swap3A_450 = arith.constant 32 : index
        %swap3A_451 = tpu.vector_load %arg14[%swap3A_449, %swap3A_450] {strides = array<i32>} : memref<256x64xf32, #tpu.memory_space<vmem>>, vector<1x16xf32>,
        %swap3A_452 = vector.shape_cast %swap3A_451 : vector<1x16xf32> to vector<16xf32>
        %swap3A_453 = vector.shape_cast %mul3A_446 : vector<16xf32> to vector<1x16xf32>
        tpu.vector_store %arg14[%swap3A_449, %swap3A_450], %swap3A_453 {strides = array<i32>} : memref<256x64xf32, #tpu.memory_space<vmem>>, vector<1x16xf32>,
        %add3A_454 = arith.constant 4 : i32
        %add3A_455 = arith.addi %mul3A_151, %add3A_454 : i32
        %get3A_456 = arith.index_cast %add3A_455 : i32 to index
        %get3A_457 = arith.constant 48 : index
        %get3A_458 = tpu.vector_load %arg10[%get3A_456, %get3A_457] {strides = array<i32>} : memref<256x64xf32, #tpu.memory_space<vmem>>, vector<1x16xf32>,
        %get3A_459 = vector.shape_cast %get3A_458 : vector<1x16xf32> to vector<16xf32>
        %mul3A_460 = arith.constant 8.000000e+00 : f32
        %mul3A_461 = vector.broadcast %mul3A_460 : f32 to vector<16xf32>
        %mul3A_462 = arith.mulf %get3A_459, %mul3A_461 : vector<16xf32>
        %add3A_463 = arith.constant 4 : i32
        %add3A_464 = arith.addi %mul3A_151, %add3A_463 : i32
        %swap3A_465 = arith.index_cast %add3A_464 : i32 to index
        %swap3A_466 = arith.constant 48 : index
        %swap3A_467 = tpu.vector_load %arg14[%swap3A_465, %swap3A_466] {strides = array<i32>} : memref<256x64xf32, #tpu.memory_space<vmem>>, vector<1x16xf32>,
        %swap3A_468 = vector.shape_cast %swap3A_467 : vector<1x16xf32> to vector<16xf32>
        %swap3A_469 = vector.shape_cast %mul3A_462 : vector<16xf32> to vector<1x16xf32>
        tpu.vector_store %arg14[%swap3A_465, %swap3A_466], %swap3A_469 {strides = array<i32>} : memref<256x64xf32, #tpu.memory_space<vmem>>, vector<1x16xf32>,
        %add3A_470 = arith.constant 5 : i32
        %add3A_471 = arith.addi %mul3A_151, %add3A_470 : i32
        %get3A_472 = arith.index_cast %add3A_471 : i32 to index
        %get3A_473 = arith.constant 0 : index
        %get3A_474 = tpu.vector_load %arg10[%get3A_472, %get3A_473] {strides = array<i32>} : memref<256x64xf32, #tpu.memory_space<vmem>>, vector<1x16xf32>,
        %get3A_475 = vector.shape_cast %get3A_474 : vector<1x16xf32> to vector<16xf32>
        %mul3A_476 = arith.constant 8.000000e+00 : f32
        %mul3A_477 = vector.broadcast %mul3A_476 : f32 to vector<16xf32>
        %mul3A_478 = arith.mulf %get3A_475, %mul3A_477 : vector<16xf32>
        %add3A_479 = arith.constant 5 : i32
        %add3A_480 = arith.addi %mul3A_151, %add3A_479 : i32
        %swap3A_481 = arith.index_cast %add3A_480 : i32 to index
        %swap3A_482 = arith.constant 0 : index
        %swap3A_483 = tpu.vector_load %arg14[%swap3A_481, %swap3A_482] {strides = array<i32>} : memref<256x64xf32, #tpu.memory_space<vmem>>, vector<1x16xf32>,
        %swap3A_484 = vector.shape_cast %swap3A_483 : vector<1x16xf32> to vector<16xf32>
        %swap3A_485 = vector.shape_cast %mul3A_478 : vector<16xf32> to vector<1x16xf32>
        tpu.vector_store %arg14[%swap3A_481, %swap3A_482], %swap3A_485 {strides = array<i32>} : memref<256x64xf32, #tpu.memory_space<vmem>>, vector<1x16xf32>,
        %add3A_486 = arith.constant 5 : i32
        %add3A_487 = arith.addi %mul3A_151, %add3A_486 : i32
        %get3A_488 = arith.index_cast %add3A_487 : i32 to index
        %get3A_489 = arith.constant 16 : index
        %get3A_490 = tpu.vector_load %arg10[%get3A_488, %get3A_489] {strides = array<i32>} : memref<256x64xf32, #tpu.memory_space<vmem>>, vector<1x16xf32>,
        %get3A_491 = vector.shape_cast %get3A_490 : vector<1x16xf32> to vector<16xf32>
        %mul3A_492 = arith.constant 8.000000e+00 : f32
        %mul3A_493 = vector.broadcast %mul3A_492 : f32 to vector<16xf32>
        %mul3A_494 = arith.mulf %get3A_491, %mul3A_493 : vector<16xf32>
        %add3A_495 = arith.constant 5 : i32
        %add3A_496 = arith.addi %mul3A_151, %add3A_495 : i32
        %swap3A_497 = arith.index_cast %add3A_496 : i32 to index
        %swap3A_498 = arith.constant 16 : index
        %swap3A_499 = tpu.vector_load %arg14[%swap3A_497, %swap3A_498] {strides = array<i32>} : memref<256x64xf32, #tpu.memory_space<vmem>>, vector<1x16xf32>,
        %swap3A_500 = vector.shape_cast %swap3A_499 : vector<1x16xf32> to vector<16xf32>
        %swap3A_501 = vector.shape_cast %mul3A_494 : vector<16xf32> to vector<1x16xf32>
        tpu.vector_store %arg14[%swap3A_497, %swap3A_498], %swap3A_501 {strides = array<i32>} : memref<256x64xf32, #tpu.memory_space<vmem>>, vector<1x16xf32>,
        %add3A_502 = arith.constant 5 : i32
        %add3A_503 = arith.addi %mul3A_151, %add3A_502 : i32
        %get3A_504 = arith.index_cast %add3A_503 : i32 to index
        %get3A_505 = arith.constant 32 : index
        %get3A_506 = tpu.vector_load %arg10[%get3A_504, %get3A_505] {strides = array<i32>} : memref<256x64xf32, #tpu.memory_space<vmem>>, vector<1x16xf32>,
        %get3A_507 = vector.shape_cast %get3A_506 : vector<1x16xf32> to vector<16xf32>
        %mul3A_508 = arith.constant 8.000000e+00 : f32
        %mul3A_509 = vector.broadcast %mul3A_508 : f32 to vector<16xf32>
        %mul3A_510 = arith.mulf %get3A_507, %mul3A_509 : vector<16xf32>
        %add3A_511 = arith.constant 5 : i32
        %add3A_512 = arith.addi %mul3A_151, %add3A_511 : i32
        %swap3A_513 = arith.index_cast %add3A_512 : i32 to index
        %swap3A_514 = arith.constant 32 : index
        %swap3A_515 = tpu.vector_load %arg14[%swap3A_513, %swap3A_514] {strides = array<i32>} : memref<256x64xf32, #tpu.memory_space<vmem>>, vector<1x16xf32>,
        %swap3A_516 = vector.shape_cast %swap3A_515 : vector<1x16xf32> to vector<16xf32>
        %swap3A_517 = vector.shape_cast %mul3A_510 : vector<16xf32> to vector<1x16xf32>
        tpu.vector_store %arg14[%swap3A_513, %swap3A_514], %swap3A_517 {strides = array<i32>} : memref<256x64xf32, #tpu.memory_space<vmem>>, vector<1x16xf32>,
        %add3A_518 = arith.constant 5 : i32
        %add3A_519 = arith.addi %mul3A_151, %add3A_518 : i32
        %get3A_520 = arith.index_cast %add3A_519 : i32 to index
        %get3A_521 = arith.constant 48 : index
        %get3A_522 = tpu.vector_load %arg10[%get3A_520, %get3A_521] {strides = array<i32>} : memref<256x64xf32, #tpu.memory_space<vmem>>, vector<1x16xf32>,
        %get3A_523 = vector.shape_cast %get3A_522 : vector<1x16xf32> to vector<16xf32>
        %mul3A_524 = arith.constant 8.000000e+00 : f32
        %mul3A_525 = vector.broadcast %mul3A_524 : f32 to vector<16xf32>
        %mul3A_526 = arith.mulf %get3A_523, %mul3A_525 : vector<16xf32>
        %add3A_527 = arith.constant 5 : i32
        %add3A_528 = arith.addi %mul3A_151, %add3A_527 : i32
        %swap3A_529 = arith.index_cast %add3A_528 : i32 to index
        %swap3A_530 = arith.constant 48 : index
        %swap3A_531 = tpu.vector_load %arg14[%swap3A_529, %swap3A_530] {strides = array<i32>} : memref<256x64xf32, #tpu.memory_space<vmem>>, vector<1x16xf32>,
        %swap3A_532 = vector.shape_cast %swap3A_531 : vector<1x16xf32> to vector<16xf32>
        %swap3A_533 = vector.shape_cast %mul3A_526 : vector<16xf32> to vector<1x16xf32>
        tpu.vector_store %arg14[%swap3A_529, %swap3A_530], %swap3A_533 {strides = array<i32>} : memref<256x64xf32, #tpu.memory_space<vmem>>, vector<1x16xf32>,
        %add3A_534 = arith.constant 6 : i32
        %add3A_535 = arith.addi %mul3A_151, %add3A_534 : i32
        %get3A_536 = arith.index_cast %add3A_535 : i32 to index
        %get3A_537 = arith.constant 0 : index
        %get3A_538 = tpu.vector_load %arg10[%get3A_536, %get3A_537] {strides = array<i32>} : memref<256x64xf32, #tpu.memory_space<vmem>>, vector<1x16xf32>,
        %get3A_539 = vector.shape_cast %get3A_538 : vector<1x16xf32> to vector<16xf32>
        %mul3A_540 = arith.constant 8.000000e+00 : f32
        %mul3A_541 = vector.broadcast %mul3A_540 : f32 to vector<16xf32>
        %mul3A_542 = arith.mulf %get3A_539, %mul3A_541 : vector<16xf32>
        %add3A_543 = arith.constant 6 : i32
        %add3A_544 = arith.addi %mul3A_151, %add3A_543 : i32
        %swap3A_545 = arith.index_cast %add3A_544 : i32 to index
        %swap3A_546 = arith.constant 0 : index
        %swap3A_547 = tpu.vector_load %arg14[%swap3A_545, %swap3A_546] {strides = array<i32>} : memref<256x64xf32, #tpu.memory_space<vmem>>, vector<1x16xf32>,
        %swap3A_548 = vector.shape_cast %swap3A_547 : vector<1x16xf32> to vector<16xf32>
        %swap3A_549 = vector.shape_cast %mul3A_542 : vector<16xf32> to vector<1x16xf32>
        tpu.vector_store %arg14[%swap3A_545, %swap3A_546], %swap3A_549 {strides = array<i32>} : memref<256x64xf32, #tpu.memory_space<vmem>>, vector<1x16xf32>,
        %add3A_550 = arith.constant 6 : i32
        %add3A_551 = arith.addi %mul3A_151, %add3A_550 : i32
        %get3A_552 = arith.index_cast %add3A_551 : i32 to index
        %get3A_553 = arith.constant 16 : index
        %get3A_554 = tpu.vector_load %arg10[%get3A_552, %get3A_553] {strides = array<i32>} : memref<256x64xf32, #tpu.memory_space<vmem>>, vector<1x16xf32>,
        %get3A_555 = vector.shape_cast %get3A_554 : vector<1x16xf32> to vector<16xf32>
        %mul3A_556 = arith.constant 8.000000e+00 : f32
        %mul3A_557 = vector.broadcast %mul3A_556 : f32 to vector<16xf32>
        %mul3A_558 = arith.mulf %get3A_555, %mul3A_557 : vector<16xf32>
        %add3A_559 = arith.constant 6 : i32
        %add3A_560 = arith.addi %mul3A_151, %add3A_559 : i32
        %swap3A_561 = arith.index_cast %add3A_560 : i32 to index
        %swap3A_562 = arith.constant 16 : index
        %swap3A_563 = tpu.vector_load %arg14[%swap3A_561, %swap3A_562] {strides = array<i32>} : memref<256x64xf32, #tpu.memory_space<vmem>>, vector<1x16xf32>,
        %swap3A_564 = vector.shape_cast %swap3A_563 : vector<1x16xf32> to vector<16xf32>
        %swap3A_565 = vector.shape_cast %mul3A_558 : vector<16xf32> to vector<1x16xf32>
        tpu.vector_store %arg14[%swap3A_561, %swap3A_562], %swap3A_565 {strides = array<i32>} : memref<256x64xf32, #tpu.memory_space<vmem>>, vector<1x16xf32>,
        %add3A_566 = arith.constant 6 : i32
        %add3A_567 = arith.addi %mul3A_151, %add3A_566 : i32
        %get3A_568 = arith.index_cast %add3A_567 : i32 to index
        %get3A_569 = arith.constant 32 : index
        %get3A_570 = tpu.vector_load %arg10[%get3A_568, %get3A_569] {strides = array<i32>} : memref<256x64xf32, #tpu.memory_space<vmem>>, vector<1x16xf32>,
        %get3A_571 = vector.shape_cast %get3A_570 : vector<1x16xf32> to vector<16xf32>
        %mul3A_572 = arith.constant 8.000000e+00 : f32
        %mul3A_573 = vector.broadcast %mul3A_572 : f32 to vector<16xf32>
        %mul3A_574 = arith.mulf %get3A_571, %mul3A_573 : vector<16xf32>
        %add3A_575 = arith.constant 6 : i32
        %add3A_576 = arith.addi %mul3A_151, %add3A_575 : i32
        %swap3A_577 = arith.index_cast %add3A_576 : i32 to index
        %swap3A_578 = arith.constant 32 : index
        %swap3A_579 = tpu.vector_load %arg14[%swap3A_577, %swap3A_578] {strides = array<i32>} : memref<256x64xf32, #tpu.memory_space<vmem>>, vector<1x16xf32>,
        %swap3A_580 = vector.shape_cast %swap3A_579 : vector<1x16xf32> to vector<16xf32>
        %swap3A_581 = vector.shape_cast %mul3A_574 : vector<16xf32> to vector<1x16xf32>
        tpu.vector_store %arg14[%swap3A_577, %swap3A_578], %swap3A_581 {strides = array<i32>} : memref<256x64xf32, #tpu.memory_space<vmem>>, vector<1x16xf32>,
        %add3A_582 = arith.constant 6 : i32
        %add3A_583 = arith.addi %mul3A_151, %add3A_582 : i32
        %get3A_584 = arith.index_cast %add3A_583 : i32 to index
        %get3A_585 = arith.constant 48 : index
        %get3A_586 = tpu.vector_load %arg10[%get3A_584, %get3A_585] {strides = array<i32>} : memref<256x64xf32, #tpu.memory_space<vmem>>, vector<1x16xf32>,
        %get3A_587 = vector.shape_cast %get3A_586 : vector<1x16xf32> to vector<16xf32>
        %mul3A_588 = arith.constant 8.000000e+00 : f32
        %mul3A_589 = vector.broadcast %mul3A_588 : f32 to vector<16xf32>
        %mul3A_590 = arith.mulf %get3A_587, %mul3A_589 : vector<16xf32>
        %add3A_591 = arith.constant 6 : i32
        %add3A_592 = arith.addi %mul3A_151, %add3A_591 : i32
        %swap3A_593 = arith.index_cast %add3A_592 : i32 to index
        %swap3A_594 = arith.constant 48 : index
        %swap3A_595 = tpu.vector_load %arg14[%swap3A_593, %swap3A_594] {strides = array<i32>} : memref<256x64xf32, #tpu.memory_space<vmem>>, vector<1x16xf32>,
        %swap3A_596 = vector.shape_cast %swap3A_595 : vector<1x16xf32> to vector<16xf32>
        %swap3A_597 = vector.shape_cast %mul3A_590 : vector<16xf32> to vector<1x16xf32>
        tpu.vector_store %arg14[%swap3A_593, %swap3A_594], %swap3A_597 {strides = array<i32>} : memref<256x64xf32, #tpu.memory_space<vmem>>, vector<1x16xf32>,
        %add3A_598 = arith.constant 7 : i32
        %add3A_599 = arith.addi %mul3A_151, %add3A_598 : i32
        %get3A_600 = arith.index_cast %add3A_599 : i32 to index
        %get3A_601 = arith.constant 0 : index
        %get3A_602 = tpu.vector_load %arg10[%get3A_600, %get3A_601] {strides = array<i32>} : memref<256x64xf32, #tpu.memory_space<vmem>>, vector<1x16xf32>,
        %get3A_603 = vector.shape_cast %get3A_602 : vector<1x16xf32> to vector<16xf32>
        %mul3A_604 = arith.constant 8.000000e+00 : f32
        %mul3A_605 = vector.broadcast %mul3A_604 : f32 to vector<16xf32>
        %mul3A_606 = arith.mulf %get3A_603, %mul3A_605 : vector<16xf32>
        %add3A_607 = arith.constant 7 : i32
        %add3A_608 = arith.addi %mul3A_151, %add3A_607 : i32
        %swap3A_609 = arith.index_cast %add3A_608 : i32 to index
        %swap3A_610 = arith.constant 0 : index
        %swap3A_611 = tpu.vector_load %arg14[%swap3A_609, %swap3A_610] {strides = array<i32>} : memref<256x64xf32, #tpu.memory_space<vmem>>, vector<1x16xf32>,
        %swap3A_612 = vector.shape_cast %swap3A_611 : vector<1x16xf32> to vector<16xf32>
        %swap3A_613 = vector.shape_cast %mul3A_606 : vector<16xf32> to vector<1x16xf32>
        tpu.vector_store %arg14[%swap3A_609, %swap3A_610], %swap3A_613 {strides = array<i32>} : memref<256x64xf32, #tpu.memory_space<vmem>>, vector<1x16xf32>,
        %add3A_614 = arith.constant 7 : i32
        %add3A_615 = arith.addi %mul3A_151, %add3A_614 : i32
        %get3A_616 = arith.index_cast %add3A_615 : i32 to index
        %get3A_617 = arith.constant 16 : index
        %get3A_618 = tpu.vector_load %arg10[%get3A_616, %get3A_617] {strides = array<i32>} : memref<256x64xf32, #tpu.memory_space<vmem>>, vector<1x16xf32>,
        %get3A_619 = vector.shape_cast %get3A_618 : vector<1x16xf32> to vector<16xf32>
        %mul3A_620 = arith.constant 8.000000e+00 : f32
        %mul3A_621 = vector.broadcast %mul3A_620 : f32 to vector<16xf32>
        %mul3A_622 = arith.mulf %get3A_619, %mul3A_621 : vector<16xf32>
        %add3A_623 = arith.constant 7 : i32
        %add3A_624 = arith.addi %mul3A_151, %add3A_623 : i32
        %swap3A_625 = arith.index_cast %add3A_624 : i32 to index
        %swap3A_626 = arith.constant 16 : index
        %swap3A_627 = tpu.vector_load %arg14[%swap3A_625, %swap3A_626] {strides = array<i32>} : memref<256x64xf32, #tpu.memory_space<vmem>>, vector<1x16xf32>,
        %swap3A_628 = vector.shape_cast %swap3A_627 : vector<1x16xf32> to vector<16xf32>
        %swap3A_629 = vector.shape_cast %mul3A_622 : vector<16xf32> to vector<1x16xf32>
        tpu.vector_store %arg14[%swap3A_625, %swap3A_626], %swap3A_629 {strides = array<i32>} : memref<256x64xf32, #tpu.memory_space<vmem>>, vector<1x16xf32>,
        %add3A_630 = arith.constant 7 : i32
        %add3A_631 = arith.addi %mul3A_151, %add3A_630 : i32
        %get3A_632 = arith.index_cast %add3A_631 : i32 to index
        %get3A_633 = arith.constant 32 : index
        %get3A_634 = tpu.vector_load %arg10[%get3A_632, %get3A_633] {strides = array<i32>} : memref<256x64xf32, #tpu.memory_space<vmem>>, vector<1x16xf32>,
        %get3A_635 = vector.shape_cast %get3A_634 : vector<1x16xf32> to vector<16xf32>
        %mul3A_636 = arith.constant 8.000000e+00 : f32
        %mul3A_637 = vector.broadcast %mul3A_636 : f32 to vector<16xf32>
        %mul3A_638 = arith.mulf %get3A_635, %mul3A_637 : vector<16xf32>
        %add3A_639 = arith.constant 7 : i32
        %add3A_640 = arith.addi %mul3A_151, %add3A_639 : i32
        %swap3A_641 = arith.index_cast %add3A_640 : i32 to index
        %swap3A_642 = arith.constant 32 : index
        %swap3A_643 = tpu.vector_load %arg14[%swap3A_641, %swap3A_642] {strides = array<i32>} : memref<256x64xf32, #tpu.memory_space<vmem>>, vector<1x16xf32>,
        %swap3A_644 = vector.shape_cast %swap3A_643 : vector<1x16xf32> to vector<16xf32>
        %swap3A_645 = vector.shape_cast %mul3A_638 : vector<16xf32> to vector<1x16xf32>
        tpu.vector_store %arg14[%swap3A_641, %swap3A_642], %swap3A_645 {strides = array<i32>} : memref<256x64xf32, #tpu.memory_space<vmem>>, vector<1x16xf32>,
        %add3A_646 = arith.constant 7 : i32
        %add3A_647 = arith.addi %mul3A_151, %add3A_646 : i32
        %get3A_648 = arith.index_cast %add3A_647 : i32 to index
        %get3A_649 = arith.constant 48 : index
        %get3A_650 = tpu.vector_load %arg10[%get3A_648, %get3A_649] {strides = array<i32>} : memref<256x64xf32, #tpu.memory_space<vmem>>, vector<1x16xf32>,
        %get3A_651 = vector.shape_cast %get3A_650 : vector<1x16xf32> to vector<16xf32>
        %mul3A_652 = arith.constant 8.000000e+00 : f32
        %mul3A_653 = vector.broadcast %mul3A_652 : f32 to vector<16xf32>
        %mul3A_654 = arith.mulf %get3A_651, %mul3A_653 : vector<16xf32>
        %add3A_655 = arith.constant 7 : i32
        %add3A_656 = arith.addi %mul3A_151, %add3A_655 : i32
        %swap3A_657 = arith.index_cast %add3A_656 : i32 to index
        %swap3A_658 = arith.constant 48 : index
        %swap3A_659 = tpu.vector_load %arg14[%swap3A_657, %swap3A_658] {strides = array<i32>} : memref<256x64xf32, #tpu.memory_space<vmem>>, vector<1x16xf32>,
        %swap3A_660 = vector.shape_cast %swap3A_659 : vector<1x16xf32> to vector<16xf32>
        %swap3A_661 = vector.shape_cast %mul3A_654 : vector<16xf32> to vector<1x16xf32>
        tpu.vector_store %arg14[%swap3A_657, %swap3A_658], %swap3A_661 {strides = array<i32>} : memref<256x64xf32, #tpu.memory_space<vmem>>, vector<1x16xf32>,
      }
      %scan3A_78 = arith.constant 32 : i32
      %mul3A_79 = arith.constant 256 : i32
      %mul3A_80 = arith.muli %add3A_64, %mul3A_79 : i32
      %add3A_81 = arith.addi %mul3A_2, %mul3A_80 : i32
      %dma_start3A_82 = arith.constant 0 : i32
      %dma_start3A_83 = tpu.memref_slice %arg4[%add3A_81, %dma_start3A_82] : memref<819200x64xf32, #tpu.memory_space<hbm>> -> memref<256x64xf32, #tpu.memory_space<hbm>>
      %dma_start3A_84 = arith.constant 0 : i32
      %dma_start3A_85 = tpu.memref_slice %arg4[%add3A_81, %dma_start3A_84] : memref<819200x64xf32, #tpu.memory_space<hbm>> -> memref<256x64xf32, #tpu.memory_space<hbm>>
      tpu.enqueue_dma source(%arg14 : memref<256x64xf32, #tpu.memory_space<vmem>>) target(%dma_start3A_85 : memref<256x64xf32, #tpu.memory_space<hbm>>) target_semaphore(%arg20 : memref<!tpu.dma_semaphore, #tpu.memory_space<semaphore_mem>>)
      %lt3A_86 = arith.constant 24 : i32
      %lt3A_87 = arith.cmpi slt, %scan3A_34, %lt3A_86 : i32
      %convert_element_type3A_88 = arith.extui %lt3A_87 : i1 to i32
      %cond3A_89 = arith.constant 0 : i32
      %cond3A_90 = arith.cmpi ne, %convert_element_type3A_88, %cond3A_89 : i32
      scf.if %cond3A_90 {
        %add3A_149 = arith.constant 4 : i32
        %add3A_150 = arith.addi %add3A_64, %add3A_149 : i32
        %mul3A_151 = arith.constant 256 : i32
        %mul3A_152 = arith.muli %add3A_150, %mul3A_151 : i32
        %add3A_153 = arith.addi %mul3A_2, %mul3A_152 : i32
        "tpu.region"() ({
          %run_scoped3A = tpu.sem_alloc : memref<!tpu.dma_semaphore, #tpu.memory_space<semaphore_mem>>
          %dma_start3A_157 = tpu.memref_slice %arg2[%add3A_153] : memref<819200xi32, #tpu.memory_space<hbm>> -> memref<256xi32, #tpu.memory_space<hbm>>
          %dma_start3A_158 = tpu.memref_slice %arg2[%add3A_153] : memref<819200xi32, #tpu.memory_space<hbm>> -> memref<256xi32, #tpu.memory_space<hbm>>
          tpu.enqueue_dma source(%dma_start3A_158 : memref<256xi32, #tpu.memory_space<hbm>>) target(%arg6 : memref<256xi32, #tpu.memory_space<vmem>>) target_semaphore(%run_scoped3A : memref<!tpu.dma_semaphore, #tpu.memory_space<semaphore_mem>>)
          %dma_wait3A_159 = tpu.memref_slice %arg2[%add3A_153] : memref<819200xi32, #tpu.memory_space<hbm>> -> memref<256xi32, #tpu.memory_space<hbm>>
          %dma_wait3A_160 = tpu.memref_slice %arg2[%add3A_153] : memref<819200xi32, #tpu.memory_space<hbm>> -> memref<256xi32, #tpu.memory_space<hbm>>
          tpu.wait_dma2 semaphore(%run_scoped3A : memref<!tpu.dma_semaphore, #tpu.memory_space<semaphore_mem>>) src(%dma_wait3A_160 : memref<256xi32, #tpu.memory_space<hbm>>) dst(%arg6 : memref<256xi32, #tpu.memory_space<vmem>>)
          tpu.yield
        }) : () -> ()
        %dma_start3A_154 = arith.constant 0 : i32
        %dma_start3A_155 = arith.constant 0 : i32
        %dma_start3A_156 = tpu.memref_slice %arg3[%dma_start3A_154, %dma_start3A_155] : memref<1000000x64xf32, #tpu.memory_space<hbm>> -> memref<1000000x64xf32, #tpu.memory_space<hbm>>
        tpu.enqueue_indirect_dma source(%dma_start3A_156 : memref<1000000x64xf32, #tpu.memory_space<hbm>>) target(%arg10 : memref<256x64xf32, #tpu.memory_space<vmem>>) offsets(%arg6 : memref<256xi32, #tpu.memory_space<vmem>>) semaphore(%arg16 : memref<!tpu.dma_semaphore, #tpu.memory_space<semaphore_mem>>)
      } else {
      }
      %mul3A_91 = arith.constant 4 : i32
      %mul3A_92 = arith.muli %scan3A_34, %mul3A_91 : i32
      %add3A_93 = arith.constant 2 : i32
      %add3A_94 = arith.addi %mul3A_92, %add3A_93 : i32
      %dma_wait3A_95 = arith.constant 0 : i32
      %dma_wait3A_96 = arith.constant 0 : i32
      %dma_wait3A_97 = tpu.memref_slice %arg3[%dma_wait3A_95, %dma_wait3A_96] : memref<1000000x64xf32, #tpu.memory_space<hbm>> -> memref<1000000x64xf32, #tpu.memory_space<hbm>>
      tpu.wait_indirect_dma semaphore(%arg17 : memref<!tpu.dma_semaphore, #tpu.memory_space<semaphore_mem>>) src(%dma_wait3A_97 : memref<1000000x64xf32, #tpu.memory_space<hbm>>) dst(%arg11 : memref<256x64xf32, #tpu.memory_space<vmem>>)
      %dma_wait3A_98 = arith.constant 0 : i32
      %dma_wait3A_99 = tpu.memref_slice %arg4[%mul3A_2, %dma_wait3A_98] : memref<819200x64xf32, #tpu.memory_space<hbm>> -> memref<256x64xf32, #tpu.memory_space<hbm>>
      %dma_wait3A_100 = arith.constant 0 : i32
      %dma_wait3A_101 = tpu.memref_slice %arg4[%mul3A_2, %dma_wait3A_100] : memref<819200x64xf32, #tpu.memory_space<hbm>> -> memref<256x64xf32, #tpu.memory_space<hbm>>
      tpu.wait_dma2 semaphore(%arg19 : memref<!tpu.dma_semaphore, #tpu.memory_space<semaphore_mem>>) src(%arg13 : memref<256x64xf32, #tpu.memory_space<vmem>>) dst(%dma_wait3A_101 : memref<256x64xf32, #tpu.memory_space<hbm>>)
      %scan3A_102 = arith.constant 0 : i32
      %scan3A_103 = arith.constant 0 : i32
      %scan3A_104 = arith.constant 32 : i32
      %scan3A_105 = arith.addi %scan3A_103, %scan3A_104 : i32
      %scan3A_106 = arith.constant 1 : i32
      scf.for %scan3A_149 = %scan3A_103 to %scan3A_105 step %scan3A_106  : i32 {
        %mul3A_150 = arith.constant 8 : i32
        %mul3A_151 = arith.muli %scan3A_149, %mul3A_150 : i32
        %add3A_152 = arith.constant 0 : i32
        %add3A_153 = arith.addi %mul3A_151, %add3A_152 : i32
        %get3A = arith.index_cast %add3A_153 : i32 to index
        %get3A_154 = arith.constant 0 : index
        %get3A_155 = tpu.vector_load %arg11[%get3A, %get3A_154] {strides = array<i32>} : memref<256x64xf32, #tpu.memory_space<vmem>>, vector<1x16xf32>,
        %get3A_156 = vector.shape_cast %get3A_155 : vector<1x16xf32> to vector<16xf32>
        %mul3A_157 = arith.constant 8.000000e+00 : f32
        %mul3A_158 = vector.broadcast %mul3A_157 : f32 to vector<16xf32>
        %mul3A_159 = arith.mulf %get3A_156, %mul3A_158 : vector<16xf32>
        %add3A_160 = arith.constant 0 : i32
        %add3A_161 = arith.addi %mul3A_151, %add3A_160 : i32
        %swap3A = arith.index_cast %add3A_161 : i32 to index
        %swap3A_162 = arith.constant 0 : index
        %swap3A_163 = tpu.vector_load %arg13[%swap3A, %swap3A_162] {strides = array<i32>} : memref<256x64xf32, #tpu.memory_space<vmem>>, vector<1x16xf32>,
        %swap3A_164 = vector.shape_cast %swap3A_163 : vector<1x16xf32> to vector<16xf32>
        %swap3A_165 = vector.shape_cast %mul3A_159 : vector<16xf32> to vector<1x16xf32>
        tpu.vector_store %arg13[%swap3A, %swap3A_162], %swap3A_165 {strides = array<i32>} : memref<256x64xf32, #tpu.memory_space<vmem>>, vector<1x16xf32>,
        %add3A_166 = arith.constant 0 : i32
        %add3A_167 = arith.addi %mul3A_151, %add3A_166 : i32
        %get3A_168 = arith.index_cast %add3A_167 : i32 to index
        %get3A_169 = arith.constant 16 : index
        %get3A_170 = tpu.vector_load %arg11[%get3A_168, %get3A_169] {strides = array<i32>} : memref<256x64xf32, #tpu.memory_space<vmem>>, vector<1x16xf32>,
        %get3A_171 = vector.shape_cast %get3A_170 : vector<1x16xf32> to vector<16xf32>
        %mul3A_172 = arith.constant 8.000000e+00 : f32
        %mul3A_173 = vector.broadcast %mul3A_172 : f32 to vector<16xf32>
        %mul3A_174 = arith.mulf %get3A_171, %mul3A_173 : vector<16xf32>
        %add3A_175 = arith.constant 0 : i32
        %add3A_176 = arith.addi %mul3A_151, %add3A_175 : i32
        %swap3A_177 = arith.index_cast %add3A_176 : i32 to index
        %swap3A_178 = arith.constant 16 : index
        %swap3A_179 = tpu.vector_load %arg13[%swap3A_177, %swap3A_178] {strides = array<i32>} : memref<256x64xf32, #tpu.memory_space<vmem>>, vector<1x16xf32>,
        %swap3A_180 = vector.shape_cast %swap3A_179 : vector<1x16xf32> to vector<16xf32>
        %swap3A_181 = vector.shape_cast %mul3A_174 : vector<16xf32> to vector<1x16xf32>
        tpu.vector_store %arg13[%swap3A_177, %swap3A_178], %swap3A_181 {strides = array<i32>} : memref<256x64xf32, #tpu.memory_space<vmem>>, vector<1x16xf32>,
        %add3A_182 = arith.constant 0 : i32
        %add3A_183 = arith.addi %mul3A_151, %add3A_182 : i32
        %get3A_184 = arith.index_cast %add3A_183 : i32 to index
        %get3A_185 = arith.constant 32 : index
        %get3A_186 = tpu.vector_load %arg11[%get3A_184, %get3A_185] {strides = array<i32>} : memref<256x64xf32, #tpu.memory_space<vmem>>, vector<1x16xf32>,
        %get3A_187 = vector.shape_cast %get3A_186 : vector<1x16xf32> to vector<16xf32>
        %mul3A_188 = arith.constant 8.000000e+00 : f32
        %mul3A_189 = vector.broadcast %mul3A_188 : f32 to vector<16xf32>
        %mul3A_190 = arith.mulf %get3A_187, %mul3A_189 : vector<16xf32>
        %add3A_191 = arith.constant 0 : i32
        %add3A_192 = arith.addi %mul3A_151, %add3A_191 : i32
        %swap3A_193 = arith.index_cast %add3A_192 : i32 to index
        %swap3A_194 = arith.constant 32 : index
        %swap3A_195 = tpu.vector_load %arg13[%swap3A_193, %swap3A_194] {strides = array<i32>} : memref<256x64xf32, #tpu.memory_space<vmem>>, vector<1x16xf32>,
        %swap3A_196 = vector.shape_cast %swap3A_195 : vector<1x16xf32> to vector<16xf32>
        %swap3A_197 = vector.shape_cast %mul3A_190 : vector<16xf32> to vector<1x16xf32>
        tpu.vector_store %arg13[%swap3A_193, %swap3A_194], %swap3A_197 {strides = array<i32>} : memref<256x64xf32, #tpu.memory_space<vmem>>, vector<1x16xf32>,
        %add3A_198 = arith.constant 0 : i32
        %add3A_199 = arith.addi %mul3A_151, %add3A_198 : i32
        %get3A_200 = arith.index_cast %add3A_199 : i32 to index
        %get3A_201 = arith.constant 48 : index
        %get3A_202 = tpu.vector_load %arg11[%get3A_200, %get3A_201] {strides = array<i32>} : memref<256x64xf32, #tpu.memory_space<vmem>>, vector<1x16xf32>,
        %get3A_203 = vector.shape_cast %get3A_202 : vector<1x16xf32> to vector<16xf32>
        %mul3A_204 = arith.constant 8.000000e+00 : f32
        %mul3A_205 = vector.broadcast %mul3A_204 : f32 to vector<16xf32>
        %mul3A_206 = arith.mulf %get3A_203, %mul3A_205 : vector<16xf32>
        %add3A_207 = arith.constant 0 : i32
        %add3A_208 = arith.addi %mul3A_151, %add3A_207 : i32
        %swap3A_209 = arith.index_cast %add3A_208 : i32 to index
        %swap3A_210 = arith.constant 48 : index
        %swap3A_211 = tpu.vector_load %arg13[%swap3A_209, %swap3A_210] {strides = array<i32>} : memref<256x64xf32, #tpu.memory_space<vmem>>, vector<1x16xf32>,
        %swap3A_212 = vector.shape_cast %swap3A_211 : vector<1x16xf32> to vector<16xf32>
        %swap3A_213 = vector.shape_cast %mul3A_206 : vector<16xf32> to vector<1x16xf32>
        tpu.vector_store %arg13[%swap3A_209, %swap3A_210], %swap3A_213 {strides = array<i32>} : memref<256x64xf32, #tpu.memory_space<vmem>>, vector<1x16xf32>,
        %add3A_214 = arith.constant 1 : i32
        %add3A_215 = arith.addi %mul3A_151, %add3A_214 : i32
        %get3A_216 = arith.index_cast %add3A_215 : i32 to index
        %get3A_217 = arith.constant 0 : index
        %get3A_218 = tpu.vector_load %arg11[%get3A_216, %get3A_217] {strides = array<i32>} : memref<256x64xf32, #tpu.memory_space<vmem>>, vector<1x16xf32>,
        %get3A_219 = vector.shape_cast %get3A_218 : vector<1x16xf32> to vector<16xf32>
        %mul3A_220 = arith.constant 8.000000e+00 : f32
        %mul3A_221 = vector.broadcast %mul3A_220 : f32 to vector<16xf32>
        %mul3A_222 = arith.mulf %get3A_219, %mul3A_221 : vector<16xf32>
        %add3A_223 = arith.constant 1 : i32
        %add3A_224 = arith.addi %mul3A_151, %add3A_223 : i32
        %swap3A_225 = arith.index_cast %add3A_224 : i32 to index
        %swap3A_226 = arith.constant 0 : index
        %swap3A_227 = tpu.vector_load %arg13[%swap3A_225, %swap3A_226] {strides = array<i32>} : memref<256x64xf32, #tpu.memory_space<vmem>>, vector<1x16xf32>,
        %swap3A_228 = vector.shape_cast %swap3A_227 : vector<1x16xf32> to vector<16xf32>
        %swap3A_229 = vector.shape_cast %mul3A_222 : vector<16xf32> to vector<1x16xf32>
        tpu.vector_store %arg13[%swap3A_225, %swap3A_226], %swap3A_229 {strides = array<i32>} : memref<256x64xf32, #tpu.memory_space<vmem>>, vector<1x16xf32>,
        %add3A_230 = arith.constant 1 : i32
        %add3A_231 = arith.addi %mul3A_151, %add3A_230 : i32
        %get3A_232 = arith.index_cast %add3A_231 : i32 to index
        %get3A_233 = arith.constant 16 : index
        %get3A_234 = tpu.vector_load %arg11[%get3A_232, %get3A_233] {strides = array<i32>} : memref<256x64xf32, #tpu.memory_space<vmem>>, vector<1x16xf32>,
        %get3A_235 = vector.shape_cast %get3A_234 : vector<1x16xf32> to vector<16xf32>
        %mul3A_236 = arith.constant 8.000000e+00 : f32
        %mul3A_237 = vector.broadcast %mul3A_236 : f32 to vector<16xf32>
        %mul3A_238 = arith.mulf %get3A_235, %mul3A_237 : vector<16xf32>
        %add3A_239 = arith.constant 1 : i32
        %add3A_240 = arith.addi %mul3A_151, %add3A_239 : i32
        %swap3A_241 = arith.index_cast %add3A_240 : i32 to index
        %swap3A_242 = arith.constant 16 : index
        %swap3A_243 = tpu.vector_load %arg13[%swap3A_241, %swap3A_242] {strides = array<i32>} : memref<256x64xf32, #tpu.memory_space<vmem>>, vector<1x16xf32>,
        %swap3A_244 = vector.shape_cast %swap3A_243 : vector<1x16xf32> to vector<16xf32>
        %swap3A_245 = vector.shape_cast %mul3A_238 : vector<16xf32> to vector<1x16xf32>
        tpu.vector_store %arg13[%swap3A_241, %swap3A_242], %swap3A_245 {strides = array<i32>} : memref<256x64xf32, #tpu.memory_space<vmem>>, vector<1x16xf32>,
        %add3A_246 = arith.constant 1 : i32
        %add3A_247 = arith.addi %mul3A_151, %add3A_246 : i32
        %get3A_248 = arith.index_cast %add3A_247 : i32 to index
        %get3A_249 = arith.constant 32 : index
        %get3A_250 = tpu.vector_load %arg11[%get3A_248, %get3A_249] {strides = array<i32>} : memref<256x64xf32, #tpu.memory_space<vmem>>, vector<1x16xf32>,
        %get3A_251 = vector.shape_cast %get3A_250 : vector<1x16xf32> to vector<16xf32>
        %mul3A_252 = arith.constant 8.000000e+00 : f32
        %mul3A_253 = vector.broadcast %mul3A_252 : f32 to vector<16xf32>
        %mul3A_254 = arith.mulf %get3A_251, %mul3A_253 : vector<16xf32>
        %add3A_255 = arith.constant 1 : i32
        %add3A_256 = arith.addi %mul3A_151, %add3A_255 : i32
        %swap3A_257 = arith.index_cast %add3A_256 : i32 to index
        %swap3A_258 = arith.constant 32 : index
        %swap3A_259 = tpu.vector_load %arg13[%swap3A_257, %swap3A_258] {strides = array<i32>} : memref<256x64xf32, #tpu.memory_space<vmem>>, vector<1x16xf32>,
        %swap3A_260 = vector.shape_cast %swap3A_259 : vector<1x16xf32> to vector<16xf32>
        %swap3A_261 = vector.shape_cast %mul3A_254 : vector<16xf32> to vector<1x16xf32>
        tpu.vector_store %arg13[%swap3A_257, %swap3A_258], %swap3A_261 {strides = array<i32>} : memref<256x64xf32, #tpu.memory_space<vmem>>, vector<1x16xf32>,
        %add3A_262 = arith.constant 1 : i32
        %add3A_263 = arith.addi %mul3A_151, %add3A_262 : i32
        %get3A_264 = arith.index_cast %add3A_263 : i32 to index
        %get3A_265 = arith.constant 48 : index
        %get3A_266 = tpu.vector_load %arg11[%get3A_264, %get3A_265] {strides = array<i32>} : memref<256x64xf32, #tpu.memory_space<vmem>>, vector<1x16xf32>,
        %get3A_267 = vector.shape_cast %get3A_266 : vector<1x16xf32> to vector<16xf32>
        %mul3A_268 = arith.constant 8.000000e+00 : f32
        %mul3A_269 = vector.broadcast %mul3A_268 : f32 to vector<16xf32>
        %mul3A_270 = arith.mulf %get3A_267, %mul3A_269 : vector<16xf32>
        %add3A_271 = arith.constant 1 : i32
        %add3A_272 = arith.addi %mul3A_151, %add3A_271 : i32
        %swap3A_273 = arith.index_cast %add3A_272 : i32 to index
        %swap3A_274 = arith.constant 48 : index
        %swap3A_275 = tpu.vector_load %arg13[%swap3A_273, %swap3A_274] {strides = array<i32>} : memref<256x64xf32, #tpu.memory_space<vmem>>, vector<1x16xf32>,
        %swap3A_276 = vector.shape_cast %swap3A_275 : vector<1x16xf32> to vector<16xf32>
        %swap3A_277 = vector.shape_cast %mul3A_270 : vector<16xf32> to vector<1x16xf32>
        tpu.vector_store %arg13[%swap3A_273, %swap3A_274], %swap3A_277 {strides = array<i32>} : memref<256x64xf32, #tpu.memory_space<vmem>>, vector<1x16xf32>,
        %add3A_278 = arith.constant 2 : i32
        %add3A_279 = arith.addi %mul3A_151, %add3A_278 : i32
        %get3A_280 = arith.index_cast %add3A_279 : i32 to index
        %get3A_281 = arith.constant 0 : index
        %get3A_282 = tpu.vector_load %arg11[%get3A_280, %get3A_281] {strides = array<i32>} : memref<256x64xf32, #tpu.memory_space<vmem>>, vector<1x16xf32>,
        %get3A_283 = vector.shape_cast %get3A_282 : vector<1x16xf32> to vector<16xf32>
        %mul3A_284 = arith.constant 8.000000e+00 : f32
        %mul3A_285 = vector.broadcast %mul3A_284 : f32 to vector<16xf32>
        %mul3A_286 = arith.mulf %get3A_283, %mul3A_285 : vector<16xf32>
        %add3A_287 = arith.constant 2 : i32
        %add3A_288 = arith.addi %mul3A_151, %add3A_287 : i32
        %swap3A_289 = arith.index_cast %add3A_288 : i32 to index
        %swap3A_290 = arith.constant 0 : index
        %swap3A_291 = tpu.vector_load %arg13[%swap3A_289, %swap3A_290] {strides = array<i32>} : memref<256x64xf32, #tpu.memory_space<vmem>>, vector<1x16xf32>,
        %swap3A_292 = vector.shape_cast %swap3A_291 : vector<1x16xf32> to vector<16xf32>
        %swap3A_293 = vector.shape_cast %mul3A_286 : vector<16xf32> to vector<1x16xf32>
        tpu.vector_store %arg13[%swap3A_289, %swap3A_290], %swap3A_293 {strides = array<i32>} : memref<256x64xf32, #tpu.memory_space<vmem>>, vector<1x16xf32>,
        %add3A_294 = arith.constant 2 : i32
        %add3A_295 = arith.addi %mul3A_151, %add3A_294 : i32
        %get3A_296 = arith.index_cast %add3A_295 : i32 to index
        %get3A_297 = arith.constant 16 : index
        %get3A_298 = tpu.vector_load %arg11[%get3A_296, %get3A_297] {strides = array<i32>} : memref<256x64xf32, #tpu.memory_space<vmem>>, vector<1x16xf32>,
        %get3A_299 = vector.shape_cast %get3A_298 : vector<1x16xf32> to vector<16xf32>
        %mul3A_300 = arith.constant 8.000000e+00 : f32
        %mul3A_301 = vector.broadcast %mul3A_300 : f32 to vector<16xf32>
        %mul3A_302 = arith.mulf %get3A_299, %mul3A_301 : vector<16xf32>
        %add3A_303 = arith.constant 2 : i32
        %add3A_304 = arith.addi %mul3A_151, %add3A_303 : i32
        %swap3A_305 = arith.index_cast %add3A_304 : i32 to index
        %swap3A_306 = arith.constant 16 : index
        %swap3A_307 = tpu.vector_load %arg13[%swap3A_305, %swap3A_306] {strides = array<i32>} : memref<256x64xf32, #tpu.memory_space<vmem>>, vector<1x16xf32>,
        %swap3A_308 = vector.shape_cast %swap3A_307 : vector<1x16xf32> to vector<16xf32>
        %swap3A_309 = vector.shape_cast %mul3A_302 : vector<16xf32> to vector<1x16xf32>
        tpu.vector_store %arg13[%swap3A_305, %swap3A_306], %swap3A_309 {strides = array<i32>} : memref<256x64xf32, #tpu.memory_space<vmem>>, vector<1x16xf32>,
        %add3A_310 = arith.constant 2 : i32
        %add3A_311 = arith.addi %mul3A_151, %add3A_310 : i32
        %get3A_312 = arith.index_cast %add3A_311 : i32 to index
        %get3A_313 = arith.constant 32 : index
        %get3A_314 = tpu.vector_load %arg11[%get3A_312, %get3A_313] {strides = array<i32>} : memref<256x64xf32, #tpu.memory_space<vmem>>, vector<1x16xf32>,
        %get3A_315 = vector.shape_cast %get3A_314 : vector<1x16xf32> to vector<16xf32>
        %mul3A_316 = arith.constant 8.000000e+00 : f32
        %mul3A_317 = vector.broadcast %mul3A_316 : f32 to vector<16xf32>
        %mul3A_318 = arith.mulf %get3A_315, %mul3A_317 : vector<16xf32>
        %add3A_319 = arith.constant 2 : i32
        %add3A_320 = arith.addi %mul3A_151, %add3A_319 : i32
        %swap3A_321 = arith.index_cast %add3A_320 : i32 to index
        %swap3A_322 = arith.constant 32 : index
        %swap3A_323 = tpu.vector_load %arg13[%swap3A_321, %swap3A_322] {strides = array<i32>} : memref<256x64xf32, #tpu.memory_space<vmem>>, vector<1x16xf32>,
        %swap3A_324 = vector.shape_cast %swap3A_323 : vector<1x16xf32> to vector<16xf32>
        %swap3A_325 = vector.shape_cast %mul3A_318 : vector<16xf32> to vector<1x16xf32>
        tpu.vector_store %arg13[%swap3A_321, %swap3A_322], %swap3A_325 {strides = array<i32>} : memref<256x64xf32, #tpu.memory_space<vmem>>, vector<1x16xf32>,
        %add3A_326 = arith.constant 2 : i32
        %add3A_327 = arith.addi %mul3A_151, %add3A_326 : i32
        %get3A_328 = arith.index_cast %add3A_327 : i32 to index
        %get3A_329 = arith.constant 48 : index
        %get3A_330 = tpu.vector_load %arg11[%get3A_328, %get3A_329] {strides = array<i32>} : memref<256x64xf32, #tpu.memory_space<vmem>>, vector<1x16xf32>,
        %get3A_331 = vector.shape_cast %get3A_330 : vector<1x16xf32> to vector<16xf32>
        %mul3A_332 = arith.constant 8.000000e+00 : f32
        %mul3A_333 = vector.broadcast %mul3A_332 : f32 to vector<16xf32>
        %mul3A_334 = arith.mulf %get3A_331, %mul3A_333 : vector<16xf32>
        %add3A_335 = arith.constant 2 : i32
        %add3A_336 = arith.addi %mul3A_151, %add3A_335 : i32
        %swap3A_337 = arith.index_cast %add3A_336 : i32 to index
        %swap3A_338 = arith.constant 48 : index
        %swap3A_339 = tpu.vector_load %arg13[%swap3A_337, %swap3A_338] {strides = array<i32>} : memref<256x64xf32, #tpu.memory_space<vmem>>, vector<1x16xf32>,
        %swap3A_340 = vector.shape_cast %swap3A_339 : vector<1x16xf32> to vector<16xf32>
        %swap3A_341 = vector.shape_cast %mul3A_334 : vector<16xf32> to vector<1x16xf32>
        tpu.vector_store %arg13[%swap3A_337, %swap3A_338], %swap3A_341 {strides = array<i32>} : memref<256x64xf32, #tpu.memory_space<vmem>>, vector<1x16xf32>,
        %add3A_342 = arith.constant 3 : i32
        %add3A_343 = arith.addi %mul3A_151, %add3A_342 : i32
        %get3A_344 = arith.index_cast %add3A_343 : i32 to index
        %get3A_345 = arith.constant 0 : index
        %get3A_346 = tpu.vector_load %arg11[%get3A_344, %get3A_345] {strides = array<i32>} : memref<256x64xf32, #tpu.memory_space<vmem>>, vector<1x16xf32>,
        %get3A_347 = vector.shape_cast %get3A_346 : vector<1x16xf32> to vector<16xf32>
        %mul3A_348 = arith.constant 8.000000e+00 : f32
        %mul3A_349 = vector.broadcast %mul3A_348 : f32 to vector<16xf32>
        %mul3A_350 = arith.mulf %get3A_347, %mul3A_349 : vector<16xf32>
        %add3A_351 = arith.constant 3 : i32
        %add3A_352 = arith.addi %mul3A_151, %add3A_351 : i32
        %swap3A_353 = arith.index_cast %add3A_352 : i32 to index
        %swap3A_354 = arith.constant 0 : index
        %swap3A_355 = tpu.vector_load %arg13[%swap3A_353, %swap3A_354] {strides = array<i32>} : memref<256x64xf32, #tpu.memory_space<vmem>>, vector<1x16xf32>,
        %swap3A_356 = vector.shape_cast %swap3A_355 : vector<1x16xf32> to vector<16xf32>
        %swap3A_357 = vector.shape_cast %mul3A_350 : vector<16xf32> to vector<1x16xf32>
        tpu.vector_store %arg13[%swap3A_353, %swap3A_354], %swap3A_357 {strides = array<i32>} : memref<256x64xf32, #tpu.memory_space<vmem>>, vector<1x16xf32>,
        %add3A_358 = arith.constant 3 : i32
        %add3A_359 = arith.addi %mul3A_151, %add3A_358 : i32
        %get3A_360 = arith.index_cast %add3A_359 : i32 to index
        %get3A_361 = arith.constant 16 : index
        %get3A_362 = tpu.vector_load %arg11[%get3A_360, %get3A_361] {strides = array<i32>} : memref<256x64xf32, #tpu.memory_space<vmem>>, vector<1x16xf32>,
        %get3A_363 = vector.shape_cast %get3A_362 : vector<1x16xf32> to vector<16xf32>
        %mul3A_364 = arith.constant 8.000000e+00 : f32
        %mul3A_365 = vector.broadcast %mul3A_364 : f32 to vector<16xf32>
        %mul3A_366 = arith.mulf %get3A_363, %mul3A_365 : vector<16xf32>
        %add3A_367 = arith.constant 3 : i32
        %add3A_368 = arith.addi %mul3A_151, %add3A_367 : i32
        %swap3A_369 = arith.index_cast %add3A_368 : i32 to index
        %swap3A_370 = arith.constant 16 : index
        %swap3A_371 = tpu.vector_load %arg13[%swap3A_369, %swap3A_370] {strides = array<i32>} : memref<256x64xf32, #tpu.memory_space<vmem>>, vector<1x16xf32>,
        %swap3A_372 = vector.shape_cast %swap3A_371 : vector<1x16xf32> to vector<16xf32>
        %swap3A_373 = vector.shape_cast %mul3A_366 : vector<16xf32> to vector<1x16xf32>
        tpu.vector_store %arg13[%swap3A_369, %swap3A_370], %swap3A_373 {strides = array<i32>} : memref<256x64xf32, #tpu.memory_space<vmem>>, vector<1x16xf32>,
        %add3A_374 = arith.constant 3 : i32
        %add3A_375 = arith.addi %mul3A_151, %add3A_374 : i32
        %get3A_376 = arith.index_cast %add3A_375 : i32 to index
        %get3A_377 = arith.constant 32 : index
        %get3A_378 = tpu.vector_load %arg11[%get3A_376, %get3A_377] {strides = array<i32>} : memref<256x64xf32, #tpu.memory_space<vmem>>, vector<1x16xf32>,
        %get3A_379 = vector.shape_cast %get3A_378 : vector<1x16xf32> to vector<16xf32>
        %mul3A_380 = arith.constant 8.000000e+00 : f32
        %mul3A_381 = vector.broadcast %mul3A_380 : f32 to vector<16xf32>
        %mul3A_382 = arith.mulf %get3A_379, %mul3A_381 : vector<16xf32>
        %add3A_383 = arith.constant 3 : i32
        %add3A_384 = arith.addi %mul3A_151, %add3A_383 : i32
        %swap3A_385 = arith.index_cast %add3A_384 : i32 to index
        %swap3A_386 = arith.constant 32 : index
        %swap3A_387 = tpu.vector_load %arg13[%swap3A_385, %swap3A_386] {strides = array<i32>} : memref<256x64xf32, #tpu.memory_space<vmem>>, vector<1x16xf32>,
        %swap3A_388 = vector.shape_cast %swap3A_387 : vector<1x16xf32> to vector<16xf32>
        %swap3A_389 = vector.shape_cast %mul3A_382 : vector<16xf32> to vector<1x16xf32>
        tpu.vector_store %arg13[%swap3A_385, %swap3A_386], %swap3A_389 {strides = array<i32>} : memref<256x64xf32, #tpu.memory_space<vmem>>, vector<1x16xf32>,
        %add3A_390 = arith.constant 3 : i32
        %add3A_391 = arith.addi %mul3A_151, %add3A_390 : i32
        %get3A_392 = arith.index_cast %add3A_391 : i32 to index
        %get3A_393 = arith.constant 48 : index
        %get3A_394 = tpu.vector_load %arg11[%get3A_392, %get3A_393] {strides = array<i32>} : memref<256x64xf32, #tpu.memory_space<vmem>>, vector<1x16xf32>,
        %get3A_395 = vector.shape_cast %get3A_394 : vector<1x16xf32> to vector<16xf32>
        %mul3A_396 = arith.constant 8.000000e+00 : f32
        %mul3A_397 = vector.broadcast %mul3A_396 : f32 to vector<16xf32>
        %mul3A_398 = arith.mulf %get3A_395, %mul3A_397 : vector<16xf32>
        %add3A_399 = arith.constant 3 : i32
        %add3A_400 = arith.addi %mul3A_151, %add3A_399 : i32
        %swap3A_401 = arith.index_cast %add3A_400 : i32 to index
        %swap3A_402 = arith.constant 48 : index
        %swap3A_403 = tpu.vector_load %arg13[%swap3A_401, %swap3A_402] {strides = array<i32>} : memref<256x64xf32, #tpu.memory_space<vmem>>, vector<1x16xf32>,
        %swap3A_404 = vector.shape_cast %swap3A_403 : vector<1x16xf32> to vector<16xf32>
        %swap3A_405 = vector.shape_cast %mul3A_398 : vector<16xf32> to vector<1x16xf32>
        tpu.vector_store %arg13[%swap3A_401, %swap3A_402], %swap3A_405 {strides = array<i32>} : memref<256x64xf32, #tpu.memory_space<vmem>>, vector<1x16xf32>,
        %add3A_406 = arith.constant 4 : i32
        %add3A_407 = arith.addi %mul3A_151, %add3A_406 : i32
        %get3A_408 = arith.index_cast %add3A_407 : i32 to index
        %get3A_409 = arith.constant 0 : index
        %get3A_410 = tpu.vector_load %arg11[%get3A_408, %get3A_409] {strides = array<i32>} : memref<256x64xf32, #tpu.memory_space<vmem>>, vector<1x16xf32>,
        %get3A_411 = vector.shape_cast %get3A_410 : vector<1x16xf32> to vector<16xf32>
        %mul3A_412 = arith.constant 8.000000e+00 : f32
        %mul3A_413 = vector.broadcast %mul3A_412 : f32 to vector<16xf32>
        %mul3A_414 = arith.mulf %get3A_411, %mul3A_413 : vector<16xf32>
        %add3A_415 = arith.constant 4 : i32
        %add3A_416 = arith.addi %mul3A_151, %add3A_415 : i32
        %swap3A_417 = arith.index_cast %add3A_416 : i32 to index
        %swap3A_418 = arith.constant 0 : index
        %swap3A_419 = tpu.vector_load %arg13[%swap3A_417, %swap3A_418] {strides = array<i32>} : memref<256x64xf32, #tpu.memory_space<vmem>>, vector<1x16xf32>,
        %swap3A_420 = vector.shape_cast %swap3A_419 : vector<1x16xf32> to vector<16xf32>
        %swap3A_421 = vector.shape_cast %mul3A_414 : vector<16xf32> to vector<1x16xf32>
        tpu.vector_store %arg13[%swap3A_417, %swap3A_418], %swap3A_421 {strides = array<i32>} : memref<256x64xf32, #tpu.memory_space<vmem>>, vector<1x16xf32>,
        %add3A_422 = arith.constant 4 : i32
        %add3A_423 = arith.addi %mul3A_151, %add3A_422 : i32
        %get3A_424 = arith.index_cast %add3A_423 : i32 to index
        %get3A_425 = arith.constant 16 : index
        %get3A_426 = tpu.vector_load %arg11[%get3A_424, %get3A_425] {strides = array<i32>} : memref<256x64xf32, #tpu.memory_space<vmem>>, vector<1x16xf32>,
        %get3A_427 = vector.shape_cast %get3A_426 : vector<1x16xf32> to vector<16xf32>
        %mul3A_428 = arith.constant 8.000000e+00 : f32
        %mul3A_429 = vector.broadcast %mul3A_428 : f32 to vector<16xf32>
        %mul3A_430 = arith.mulf %get3A_427, %mul3A_429 : vector<16xf32>
        %add3A_431 = arith.constant 4 : i32
        %add3A_432 = arith.addi %mul3A_151, %add3A_431 : i32
        %swap3A_433 = arith.index_cast %add3A_432 : i32 to index
        %swap3A_434 = arith.constant 16 : index
        %swap3A_435 = tpu.vector_load %arg13[%swap3A_433, %swap3A_434] {strides = array<i32>} : memref<256x64xf32, #tpu.memory_space<vmem>>, vector<1x16xf32>,
        %swap3A_436 = vector.shape_cast %swap3A_435 : vector<1x16xf32> to vector<16xf32>
        %swap3A_437 = vector.shape_cast %mul3A_430 : vector<16xf32> to vector<1x16xf32>
        tpu.vector_store %arg13[%swap3A_433, %swap3A_434], %swap3A_437 {strides = array<i32>} : memref<256x64xf32, #tpu.memory_space<vmem>>, vector<1x16xf32>,
        %add3A_438 = arith.constant 4 : i32
        %add3A_439 = arith.addi %mul3A_151, %add3A_438 : i32
        %get3A_440 = arith.index_cast %add3A_439 : i32 to index
        %get3A_441 = arith.constant 32 : index
        %get3A_442 = tpu.vector_load %arg11[%get3A_440, %get3A_441] {strides = array<i32>} : memref<256x64xf32, #tpu.memory_space<vmem>>, vector<1x16xf32>,
        %get3A_443 = vector.shape_cast %get3A_442 : vector<1x16xf32> to vector<16xf32>
        %mul3A_444 = arith.constant 8.000000e+00 : f32
        %mul3A_445 = vector.broadcast %mul3A_444 : f32 to vector<16xf32>
        %mul3A_446 = arith.mulf %get3A_443, %mul3A_445 : vector<16xf32>
        %add3A_447 = arith.constant 4 : i32
        %add3A_448 = arith.addi %mul3A_151, %add3A_447 : i32
        %swap3A_449 = arith.index_cast %add3A_448 : i32 to index
        %swap3A_450 = arith.constant 32 : index
        %swap3A_451 = tpu.vector_load %arg13[%swap3A_449, %swap3A_450] {strides = array<i32>} : memref<256x64xf32, #tpu.memory_space<vmem>>, vector<1x16xf32>,
        %swap3A_452 = vector.shape_cast %swap3A_451 : vector<1x16xf32> to vector<16xf32>
        %swap3A_453 = vector.shape_cast %mul3A_446 : vector<16xf32> to vector<1x16xf32>
        tpu.vector_store %arg13[%swap3A_449, %swap3A_450], %swap3A_453 {strides = array<i32>} : memref<256x64xf32, #tpu.memory_space<vmem>>, vector<1x16xf32>,
        %add3A_454 = arith.constant 4 : i32
        %add3A_455 = arith.addi %mul3A_151, %add3A_454 : i32
        %get3A_456 = arith.index_cast %add3A_455 : i32 to index
        %get3A_457 = arith.constant 48 : index
        %get3A_458 = tpu.vector_load %arg11[%get3A_456, %get3A_457] {strides = array<i32>} : memref<256x64xf32, #tpu.memory_space<vmem>>, vector<1x16xf32>,
        %get3A_459 = vector.shape_cast %get3A_458 : vector<1x16xf32> to vector<16xf32>
        %mul3A_460 = arith.constant 8.000000e+00 : f32
        %mul3A_461 = vector.broadcast %mul3A_460 : f32 to vector<16xf32>
        %mul3A_462 = arith.mulf %get3A_459, %mul3A_461 : vector<16xf32>
        %add3A_463 = arith.constant 4 : i32
        %add3A_464 = arith.addi %mul3A_151, %add3A_463 : i32
        %swap3A_465 = arith.index_cast %add3A_464 : i32 to index
        %swap3A_466 = arith.constant 48 : index
        %swap3A_467 = tpu.vector_load %arg13[%swap3A_465, %swap3A_466] {strides = array<i32>} : memref<256x64xf32, #tpu.memory_space<vmem>>, vector<1x16xf32>,
        %swap3A_468 = vector.shape_cast %swap3A_467 : vector<1x16xf32> to vector<16xf32>
        %swap3A_469 = vector.shape_cast %mul3A_462 : vector<16xf32> to vector<1x16xf32>
        tpu.vector_store %arg13[%swap3A_465, %swap3A_466], %swap3A_469 {strides = array<i32>} : memref<256x64xf32, #tpu.memory_space<vmem>>, vector<1x16xf32>,
        %add3A_470 = arith.constant 5 : i32
        %add3A_471 = arith.addi %mul3A_151, %add3A_470 : i32
        %get3A_472 = arith.index_cast %add3A_471 : i32 to index
        %get3A_473 = arith.constant 0 : index
        %get3A_474 = tpu.vector_load %arg11[%get3A_472, %get3A_473] {strides = array<i32>} : memref<256x64xf32, #tpu.memory_space<vmem>>, vector<1x16xf32>,
        %get3A_475 = vector.shape_cast %get3A_474 : vector<1x16xf32> to vector<16xf32>
        %mul3A_476 = arith.constant 8.000000e+00 : f32
        %mul3A_477 = vector.broadcast %mul3A_476 : f32 to vector<16xf32>
        %mul3A_478 = arith.mulf %get3A_475, %mul3A_477 : vector<16xf32>
        %add3A_479 = arith.constant 5 : i32
        %add3A_480 = arith.addi %mul3A_151, %add3A_479 : i32
        %swap3A_481 = arith.index_cast %add3A_480 : i32 to index
        %swap3A_482 = arith.constant 0 : index
        %swap3A_483 = tpu.vector_load %arg13[%swap3A_481, %swap3A_482] {strides = array<i32>} : memref<256x64xf32, #tpu.memory_space<vmem>>, vector<1x16xf32>,
        %swap3A_484 = vector.shape_cast %swap3A_483 : vector<1x16xf32> to vector<16xf32>
        %swap3A_485 = vector.shape_cast %mul3A_478 : vector<16xf32> to vector<1x16xf32>
        tpu.vector_store %arg13[%swap3A_481, %swap3A_482], %swap3A_485 {strides = array<i32>} : memref<256x64xf32, #tpu.memory_space<vmem>>, vector<1x16xf32>,
        %add3A_486 = arith.constant 5 : i32
        %add3A_487 = arith.addi %mul3A_151, %add3A_486 : i32
        %get3A_488 = arith.index_cast %add3A_487 : i32 to index
        %get3A_489 = arith.constant 16 : index
        %get3A_490 = tpu.vector_load %arg11[%get3A_488, %get3A_489] {strides = array<i32>} : memref<256x64xf32, #tpu.memory_space<vmem>>, vector<1x16xf32>,
        %get3A_491 = vector.shape_cast %get3A_490 : vector<1x16xf32> to vector<16xf32>
        %mul3A_492 = arith.constant 8.000000e+00 : f32
        %mul3A_493 = vector.broadcast %mul3A_492 : f32 to vector<16xf32>
        %mul3A_494 = arith.mulf %get3A_491, %mul3A_493 : vector<16xf32>
        %add3A_495 = arith.constant 5 : i32
        %add3A_496 = arith.addi %mul3A_151, %add3A_495 : i32
        %swap3A_497 = arith.index_cast %add3A_496 : i32 to index
        %swap3A_498 = arith.constant 16 : index
        %swap3A_499 = tpu.vector_load %arg13[%swap3A_497, %swap3A_498] {strides = array<i32>} : memref<256x64xf32, #tpu.memory_space<vmem>>, vector<1x16xf32>,
        %swap3A_500 = vector.shape_cast %swap3A_499 : vector<1x16xf32> to vector<16xf32>
        %swap3A_501 = vector.shape_cast %mul3A_494 : vector<16xf32> to vector<1x16xf32>
        tpu.vector_store %arg13[%swap3A_497, %swap3A_498], %swap3A_501 {strides = array<i32>} : memref<256x64xf32, #tpu.memory_space<vmem>>, vector<1x16xf32>,
        %add3A_502 = arith.constant 5 : i32
        %add3A_503 = arith.addi %mul3A_151, %add3A_502 : i32
        %get3A_504 = arith.index_cast %add3A_503 : i32 to index
        %get3A_505 = arith.constant 32 : index
        %get3A_506 = tpu.vector_load %arg11[%get3A_504, %get3A_505] {strides = array<i32>} : memref<256x64xf32, #tpu.memory_space<vmem>>, vector<1x16xf32>,
        %get3A_507 = vector.shape_cast %get3A_506 : vector<1x16xf32> to vector<16xf32>
        %mul3A_508 = arith.constant 8.000000e+00 : f32
        %mul3A_509 = vector.broadcast %mul3A_508 : f32 to vector<16xf32>
        %mul3A_510 = arith.mulf %get3A_507, %mul3A_509 : vector<16xf32>
        %add3A_511 = arith.constant 5 : i32
        %add3A_512 = arith.addi %mul3A_151, %add3A_511 : i32
        %swap3A_513 = arith.index_cast %add3A_512 : i32 to index
        %swap3A_514 = arith.constant 32 : index
        %swap3A_515 = tpu.vector_load %arg13[%swap3A_513, %swap3A_514] {strides = array<i32>} : memref<256x64xf32, #tpu.memory_space<vmem>>, vector<1x16xf32>,
        %swap3A_516 = vector.shape_cast %swap3A_515 : vector<1x16xf32> to vector<16xf32>
        %swap3A_517 = vector.shape_cast %mul3A_510 : vector<16xf32> to vector<1x16xf32>
        tpu.vector_store %arg13[%swap3A_513, %swap3A_514], %swap3A_517 {strides = array<i32>} : memref<256x64xf32, #tpu.memory_space<vmem>>, vector<1x16xf32>,
        %add3A_518 = arith.constant 5 : i32
        %add3A_519 = arith.addi %mul3A_151, %add3A_518 : i32
        %get3A_520 = arith.index_cast %add3A_519 : i32 to index
        %get3A_521 = arith.constant 48 : index
        %get3A_522 = tpu.vector_load %arg11[%get3A_520, %get3A_521] {strides = array<i32>} : memref<256x64xf32, #tpu.memory_space<vmem>>, vector<1x16xf32>,
        %get3A_523 = vector.shape_cast %get3A_522 : vector<1x16xf32> to vector<16xf32>
        %mul3A_524 = arith.constant 8.000000e+00 : f32
        %mul3A_525 = vector.broadcast %mul3A_524 : f32 to vector<16xf32>
        %mul3A_526 = arith.mulf %get3A_523, %mul3A_525 : vector<16xf32>
        %add3A_527 = arith.constant 5 : i32
        %add3A_528 = arith.addi %mul3A_151, %add3A_527 : i32
        %swap3A_529 = arith.index_cast %add3A_528 : i32 to index
        %swap3A_530 = arith.constant 48 : index
        %swap3A_531 = tpu.vector_load %arg13[%swap3A_529, %swap3A_530] {strides = array<i32>} : memref<256x64xf32, #tpu.memory_space<vmem>>, vector<1x16xf32>,
        %swap3A_532 = vector.shape_cast %swap3A_531 : vector<1x16xf32> to vector<16xf32>
        %swap3A_533 = vector.shape_cast %mul3A_526 : vector<16xf32> to vector<1x16xf32>
        tpu.vector_store %arg13[%swap3A_529, %swap3A_530], %swap3A_533 {strides = array<i32>} : memref<256x64xf32, #tpu.memory_space<vmem>>, vector<1x16xf32>,
        %add3A_534 = arith.constant 6 : i32
        %add3A_535 = arith.addi %mul3A_151, %add3A_534 : i32
        %get3A_536 = arith.index_cast %add3A_535 : i32 to index
        %get3A_537 = arith.constant 0 : index
        %get3A_538 = tpu.vector_load %arg11[%get3A_536, %get3A_537] {strides = array<i32>} : memref<256x64xf32, #tpu.memory_space<vmem>>, vector<1x16xf32>,
        %get3A_539 = vector.shape_cast %get3A_538 : vector<1x16xf32> to vector<16xf32>
        %mul3A_540 = arith.constant 8.000000e+00 : f32
        %mul3A_541 = vector.broadcast %mul3A_540 : f32 to vector<16xf32>
        %mul3A_542 = arith.mulf %get3A_539, %mul3A_541 : vector<16xf32>
        %add3A_543 = arith.constant 6 : i32
        %add3A_544 = arith.addi %mul3A_151, %add3A_543 : i32
        %swap3A_545 = arith.index_cast %add3A_544 : i32 to index
        %swap3A_546 = arith.constant 0 : index
        %swap3A_547 = tpu.vector_load %arg13[%swap3A_545, %swap3A_546] {strides = array<i32>} : memref<256x64xf32, #tpu.memory_space<vmem>>, vector<1x16xf32>,
        %swap3A_548 = vector.shape_cast %swap3A_547 : vector<1x16xf32> to vector<16xf32>
        %swap3A_549 = vector.shape_cast %mul3A_542 : vector<16xf32> to vector<1x16xf32>
        tpu.vector_store %arg13[%swap3A_545, %swap3A_546], %swap3A_549 {strides = array<i32>} : memref<256x64xf32, #tpu.memory_space<vmem>>, vector<1x16xf32>,
        %add3A_550 = arith.constant 6 : i32
        %add3A_551 = arith.addi %mul3A_151, %add3A_550 : i32
        %get3A_552 = arith.index_cast %add3A_551 : i32 to index
        %get3A_553 = arith.constant 16 : index
        %get3A_554 = tpu.vector_load %arg11[%get3A_552, %get3A_553] {strides = array<i32>} : memref<256x64xf32, #tpu.memory_space<vmem>>, vector<1x16xf32>,
        %get3A_555 = vector.shape_cast %get3A_554 : vector<1x16xf32> to vector<16xf32>
        %mul3A_556 = arith.constant 8.000000e+00 : f32
        %mul3A_557 = vector.broadcast %mul3A_556 : f32 to vector<16xf32>
        %mul3A_558 = arith.mulf %get3A_555, %mul3A_557 : vector<16xf32>
        %add3A_559 = arith.constant 6 : i32
        %add3A_560 = arith.addi %mul3A_151, %add3A_559 : i32
        %swap3A_561 = arith.index_cast %add3A_560 : i32 to index
        %swap3A_562 = arith.constant 16 : index
        %swap3A_563 = tpu.vector_load %arg13[%swap3A_561, %swap3A_562] {strides = array<i32>} : memref<256x64xf32, #tpu.memory_space<vmem>>, vector<1x16xf32>,
        %swap3A_564 = vector.shape_cast %swap3A_563 : vector<1x16xf32> to vector<16xf32>
        %swap3A_565 = vector.shape_cast %mul3A_558 : vector<16xf32> to vector<1x16xf32>
        tpu.vector_store %arg13[%swap3A_561, %swap3A_562], %swap3A_565 {strides = array<i32>} : memref<256x64xf32, #tpu.memory_space<vmem>>, vector<1x16xf32>,
        %add3A_566 = arith.constant 6 : i32
        %add3A_567 = arith.addi %mul3A_151, %add3A_566 : i32
        %get3A_568 = arith.index_cast %add3A_567 : i32 to index
        %get3A_569 = arith.constant 32 : index
        %get3A_570 = tpu.vector_load %arg11[%get3A_568, %get3A_569] {strides = array<i32>} : memref<256x64xf32, #tpu.memory_space<vmem>>, vector<1x16xf32>,
        %get3A_571 = vector.shape_cast %get3A_570 : vector<1x16xf32> to vector<16xf32>
        %mul3A_572 = arith.constant 8.000000e+00 : f32
        %mul3A_573 = vector.broadcast %mul3A_572 : f32 to vector<16xf32>
        %mul3A_574 = arith.mulf %get3A_571, %mul3A_573 : vector<16xf32>
        %add3A_575 = arith.constant 6 : i32
        %add3A_576 = arith.addi %mul3A_151, %add3A_575 : i32
        %swap3A_577 = arith.index_cast %add3A_576 : i32 to index
        %swap3A_578 = arith.constant 32 : index
        %swap3A_579 = tpu.vector_load %arg13[%swap3A_577, %swap3A_578] {strides = array<i32>} : memref<256x64xf32, #tpu.memory_space<vmem>>, vector<1x16xf32>,
        %swap3A_580 = vector.shape_cast %swap3A_579 : vector<1x16xf32> to vector<16xf32>
        %swap3A_581 = vector.shape_cast %mul3A_574 : vector<16xf32> to vector<1x16xf32>
        tpu.vector_store %arg13[%swap3A_577, %swap3A_578], %swap3A_581 {strides = array<i32>} : memref<256x64xf32, #tpu.memory_space<vmem>>, vector<1x16xf32>,
        %add3A_582 = arith.constant 6 : i32
        %add3A_583 = arith.addi %mul3A_151, %add3A_582 : i32
        %get3A_584 = arith.index_cast %add3A_583 : i32 to index
        %get3A_585 = arith.constant 48 : index
        %get3A_586 = tpu.vector_load %arg11[%get3A_584, %get3A_585] {strides = array<i32>} : memref<256x64xf32, #tpu.memory_space<vmem>>, vector<1x16xf32>,
        %get3A_587 = vector.shape_cast %get3A_586 : vector<1x16xf32> to vector<16xf32>
        %mul3A_588 = arith.constant 8.000000e+00 : f32
        %mul3A_589 = vector.broadcast %mul3A_588 : f32 to vector<16xf32>
        %mul3A_590 = arith.mulf %get3A_587, %mul3A_589 : vector<16xf32>
        %add3A_591 = arith.constant 6 : i32
        %add3A_592 = arith.addi %mul3A_151, %add3A_591 : i32
        %swap3A_593 = arith.index_cast %add3A_592 : i32 to index
        %swap3A_594 = arith.constant 48 : index
        %swap3A_595 = tpu.vector_load %arg13[%swap3A_593, %swap3A_594] {strides = array<i32>} : memref<256x64xf32, #tpu.memory_space<vmem>>, vector<1x16xf32>,
        %swap3A_596 = vector.shape_cast %swap3A_595 : vector<1x16xf32> to vector<16xf32>
        %swap3A_597 = vector.shape_cast %mul3A_590 : vector<16xf32> to vector<1x16xf32>
        tpu.vector_store %arg13[%swap3A_593, %swap3A_594], %swap3A_597 {strides = array<i32>} : memref<256x64xf32, #tpu.memory_space<vmem>>, vector<1x16xf32>,
        %add3A_598 = arith.constant 7 : i32
        %add3A_599 = arith.addi %mul3A_151, %add3A_598 : i32
        %get3A_600 = arith.index_cast %add3A_599 : i32 to index
        %get3A_601 = arith.constant 0 : index
        %get3A_602 = tpu.vector_load %arg11[%get3A_600, %get3A_601] {strides = array<i32>} : memref<256x64xf32, #tpu.memory_space<vmem>>, vector<1x16xf32>,
        %get3A_603 = vector.shape_cast %get3A_602 : vector<1x16xf32> to vector<16xf32>
        %mul3A_604 = arith.constant 8.000000e+00 : f32
        %mul3A_605 = vector.broadcast %mul3A_604 : f32 to vector<16xf32>
        %mul3A_606 = arith.mulf %get3A_603, %mul3A_605 : vector<16xf32>
        %add3A_607 = arith.constant 7 : i32
        %add3A_608 = arith.addi %mul3A_151, %add3A_607 : i32
        %swap3A_609 = arith.index_cast %add3A_608 : i32 to index
        %swap3A_610 = arith.constant 0 : index
        %swap3A_611 = tpu.vector_load %arg13[%swap3A_609, %swap3A_610] {strides = array<i32>} : memref<256x64xf32, #tpu.memory_space<vmem>>, vector<1x16xf32>,
        %swap3A_612 = vector.shape_cast %swap3A_611 : vector<1x16xf32> to vector<16xf32>
        %swap3A_613 = vector.shape_cast %mul3A_606 : vector<16xf32> to vector<1x16xf32>
        tpu.vector_store %arg13[%swap3A_609, %swap3A_610], %swap3A_613 {strides = array<i32>} : memref<256x64xf32, #tpu.memory_space<vmem>>, vector<1x16xf32>,
        %add3A_614 = arith.constant 7 : i32
        %add3A_615 = arith.addi %mul3A_151, %add3A_614 : i32
        %get3A_616 = arith.index_cast %add3A_615 : i32 to index
        %get3A_617 = arith.constant 16 : index
        %get3A_618 = tpu.vector_load %arg11[%get3A_616, %get3A_617] {strides = array<i32>} : memref<256x64xf32, #tpu.memory_space<vmem>>, vector<1x16xf32>,
        %get3A_619 = vector.shape_cast %get3A_618 : vector<1x16xf32> to vector<16xf32>
        %mul3A_620 = arith.constant 8.000000e+00 : f32
        %mul3A_621 = vector.broadcast %mul3A_620 : f32 to vector<16xf32>
        %mul3A_622 = arith.mulf %get3A_619, %mul3A_621 : vector<16xf32>
        %add3A_623 = arith.constant 7 : i32
        %add3A_624 = arith.addi %mul3A_151, %add3A_623 : i32
        %swap3A_625 = arith.index_cast %add3A_624 : i32 to index
        %swap3A_626 = arith.constant 16 : index
        %swap3A_627 = tpu.vector_load %arg13[%swap3A_625, %swap3A_626] {strides = array<i32>} : memref<256x64xf32, #tpu.memory_space<vmem>>, vector<1x16xf32>,
        %swap3A_628 = vector.shape_cast %swap3A_627 : vector<1x16xf32> to vector<16xf32>
        %swap3A_629 = vector.shape_cast %mul3A_622 : vector<16xf32> to vector<1x16xf32>
        tpu.vector_store %arg13[%swap3A_625, %swap3A_626], %swap3A_629 {strides = array<i32>} : memref<256x64xf32, #tpu.memory_space<vmem>>, vector<1x16xf32>,
        %add3A_630 = arith.constant 7 : i32
        %add3A_631 = arith.addi %mul3A_151, %add3A_630 : i32
        %get3A_632 = arith.index_cast %add3A_631 : i32 to index
        %get3A_633 = arith.constant 32 : index
        %get3A_634 = tpu.vector_load %arg11[%get3A_632, %get3A_633] {strides = array<i32>} : memref<256x64xf32, #tpu.memory_space<vmem>>, vector<1x16xf32>,
        %get3A_635 = vector.shape_cast %get3A_634 : vector<1x16xf32> to vector<16xf32>
        %mul3A_636 = arith.constant 8.000000e+00 : f32
        %mul3A_637 = vector.broadcast %mul3A_636 : f32 to vector<16xf32>
        %mul3A_638 = arith.mulf %get3A_635, %mul3A_637 : vector<16xf32>
        %add3A_639 = arith.constant 7 : i32
        %add3A_640 = arith.addi %mul3A_151, %add3A_639 : i32
        %swap3A_641 = arith.index_cast %add3A_640 : i32 to index
        %swap3A_642 = arith.constant 32 : index
        %swap3A_643 = tpu.vector_load %arg13[%swap3A_641, %swap3A_642] {strides = array<i32>} : memref<256x64xf32, #tpu.memory_space<vmem>>, vector<1x16xf32>,
        %swap3A_644 = vector.shape_cast %swap3A_643 : vector<1x16xf32> to vector<16xf32>
        %swap3A_645 = vector.shape_cast %mul3A_638 : vector<16xf32> to vector<1x16xf32>
        tpu.vector_store %arg13[%swap3A_641, %swap3A_642], %swap3A_645 {strides = array<i32>} : memref<256x64xf32, #tpu.memory_space<vmem>>, vector<1x16xf32>,
        %add3A_646 = arith.constant 7 : i32
        %add3A_647 = arith.addi %mul3A_151, %add3A_646 : i32
        %get3A_648 = arith.index_cast %add3A_647 : i32 to index
        %get3A_649 = arith.constant 48 : index
        %get3A_650 = tpu.vector_load %arg11[%get3A_648, %get3A_649] {strides = array<i32>} : memref<256x64xf32, #tpu.memory_space<vmem>>, vector<1x16xf32>,
        %get3A_651 = vector.shape_cast %get3A_650 : vector<1x16xf32> to vector<16xf32>
        %mul3A_652 = arith.constant 8.000000e+00 : f32
        %mul3A_653 = vector.broadcast %mul3A_652 : f32 to vector<16xf32>
        %mul3A_654 = arith.mulf %get3A_651, %mul3A_653 : vector<16xf32>
        %add3A_655 = arith.constant 7 : i32
        %add3A_656 = arith.addi %mul3A_151, %add3A_655 : i32
        %swap3A_657 = arith.index_cast %add3A_656 : i32 to index
        %swap3A_658 = arith.constant 48 : index
        %swap3A_659 = tpu.vector_load %arg13[%swap3A_657, %swap3A_658] {strides = array<i32>} : memref<256x64xf32, #tpu.memory_space<vmem>>, vector<1x16xf32>,
        %swap3A_660 = vector.shape_cast %swap3A_659 : vector<1x16xf32> to vector<16xf32>
        %swap3A_661 = vector.shape_cast %mul3A_654 : vector<16xf32> to vector<1x16xf32>
        tpu.vector_store %arg13[%swap3A_657, %swap3A_658], %swap3A_661 {strides = array<i32>} : memref<256x64xf32, #tpu.memory_space<vmem>>, vector<1x16xf32>,
      }
      %scan3A_107 = arith.constant 32 : i32
      %mul3A_108 = arith.constant 256 : i32
      %mul3A_109 = arith.muli %add3A_94, %mul3A_108 : i32
      %add3A_110 = arith.addi %mul3A_2, %mul3A_109 : i32
      %dma_start3A_111 = arith.constant 0 : i32
      %dma_start3A_112 = tpu.memref_slice %arg4[%add3A_110, %dma_start3A_111] : memref<819200x64xf32, #tpu.memory_space<hbm>> -> memref<256x64xf32, #tpu.memory_space<hbm>>
      %dma_start3A_113 = arith.constant 0 : i32
      %dma_start3A_114 = tpu.memref_slice %arg4[%add3A_110, %dma_start3A_113] : memref<819200x64xf32, #tpu.memory_space<hbm>> -> memref<256x64xf32, #tpu.memory_space<hbm>>
      tpu.enqueue_dma source(%arg13 : memref<256x64xf32, #tpu.memory_space<vmem>>) target(%dma_start3A_114 : memref<256x64xf32, #tpu.memory_space<hbm>>) target_semaphore(%arg19 : memref<!tpu.dma_semaphore, #tpu.memory_space<semaphore_mem>>)
      %lt3A_115 = arith.constant 24 : i32
      %lt3A_116 = arith.cmpi slt, %scan3A_34, %lt3A_115 : i32
      %convert_element_type3A_117 = arith.extui %lt3A_116 : i1 to i32
      %cond3A_118 = arith.constant 0 : i32
      %cond3A_119 = arith.cmpi ne, %convert_element_type3A_117, %cond3A_118 : i32
      scf.if %cond3A_119 {
        %add3A_149 = arith.constant 4 : i32
        %add3A_150 = arith.addi %add3A_94, %add3A_149 : i32
        %mul3A_151 = arith.constant 256 : i32
        %mul3A_152 = arith.muli %add3A_150, %mul3A_151 : i32
        %add3A_153 = arith.addi %mul3A_2, %mul3A_152 : i32
        "tpu.region"() ({
          %run_scoped3A = tpu.sem_alloc : memref<!tpu.dma_semaphore, #tpu.memory_space<semaphore_mem>>
          %dma_start3A_157 = tpu.memref_slice %arg2[%add3A_153] : memref<819200xi32, #tpu.memory_space<hbm>> -> memref<256xi32, #tpu.memory_space<hbm>>
          %dma_start3A_158 = tpu.memref_slice %arg2[%add3A_153] : memref<819200xi32, #tpu.memory_space<hbm>> -> memref<256xi32, #tpu.memory_space<hbm>>
          tpu.enqueue_dma source(%dma_start3A_158 : memref<256xi32, #tpu.memory_space<hbm>>) target(%arg7 : memref<256xi32, #tpu.memory_space<vmem>>) target_semaphore(%run_scoped3A : memref<!tpu.dma_semaphore, #tpu.memory_space<semaphore_mem>>)
          %dma_wait3A_159 = tpu.memref_slice %arg2[%add3A_153] : memref<819200xi32, #tpu.memory_space<hbm>> -> memref<256xi32, #tpu.memory_space<hbm>>
          %dma_wait3A_160 = tpu.memref_slice %arg2[%add3A_153] : memref<819200xi32, #tpu.memory_space<hbm>> -> memref<256xi32, #tpu.memory_space<hbm>>
          tpu.wait_dma2 semaphore(%run_scoped3A : memref<!tpu.dma_semaphore, #tpu.memory_space<semaphore_mem>>) src(%dma_wait3A_160 : memref<256xi32, #tpu.memory_space<hbm>>) dst(%arg7 : memref<256xi32, #tpu.memory_space<vmem>>)
          tpu.yield
        }) : () -> ()
        %dma_start3A_154 = arith.constant 0 : i32
        %dma_start3A_155 = arith.constant 0 : i32
        %dma_start3A_156 = tpu.memref_slice %arg3[%dma_start3A_154, %dma_start3A_155] : memref<1000000x64xf32, #tpu.memory_space<hbm>> -> memref<1000000x64xf32, #tpu.memory_space<hbm>>
        tpu.enqueue_indirect_dma source(%dma_start3A_156 : memref<1000000x64xf32, #tpu.memory_space<hbm>>) target(%arg11 : memref<256x64xf32, #tpu.memory_space<vmem>>) offsets(%arg7 : memref<256xi32, #tpu.memory_space<vmem>>) semaphore(%arg17 : memref<!tpu.dma_semaphore, #tpu.memory_space<semaphore_mem>>)
      } else {
      }
      %mul3A_120 = arith.constant 4 : i32
      %mul3A_121 = arith.muli %scan3A_34, %mul3A_120 : i32
      %add3A_122 = arith.constant 3 : i32
      %add3A_123 = arith.addi %mul3A_121, %add3A_122 : i32
      %dma_wait3A_124 = arith.constant 0 : i32
      %dma_wait3A_125 = arith.constant 0 : i32
      %dma_wait3A_126 = tpu.memref_slice %arg3[%dma_wait3A_124, %dma_wait3A_125] : memref<1000000x64xf32, #tpu.memory_space<hbm>> -> memref<1000000x64xf32, #tpu.memory_space<hbm>>
      tpu.wait_indirect_dma semaphore(%arg18 : memref<!tpu.dma_semaphore, #tpu.memory_space<semaphore_mem>>) src(%dma_wait3A_126 : memref<1000000x64xf32, #tpu.memory_space<hbm>>) dst(%arg12 : memref<256x64xf32, #tpu.memory_space<vmem>>)
      %dma_wait3A_127 = arith.constant 0 : i32
      %dma_wait3A_128 = tpu.memref_slice %arg4[%mul3A_2, %dma_wait3A_127] : memref<819200x64xf32, #tpu.memory_space<hbm>> -> memref<256x64xf32, #tpu.memory_space<hbm>>
      %dma_wait3A_129 = arith.constant 0 : i32
      %dma_wait3A_130 = tpu.memref_slice %arg4[%mul3A_2, %dma_wait3A_129] : memref<819200x64xf32, #tpu.memory_space<hbm>> -> memref<256x64xf32, #tpu.memory_space<hbm>>
      tpu.wait_dma2 semaphore(%arg20 : memref<!tpu.dma_semaphore, #tpu.memory_space<semaphore_mem>>) src(%arg14 : memref<256x64xf32, #tpu.memory_space<vmem>>) dst(%dma_wait3A_130 : memref<256x64xf32, #tpu.memory_space<hbm>>)
      %scan3A_131 = arith.constant 0 : i32
      %scan3A_132 = arith.constant 0 : i32
      %scan3A_133 = arith.constant 32 : i32
      %scan3A_134 = arith.addi %scan3A_132, %scan3A_133 : i32
      %scan3A_135 = arith.constant 1 : i32
      scf.for %scan3A_149 = %scan3A_132 to %scan3A_134 step %scan3A_135  : i32 {
        %mul3A_150 = arith.constant 8 : i32
        %mul3A_151 = arith.muli %scan3A_149, %mul3A_150 : i32
        %add3A_152 = arith.constant 0 : i32
        %add3A_153 = arith.addi %mul3A_151, %add3A_152 : i32
        %get3A = arith.index_cast %add3A_153 : i32 to index
        %get3A_154 = arith.constant 0 : index
        %get3A_155 = tpu.vector_load %arg12[%get3A, %get3A_154] {strides = array<i32>} : memref<256x64xf32, #tpu.memory_space<vmem>>, vector<1x16xf32>,
        %get3A_156 = vector.shape_cast %get3A_155 : vector<1x16xf32> to vector<16xf32>
        %mul3A_157 = arith.constant 8.000000e+00 : f32
        %mul3A_158 = vector.broadcast %mul3A_157 : f32 to vector<16xf32>
        %mul3A_159 = arith.mulf %get3A_156, %mul3A_158 : vector<16xf32>
        %add3A_160 = arith.constant 0 : i32
        %add3A_161 = arith.addi %mul3A_151, %add3A_160 : i32
        %swap3A = arith.index_cast %add3A_161 : i32 to index
        %swap3A_162 = arith.constant 0 : index
        %swap3A_163 = tpu.vector_load %arg14[%swap3A, %swap3A_162] {strides = array<i32>} : memref<256x64xf32, #tpu.memory_space<vmem>>, vector<1x16xf32>,
        %swap3A_164 = vector.shape_cast %swap3A_163 : vector<1x16xf32> to vector<16xf32>
        %swap3A_165 = vector.shape_cast %mul3A_159 : vector<16xf32> to vector<1x16xf32>
        tpu.vector_store %arg14[%swap3A, %swap3A_162], %swap3A_165 {strides = array<i32>} : memref<256x64xf32, #tpu.memory_space<vmem>>, vector<1x16xf32>,
        %add3A_166 = arith.constant 0 : i32
        %add3A_167 = arith.addi %mul3A_151, %add3A_166 : i32
        %get3A_168 = arith.index_cast %add3A_167 : i32 to index
        %get3A_169 = arith.constant 16 : index
        %get3A_170 = tpu.vector_load %arg12[%get3A_168, %get3A_169] {strides = array<i32>} : memref<256x64xf32, #tpu.memory_space<vmem>>, vector<1x16xf32>,
        %get3A_171 = vector.shape_cast %get3A_170 : vector<1x16xf32> to vector<16xf32>
        %mul3A_172 = arith.constant 8.000000e+00 : f32
        %mul3A_173 = vector.broadcast %mul3A_172 : f32 to vector<16xf32>
        %mul3A_174 = arith.mulf %get3A_171, %mul3A_173 : vector<16xf32>
        %add3A_175 = arith.constant 0 : i32
        %add3A_176 = arith.addi %mul3A_151, %add3A_175 : i32
        %swap3A_177 = arith.index_cast %add3A_176 : i32 to index
        %swap3A_178 = arith.constant 16 : index
        %swap3A_179 = tpu.vector_load %arg14[%swap3A_177, %swap3A_178] {strides = array<i32>} : memref<256x64xf32, #tpu.memory_space<vmem>>, vector<1x16xf32>,
        %swap3A_180 = vector.shape_cast %swap3A_179 : vector<1x16xf32> to vector<16xf32>
        %swap3A_181 = vector.shape_cast %mul3A_174 : vector<16xf32> to vector<1x16xf32>
        tpu.vector_store %arg14[%swap3A_177, %swap3A_178], %swap3A_181 {strides = array<i32>} : memref<256x64xf32, #tpu.memory_space<vmem>>, vector<1x16xf32>,
        %add3A_182 = arith.constant 0 : i32
        %add3A_183 = arith.addi %mul3A_151, %add3A_182 : i32
        %get3A_184 = arith.index_cast %add3A_183 : i32 to index
        %get3A_185 = arith.constant 32 : index
        %get3A_186 = tpu.vector_load %arg12[%get3A_184, %get3A_185] {strides = array<i32>} : memref<256x64xf32, #tpu.memory_space<vmem>>, vector<1x16xf32>,
        %get3A_187 = vector.shape_cast %get3A_186 : vector<1x16xf32> to vector<16xf32>
        %mul3A_188 = arith.constant 8.000000e+00 : f32
        %mul3A_189 = vector.broadcast %mul3A_188 : f32 to vector<16xf32>
        %mul3A_190 = arith.mulf %get3A_187, %mul3A_189 : vector<16xf32>
        %add3A_191 = arith.constant 0 : i32
        %add3A_192 = arith.addi %mul3A_151, %add3A_191 : i32
        %swap3A_193 = arith.index_cast %add3A_192 : i32 to index
        %swap3A_194 = arith.constant 32 : index
        %swap3A_195 = tpu.vector_load %arg14[%swap3A_193, %swap3A_194] {strides = array<i32>} : memref<256x64xf32, #tpu.memory_space<vmem>>, vector<1x16xf32>,
        %swap3A_196 = vector.shape_cast %swap3A_195 : vector<1x16xf32> to vector<16xf32>
        %swap3A_197 = vector.shape_cast %mul3A_190 : vector<16xf32> to vector<1x16xf32>
        tpu.vector_store %arg14[%swap3A_193, %swap3A_194], %swap3A_197 {strides = array<i32>} : memref<256x64xf32, #tpu.memory_space<vmem>>, vector<1x16xf32>,
        %add3A_198 = arith.constant 0 : i32
        %add3A_199 = arith.addi %mul3A_151, %add3A_198 : i32
        %get3A_200 = arith.index_cast %add3A_199 : i32 to index
        %get3A_201 = arith.constant 48 : index
        %get3A_202 = tpu.vector_load %arg12[%get3A_200, %get3A_201] {strides = array<i32>} : memref<256x64xf32, #tpu.memory_space<vmem>>, vector<1x16xf32>,
        %get3A_203 = vector.shape_cast %get3A_202 : vector<1x16xf32> to vector<16xf32>
        %mul3A_204 = arith.constant 8.000000e+00 : f32
        %mul3A_205 = vector.broadcast %mul3A_204 : f32 to vector<16xf32>
        %mul3A_206 = arith.mulf %get3A_203, %mul3A_205 : vector<16xf32>
        %add3A_207 = arith.constant 0 : i32
        %add3A_208 = arith.addi %mul3A_151, %add3A_207 : i32
        %swap3A_209 = arith.index_cast %add3A_208 : i32 to index
        %swap3A_210 = arith.constant 48 : index
        %swap3A_211 = tpu.vector_load %arg14[%swap3A_209, %swap3A_210] {strides = array<i32>} : memref<256x64xf32, #tpu.memory_space<vmem>>, vector<1x16xf32>,
        %swap3A_212 = vector.shape_cast %swap3A_211 : vector<1x16xf32> to vector<16xf32>
        %swap3A_213 = vector.shape_cast %mul3A_206 : vector<16xf32> to vector<1x16xf32>
        tpu.vector_store %arg14[%swap3A_209, %swap3A_210], %swap3A_213 {strides = array<i32>} : memref<256x64xf32, #tpu.memory_space<vmem>>, vector<1x16xf32>,
        %add3A_214 = arith.constant 1 : i32
        %add3A_215 = arith.addi %mul3A_151, %add3A_214 : i32
        %get3A_216 = arith.index_cast %add3A_215 : i32 to index
        %get3A_217 = arith.constant 0 : index
        %get3A_218 = tpu.vector_load %arg12[%get3A_216, %get3A_217] {strides = array<i32>} : memref<256x64xf32, #tpu.memory_space<vmem>>, vector<1x16xf32>,
        %get3A_219 = vector.shape_cast %get3A_218 : vector<1x16xf32> to vector<16xf32>
        %mul3A_220 = arith.constant 8.000000e+00 : f32
        %mul3A_221 = vector.broadcast %mul3A_220 : f32 to vector<16xf32>
        %mul3A_222 = arith.mulf %get3A_219, %mul3A_221 : vector<16xf32>
        %add3A_223 = arith.constant 1 : i32
        %add3A_224 = arith.addi %mul3A_151, %add3A_223 : i32
        %swap3A_225 = arith.index_cast %add3A_224 : i32 to index
        %swap3A_226 = arith.constant 0 : index
        %swap3A_227 = tpu.vector_load %arg14[%swap3A_225, %swap3A_226] {strides = array<i32>} : memref<256x64xf32, #tpu.memory_space<vmem>>, vector<1x16xf32>,
        %swap3A_228 = vector.shape_cast %swap3A_227 : vector<1x16xf32> to vector<16xf32>
        %swap3A_229 = vector.shape_cast %mul3A_222 : vector<16xf32> to vector<1x16xf32>
        tpu.vector_store %arg14[%swap3A_225, %swap3A_226], %swap3A_229 {strides = array<i32>} : memref<256x64xf32, #tpu.memory_space<vmem>>, vector<1x16xf32>,
        %add3A_230 = arith.constant 1 : i32
        %add3A_231 = arith.addi %mul3A_151, %add3A_230 : i32
        %get3A_232 = arith.index_cast %add3A_231 : i32 to index
        %get3A_233 = arith.constant 16 : index
        %get3A_234 = tpu.vector_load %arg12[%get3A_232, %get3A_233] {strides = array<i32>} : memref<256x64xf32, #tpu.memory_space<vmem>>, vector<1x16xf32>,
        %get3A_235 = vector.shape_cast %get3A_234 : vector<1x16xf32> to vector<16xf32>
        %mul3A_236 = arith.constant 8.000000e+00 : f32
        %mul3A_237 = vector.broadcast %mul3A_236 : f32 to vector<16xf32>
        %mul3A_238 = arith.mulf %get3A_235, %mul3A_237 : vector<16xf32>
        %add3A_239 = arith.constant 1 : i32
        %add3A_240 = arith.addi %mul3A_151, %add3A_239 : i32
        %swap3A_241 = arith.index_cast %add3A_240 : i32 to index
        %swap3A_242 = arith.constant 16 : index
        %swap3A_243 = tpu.vector_load %arg14[%swap3A_241, %swap3A_242] {strides = array<i32>} : memref<256x64xf32, #tpu.memory_space<vmem>>, vector<1x16xf32>,
        %swap3A_244 = vector.shape_cast %swap3A_243 : vector<1x16xf32> to vector<16xf32>
        %swap3A_245 = vector.shape_cast %mul3A_238 : vector<16xf32> to vector<1x16xf32>
        tpu.vector_store %arg14[%swap3A_241, %swap3A_242], %swap3A_245 {strides = array<i32>} : memref<256x64xf32, #tpu.memory_space<vmem>>, vector<1x16xf32>,
        %add3A_246 = arith.constant 1 : i32
        %add3A_247 = arith.addi %mul3A_151, %add3A_246 : i32
        %get3A_248 = arith.index_cast %add3A_247 : i32 to index
        %get3A_249 = arith.constant 32 : index
        %get3A_250 = tpu.vector_load %arg12[%get3A_248, %get3A_249] {strides = array<i32>} : memref<256x64xf32, #tpu.memory_space<vmem>>, vector<1x16xf32>,
        %get3A_251 = vector.shape_cast %get3A_250 : vector<1x16xf32> to vector<16xf32>
        %mul3A_252 = arith.constant 8.000000e+00 : f32
        %mul3A_253 = vector.broadcast %mul3A_252 : f32 to vector<16xf32>
        %mul3A_254 = arith.mulf %get3A_251, %mul3A_253 : vector<16xf32>
        %add3A_255 = arith.constant 1 : i32
        %add3A_256 = arith.addi %mul3A_151, %add3A_255 : i32
        %swap3A_257 = arith.index_cast %add3A_256 : i32 to index
        %swap3A_258 = arith.constant 32 : index
        %swap3A_259 = tpu.vector_load %arg14[%swap3A_257, %swap3A_258] {strides = array<i32>} : memref<256x64xf32, #tpu.memory_space<vmem>>, vector<1x16xf32>,
        %swap3A_260 = vector.shape_cast %swap3A_259 : vector<1x16xf32> to vector<16xf32>
        %swap3A_261 = vector.shape_cast %mul3A_254 : vector<16xf32> to vector<1x16xf32>
        tpu.vector_store %arg14[%swap3A_257, %swap3A_258], %swap3A_261 {strides = array<i32>} : memref<256x64xf32, #tpu.memory_space<vmem>>, vector<1x16xf32>,
        %add3A_262 = arith.constant 1 : i32
        %add3A_263 = arith.addi %mul3A_151, %add3A_262 : i32
        %get3A_264 = arith.index_cast %add3A_263 : i32 to index
        %get3A_265 = arith.constant 48 : index
        %get3A_266 = tpu.vector_load %arg12[%get3A_264, %get3A_265] {strides = array<i32>} : memref<256x64xf32, #tpu.memory_space<vmem>>, vector<1x16xf32>,
        %get3A_267 = vector.shape_cast %get3A_266 : vector<1x16xf32> to vector<16xf32>
        %mul3A_268 = arith.constant 8.000000e+00 : f32
        %mul3A_269 = vector.broadcast %mul3A_268 : f32 to vector<16xf32>
        %mul3A_270 = arith.mulf %get3A_267, %mul3A_269 : vector<16xf32>
        %add3A_271 = arith.constant 1 : i32
        %add3A_272 = arith.addi %mul3A_151, %add3A_271 : i32
        %swap3A_273 = arith.index_cast %add3A_272 : i32 to index
        %swap3A_274 = arith.constant 48 : index
        %swap3A_275 = tpu.vector_load %arg14[%swap3A_273, %swap3A_274] {strides = array<i32>} : memref<256x64xf32, #tpu.memory_space<vmem>>, vector<1x16xf32>,
        %swap3A_276 = vector.shape_cast %swap3A_275 : vector<1x16xf32> to vector<16xf32>
        %swap3A_277 = vector.shape_cast %mul3A_270 : vector<16xf32> to vector<1x16xf32>
        tpu.vector_store %arg14[%swap3A_273, %swap3A_274], %swap3A_277 {strides = array<i32>} : memref<256x64xf32, #tpu.memory_space<vmem>>, vector<1x16xf32>,
        %add3A_278 = arith.constant 2 : i32
        %add3A_279 = arith.addi %mul3A_151, %add3A_278 : i32
        %get3A_280 = arith.index_cast %add3A_279 : i32 to index
        %get3A_281 = arith.constant 0 : index
        %get3A_282 = tpu.vector_load %arg12[%get3A_280, %get3A_281] {strides = array<i32>} : memref<256x64xf32, #tpu.memory_space<vmem>>, vector<1x16xf32>,
        %get3A_283 = vector.shape_cast %get3A_282 : vector<1x16xf32> to vector<16xf32>
        %mul3A_284 = arith.constant 8.000000e+00 : f32
        %mul3A_285 = vector.broadcast %mul3A_284 : f32 to vector<16xf32>
        %mul3A_286 = arith.mulf %get3A_283, %mul3A_285 : vector<16xf32>
        %add3A_287 = arith.constant 2 : i32
        %add3A_288 = arith.addi %mul3A_151, %add3A_287 : i32
        %swap3A_289 = arith.index_cast %add3A_288 : i32 to index
        %swap3A_290 = arith.constant 0 : index
        %swap3A_291 = tpu.vector_load %arg14[%swap3A_289, %swap3A_290] {strides = array<i32>} : memref<256x64xf32, #tpu.memory_space<vmem>>, vector<1x16xf32>,
        %swap3A_292 = vector.shape_cast %swap3A_291 : vector<1x16xf32> to vector<16xf32>
        %swap3A_293 = vector.shape_cast %mul3A_286 : vector<16xf32> to vector<1x16xf32>
        tpu.vector_store %arg14[%swap3A_289, %swap3A_290], %swap3A_293 {strides = array<i32>} : memref<256x64xf32, #tpu.memory_space<vmem>>, vector<1x16xf32>,
        %add3A_294 = arith.constant 2 : i32
        %add3A_295 = arith.addi %mul3A_151, %add3A_294 : i32
        %get3A_296 = arith.index_cast %add3A_295 : i32 to index
        %get3A_297 = arith.constant 16 : index
        %get3A_298 = tpu.vector_load %arg12[%get3A_296, %get3A_297] {strides = array<i32>} : memref<256x64xf32, #tpu.memory_space<vmem>>, vector<1x16xf32>,
        %get3A_299 = vector.shape_cast %get3A_298 : vector<1x16xf32> to vector<16xf32>
        %mul3A_300 = arith.constant 8.000000e+00 : f32
        %mul3A_301 = vector.broadcast %mul3A_300 : f32 to vector<16xf32>
        %mul3A_302 = arith.mulf %get3A_299, %mul3A_301 : vector<16xf32>
        %add3A_303 = arith.constant 2 : i32
        %add3A_304 = arith.addi %mul3A_151, %add3A_303 : i32
        %swap3A_305 = arith.index_cast %add3A_304 : i32 to index
        %swap3A_306 = arith.constant 16 : index
        %swap3A_307 = tpu.vector_load %arg14[%swap3A_305, %swap3A_306] {strides = array<i32>} : memref<256x64xf32, #tpu.memory_space<vmem>>, vector<1x16xf32>,
        %swap3A_308 = vector.shape_cast %swap3A_307 : vector<1x16xf32> to vector<16xf32>
        %swap3A_309 = vector.shape_cast %mul3A_302 : vector<16xf32> to vector<1x16xf32>
        tpu.vector_store %arg14[%swap3A_305, %swap3A_306], %swap3A_309 {strides = array<i32>} : memref<256x64xf32, #tpu.memory_space<vmem>>, vector<1x16xf32>,
        %add3A_310 = arith.constant 2 : i32
        %add3A_311 = arith.addi %mul3A_151, %add3A_310 : i32
        %get3A_312 = arith.index_cast %add3A_311 : i32 to index
        %get3A_313 = arith.constant 32 : index
        %get3A_314 = tpu.vector_load %arg12[%get3A_312, %get3A_313] {strides = array<i32>} : memref<256x64xf32, #tpu.memory_space<vmem>>, vector<1x16xf32>,
        %get3A_315 = vector.shape_cast %get3A_314 : vector<1x16xf32> to vector<16xf32>
        %mul3A_316 = arith.constant 8.000000e+00 : f32
        %mul3A_317 = vector.broadcast %mul3A_316 : f32 to vector<16xf32>
        %mul3A_318 = arith.mulf %get3A_315, %mul3A_317 : vector<16xf32>
        %add3A_319 = arith.constant 2 : i32
        %add3A_320 = arith.addi %mul3A_151, %add3A_319 : i32
        %swap3A_321 = arith.index_cast %add3A_320 : i32 to index
        %swap3A_322 = arith.constant 32 : index
        %swap3A_323 = tpu.vector_load %arg14[%swap3A_321, %swap3A_322] {strides = array<i32>} : memref<256x64xf32, #tpu.memory_space<vmem>>, vector<1x16xf32>,
        %swap3A_324 = vector.shape_cast %swap3A_323 : vector<1x16xf32> to vector<16xf32>
        %swap3A_325 = vector.shape_cast %mul3A_318 : vector<16xf32> to vector<1x16xf32>
        tpu.vector_store %arg14[%swap3A_321, %swap3A_322], %swap3A_325 {strides = array<i32>} : memref<256x64xf32, #tpu.memory_space<vmem>>, vector<1x16xf32>,
        %add3A_326 = arith.constant 2 : i32
        %add3A_327 = arith.addi %mul3A_151, %add3A_326 : i32
        %get3A_328 = arith.index_cast %add3A_327 : i32 to index
        %get3A_329 = arith.constant 48 : index
        %get3A_330 = tpu.vector_load %arg12[%get3A_328, %get3A_329] {strides = array<i32>} : memref<256x64xf32, #tpu.memory_space<vmem>>, vector<1x16xf32>,
        %get3A_331 = vector.shape_cast %get3A_330 : vector<1x16xf32> to vector<16xf32>
        %mul3A_332 = arith.constant 8.000000e+00 : f32
        %mul3A_333 = vector.broadcast %mul3A_332 : f32 to vector<16xf32>
        %mul3A_334 = arith.mulf %get3A_331, %mul3A_333 : vector<16xf32>
        %add3A_335 = arith.constant 2 : i32
        %add3A_336 = arith.addi %mul3A_151, %add3A_335 : i32
        %swap3A_337 = arith.index_cast %add3A_336 : i32 to index
        %swap3A_338 = arith.constant 48 : index
        %swap3A_339 = tpu.vector_load %arg14[%swap3A_337, %swap3A_338] {strides = array<i32>} : memref<256x64xf32, #tpu.memory_space<vmem>>, vector<1x16xf32>,
        %swap3A_340 = vector.shape_cast %swap3A_339 : vector<1x16xf32> to vector<16xf32>
        %swap3A_341 = vector.shape_cast %mul3A_334 : vector<16xf32> to vector<1x16xf32>
        tpu.vector_store %arg14[%swap3A_337, %swap3A_338], %swap3A_341 {strides = array<i32>} : memref<256x64xf32, #tpu.memory_space<vmem>>, vector<1x16xf32>,
        %add3A_342 = arith.constant 3 : i32
        %add3A_343 = arith.addi %mul3A_151, %add3A_342 : i32
        %get3A_344 = arith.index_cast %add3A_343 : i32 to index
        %get3A_345 = arith.constant 0 : index
        %get3A_346 = tpu.vector_load %arg12[%get3A_344, %get3A_345] {strides = array<i32>} : memref<256x64xf32, #tpu.memory_space<vmem>>, vector<1x16xf32>,
        %get3A_347 = vector.shape_cast %get3A_346 : vector<1x16xf32> to vector<16xf32>
        %mul3A_348 = arith.constant 8.000000e+00 : f32
        %mul3A_349 = vector.broadcast %mul3A_348 : f32 to vector<16xf32>
        %mul3A_350 = arith.mulf %get3A_347, %mul3A_349 : vector<16xf32>
        %add3A_351 = arith.constant 3 : i32
        %add3A_352 = arith.addi %mul3A_151, %add3A_351 : i32
        %swap3A_353 = arith.index_cast %add3A_352 : i32 to index
        %swap3A_354 = arith.constant 0 : index
        %swap3A_355 = tpu.vector_load %arg14[%swap3A_353, %swap3A_354] {strides = array<i32>} : memref<256x64xf32, #tpu.memory_space<vmem>>, vector<1x16xf32>,
        %swap3A_356 = vector.shape_cast %swap3A_355 : vector<1x16xf32> to vector<16xf32>
        %swap3A_357 = vector.shape_cast %mul3A_350 : vector<16xf32> to vector<1x16xf32>
        tpu.vector_store %arg14[%swap3A_353, %swap3A_354], %swap3A_357 {strides = array<i32>} : memref<256x64xf32, #tpu.memory_space<vmem>>, vector<1x16xf32>,
        %add3A_358 = arith.constant 3 : i32
        %add3A_359 = arith.addi %mul3A_151, %add3A_358 : i32
        %get3A_360 = arith.index_cast %add3A_359 : i32 to index
        %get3A_361 = arith.constant 16 : index
        %get3A_362 = tpu.vector_load %arg12[%get3A_360, %get3A_361] {strides = array<i32>} : memref<256x64xf32, #tpu.memory_space<vmem>>, vector<1x16xf32>,
        %get3A_363 = vector.shape_cast %get3A_362 : vector<1x16xf32> to vector<16xf32>
        %mul3A_364 = arith.constant 8.000000e+00 : f32
        %mul3A_365 = vector.broadcast %mul3A_364 : f32 to vector<16xf32>
        %mul3A_366 = arith.mulf %get3A_363, %mul3A_365 : vector<16xf32>
        %add3A_367 = arith.constant 3 : i32
        %add3A_368 = arith.addi %mul3A_151, %add3A_367 : i32
        %swap3A_369 = arith.index_cast %add3A_368 : i32 to index
        %swap3A_370 = arith.constant 16 : index
        %swap3A_371 = tpu.vector_load %arg14[%swap3A_369, %swap3A_370] {strides = array<i32>} : memref<256x64xf32, #tpu.memory_space<vmem>>, vector<1x16xf32>,
        %swap3A_372 = vector.shape_cast %swap3A_371 : vector<1x16xf32> to vector<16xf32>
        %swap3A_373 = vector.shape_cast %mul3A_366 : vector<16xf32> to vector<1x16xf32>
        tpu.vector_store %arg14[%swap3A_369, %swap3A_370], %swap3A_373 {strides = array<i32>} : memref<256x64xf32, #tpu.memory_space<vmem>>, vector<1x16xf32>,
        %add3A_374 = arith.constant 3 : i32
        %add3A_375 = arith.addi %mul3A_151, %add3A_374 : i32
        %get3A_376 = arith.index_cast %add3A_375 : i32 to index
        %get3A_377 = arith.constant 32 : index
        %get3A_378 = tpu.vector_load %arg12[%get3A_376, %get3A_377] {strides = array<i32>} : memref<256x64xf32, #tpu.memory_space<vmem>>, vector<1x16xf32>,
        %get3A_379 = vector.shape_cast %get3A_378 : vector<1x16xf32> to vector<16xf32>
        %mul3A_380 = arith.constant 8.000000e+00 : f32
        %mul3A_381 = vector.broadcast %mul3A_380 : f32 to vector<16xf32>
        %mul3A_382 = arith.mulf %get3A_379, %mul3A_381 : vector<16xf32>
        %add3A_383 = arith.constant 3 : i32
        %add3A_384 = arith.addi %mul3A_151, %add3A_383 : i32
        %swap3A_385 = arith.index_cast %add3A_384 : i32 to index
        %swap3A_386 = arith.constant 32 : index
        %swap3A_387 = tpu.vector_load %arg14[%swap3A_385, %swap3A_386] {strides = array<i32>} : memref<256x64xf32, #tpu.memory_space<vmem>>, vector<1x16xf32>,
        %swap3A_388 = vector.shape_cast %swap3A_387 : vector<1x16xf32> to vector<16xf32>
        %swap3A_389 = vector.shape_cast %mul3A_382 : vector<16xf32> to vector<1x16xf32>
        tpu.vector_store %arg14[%swap3A_385, %swap3A_386], %swap3A_389 {strides = array<i32>} : memref<256x64xf32, #tpu.memory_space<vmem>>, vector<1x16xf32>,
        %add3A_390 = arith.constant 3 : i32
        %add3A_391 = arith.addi %mul3A_151, %add3A_390 : i32
        %get3A_392 = arith.index_cast %add3A_391 : i32 to index
        %get3A_393 = arith.constant 48 : index
        %get3A_394 = tpu.vector_load %arg12[%get3A_392, %get3A_393] {strides = array<i32>} : memref<256x64xf32, #tpu.memory_space<vmem>>, vector<1x16xf32>,
        %get3A_395 = vector.shape_cast %get3A_394 : vector<1x16xf32> to vector<16xf32>
        %mul3A_396 = arith.constant 8.000000e+00 : f32
        %mul3A_397 = vector.broadcast %mul3A_396 : f32 to vector<16xf32>
        %mul3A_398 = arith.mulf %get3A_395, %mul3A_397 : vector<16xf32>
        %add3A_399 = arith.constant 3 : i32
        %add3A_400 = arith.addi %mul3A_151, %add3A_399 : i32
        %swap3A_401 = arith.index_cast %add3A_400 : i32 to index
        %swap3A_402 = arith.constant 48 : index
        %swap3A_403 = tpu.vector_load %arg14[%swap3A_401, %swap3A_402] {strides = array<i32>} : memref<256x64xf32, #tpu.memory_space<vmem>>, vector<1x16xf32>,
        %swap3A_404 = vector.shape_cast %swap3A_403 : vector<1x16xf32> to vector<16xf32>
        %swap3A_405 = vector.shape_cast %mul3A_398 : vector<16xf32> to vector<1x16xf32>
        tpu.vector_store %arg14[%swap3A_401, %swap3A_402], %swap3A_405 {strides = array<i32>} : memref<256x64xf32, #tpu.memory_space<vmem>>, vector<1x16xf32>,
        %add3A_406 = arith.constant 4 : i32
        %add3A_407 = arith.addi %mul3A_151, %add3A_406 : i32
        %get3A_408 = arith.index_cast %add3A_407 : i32 to index
        %get3A_409 = arith.constant 0 : index
        %get3A_410 = tpu.vector_load %arg12[%get3A_408, %get3A_409] {strides = array<i32>} : memref<256x64xf32, #tpu.memory_space<vmem>>, vector<1x16xf32>,
        %get3A_411 = vector.shape_cast %get3A_410 : vector<1x16xf32> to vector<16xf32>
        %mul3A_412 = arith.constant 8.000000e+00 : f32
        %mul3A_413 = vector.broadcast %mul3A_412 : f32 to vector<16xf32>
        %mul3A_414 = arith.mulf %get3A_411, %mul3A_413 : vector<16xf32>
        %add3A_415 = arith.constant 4 : i32
        %add3A_416 = arith.addi %mul3A_151, %add3A_415 : i32
        %swap3A_417 = arith.index_cast %add3A_416 : i32 to index
        %swap3A_418 = arith.constant 0 : index
        %swap3A_419 = tpu.vector_load %arg14[%swap3A_417, %swap3A_418] {strides = array<i32>} : memref<256x64xf32, #tpu.memory_space<vmem>>, vector<1x16xf32>,
        %swap3A_420 = vector.shape_cast %swap3A_419 : vector<1x16xf32> to vector<16xf32>
        %swap3A_421 = vector.shape_cast %mul3A_414 : vector<16xf32> to vector<1x16xf32>
        tpu.vector_store %arg14[%swap3A_417, %swap3A_418], %swap3A_421 {strides = array<i32>} : memref<256x64xf32, #tpu.memory_space<vmem>>, vector<1x16xf32>,
        %add3A_422 = arith.constant 4 : i32
        %add3A_423 = arith.addi %mul3A_151, %add3A_422 : i32
        %get3A_424 = arith.index_cast %add3A_423 : i32 to index
        %get3A_425 = arith.constant 16 : index
        %get3A_426 = tpu.vector_load %arg12[%get3A_424, %get3A_425] {strides = array<i32>} : memref<256x64xf32, #tpu.memory_space<vmem>>, vector<1x16xf32>,
        %get3A_427 = vector.shape_cast %get3A_426 : vector<1x16xf32> to vector<16xf32>
        %mul3A_428 = arith.constant 8.000000e+00 : f32
        %mul3A_429 = vector.broadcast %mul3A_428 : f32 to vector<16xf32>
        %mul3A_430 = arith.mulf %get3A_427, %mul3A_429 : vector<16xf32>
        %add3A_431 = arith.constant 4 : i32
        %add3A_432 = arith.addi %mul3A_151, %add3A_431 : i32
        %swap3A_433 = arith.index_cast %add3A_432 : i32 to index
        %swap3A_434 = arith.constant 16 : index
        %swap3A_435 = tpu.vector_load %arg14[%swap3A_433, %swap3A_434] {strides = array<i32>} : memref<256x64xf32, #tpu.memory_space<vmem>>, vector<1x16xf32>,
        %swap3A_436 = vector.shape_cast %swap3A_435 : vector<1x16xf32> to vector<16xf32>
        %swap3A_437 = vector.shape_cast %mul3A_430 : vector<16xf32> to vector<1x16xf32>
        tpu.vector_store %arg14[%swap3A_433, %swap3A_434], %swap3A_437 {strides = array<i32>} : memref<256x64xf32, #tpu.memory_space<vmem>>, vector<1x16xf32>,
        %add3A_438 = arith.constant 4 : i32
        %add3A_439 = arith.addi %mul3A_151, %add3A_438 : i32
        %get3A_440 = arith.index_cast %add3A_439 : i32 to index
        %get3A_441 = arith.constant 32 : index
        %get3A_442 = tpu.vector_load %arg12[%get3A_440, %get3A_441] {strides = array<i32>} : memref<256x64xf32, #tpu.memory_space<vmem>>, vector<1x16xf32>,
        %get3A_443 = vector.shape_cast %get3A_442 : vector<1x16xf32> to vector<16xf32>
        %mul3A_444 = arith.constant 8.000000e+00 : f32
        %mul3A_445 = vector.broadcast %mul3A_444 : f32 to vector<16xf32>
        %mul3A_446 = arith.mulf %get3A_443, %mul3A_445 : vector<16xf32>
        %add3A_447 = arith.constant 4 : i32
        %add3A_448 = arith.addi %mul3A_151, %add3A_447 : i32
        %swap3A_449 = arith.index_cast %add3A_448 : i32 to index
        %swap3A_450 = arith.constant 32 : index
        %swap3A_451 = tpu.vector_load %arg14[%swap3A_449, %swap3A_450] {strides = array<i32>} : memref<256x64xf32, #tpu.memory_space<vmem>>, vector<1x16xf32>,
        %swap3A_452 = vector.shape_cast %swap3A_451 : vector<1x16xf32> to vector<16xf32>
        %swap3A_453 = vector.shape_cast %mul3A_446 : vector<16xf32> to vector<1x16xf32>
        tpu.vector_store %arg14[%swap3A_449, %swap3A_450], %swap3A_453 {strides = array<i32>} : memref<256x64xf32, #tpu.memory_space<vmem>>, vector<1x16xf32>,
        %add3A_454 = arith.constant 4 : i32
        %add3A_455 = arith.addi %mul3A_151, %add3A_454 : i32
        %get3A_456 = arith.index_cast %add3A_455 : i32 to index
        %get3A_457 = arith.constant 48 : index
        %get3A_458 = tpu.vector_load %arg12[%get3A_456, %get3A_457] {strides = array<i32>} : memref<256x64xf32, #tpu.memory_space<vmem>>, vector<1x16xf32>,
        %get3A_459 = vector.shape_cast %get3A_458 : vector<1x16xf32> to vector<16xf32>
        %mul3A_460 = arith.constant 8.000000e+00 : f32
        %mul3A_461 = vector.broadcast %mul3A_460 : f32 to vector<16xf32>
        %mul3A_462 = arith.mulf %get3A_459, %mul3A_461 : vector<16xf32>
        %add3A_463 = arith.constant 4 : i32
        %add3A_464 = arith.addi %mul3A_151, %add3A_463 : i32
        %swap3A_465 = arith.index_cast %add3A_464 : i32 to index
        %swap3A_466 = arith.constant 48 : index
        %swap3A_467 = tpu.vector_load %arg14[%swap3A_465, %swap3A_466] {strides = array<i32>} : memref<256x64xf32, #tpu.memory_space<vmem>>, vector<1x16xf32>,
        %swap3A_468 = vector.shape_cast %swap3A_467 : vector<1x16xf32> to vector<16xf32>
        %swap3A_469 = vector.shape_cast %mul3A_462 : vector<16xf32> to vector<1x16xf32>
        tpu.vector_store %arg14[%swap3A_465, %swap3A_466], %swap3A_469 {strides = array<i32>} : memref<256x64xf32, #tpu.memory_space<vmem>>, vector<1x16xf32>,
        %add3A_470 = arith.constant 5 : i32
        %add3A_471 = arith.addi %mul3A_151, %add3A_470 : i32
        %get3A_472 = arith.index_cast %add3A_471 : i32 to index
        %get3A_473 = arith.constant 0 : index
        %get3A_474 = tpu.vector_load %arg12[%get3A_472, %get3A_473] {strides = array<i32>} : memref<256x64xf32, #tpu.memory_space<vmem>>, vector<1x16xf32>,
        %get3A_475 = vector.shape_cast %get3A_474 : vector<1x16xf32> to vector<16xf32>
        %mul3A_476 = arith.constant 8.000000e+00 : f32
        %mul3A_477 = vector.broadcast %mul3A_476 : f32 to vector<16xf32>
        %mul3A_478 = arith.mulf %get3A_475, %mul3A_477 : vector<16xf32>
        %add3A_479 = arith.constant 5 : i32
        %add3A_480 = arith.addi %mul3A_151, %add3A_479 : i32
        %swap3A_481 = arith.index_cast %add3A_480 : i32 to index
        %swap3A_482 = arith.constant 0 : index
        %swap3A_483 = tpu.vector_load %arg14[%swap3A_481, %swap3A_482] {strides = array<i32>} : memref<256x64xf32, #tpu.memory_space<vmem>>, vector<1x16xf32>,
        %swap3A_484 = vector.shape_cast %swap3A_483 : vector<1x16xf32> to vector<16xf32>
        %swap3A_485 = vector.shape_cast %mul3A_478 : vector<16xf32> to vector<1x16xf32>
        tpu.vector_store %arg14[%swap3A_481, %swap3A_482], %swap3A_485 {strides = array<i32>} : memref<256x64xf32, #tpu.memory_space<vmem>>, vector<1x16xf32>,
        %add3A_486 = arith.constant 5 : i32
        %add3A_487 = arith.addi %mul3A_151, %add3A_486 : i32
        %get3A_488 = arith.index_cast %add3A_487 : i32 to index
        %get3A_489 = arith.constant 16 : index
        %get3A_490 = tpu.vector_load %arg12[%get3A_488, %get3A_489] {strides = array<i32>} : memref<256x64xf32, #tpu.memory_space<vmem>>, vector<1x16xf32>,
        %get3A_491 = vector.shape_cast %get3A_490 : vector<1x16xf32> to vector<16xf32>
        %mul3A_492 = arith.constant 8.000000e+00 : f32
        %mul3A_493 = vector.broadcast %mul3A_492 : f32 to vector<16xf32>
        %mul3A_494 = arith.mulf %get3A_491, %mul3A_493 : vector<16xf32>
        %add3A_495 = arith.constant 5 : i32
        %add3A_496 = arith.addi %mul3A_151, %add3A_495 : i32
        %swap3A_497 = arith.index_cast %add3A_496 : i32 to index
        %swap3A_498 = arith.constant 16 : index
        %swap3A_499 = tpu.vector_load %arg14[%swap3A_497, %swap3A_498] {strides = array<i32>} : memref<256x64xf32, #tpu.memory_space<vmem>>, vector<1x16xf32>,
        %swap3A_500 = vector.shape_cast %swap3A_499 : vector<1x16xf32> to vector<16xf32>
        %swap3A_501 = vector.shape_cast %mul3A_494 : vector<16xf32> to vector<1x16xf32>
        tpu.vector_store %arg14[%swap3A_497, %swap3A_498], %swap3A_501 {strides = array<i32>} : memref<256x64xf32, #tpu.memory_space<vmem>>, vector<1x16xf32>,
        %add3A_502 = arith.constant 5 : i32
        %add3A_503 = arith.addi %mul3A_151, %add3A_502 : i32
        %get3A_504 = arith.index_cast %add3A_503 : i32 to index
        %get3A_505 = arith.constant 32 : index
        %get3A_506 = tpu.vector_load %arg12[%get3A_504, %get3A_505] {strides = array<i32>} : memref<256x64xf32, #tpu.memory_space<vmem>>, vector<1x16xf32>,
        %get3A_507 = vector.shape_cast %get3A_506 : vector<1x16xf32> to vector<16xf32>
        %mul3A_508 = arith.constant 8.000000e+00 : f32
        %mul3A_509 = vector.broadcast %mul3A_508 : f32 to vector<16xf32>
        %mul3A_510 = arith.mulf %get3A_507, %mul3A_509 : vector<16xf32>
        %add3A_511 = arith.constant 5 : i32
        %add3A_512 = arith.addi %mul3A_151, %add3A_511 : i32
        %swap3A_513 = arith.index_cast %add3A_512 : i32 to index
        %swap3A_514 = arith.constant 32 : index
        %swap3A_515 = tpu.vector_load %arg14[%swap3A_513, %swap3A_514] {strides = array<i32>} : memref<256x64xf32, #tpu.memory_space<vmem>>, vector<1x16xf32>,
        %swap3A_516 = vector.shape_cast %swap3A_515 : vector<1x16xf32> to vector<16xf32>
        %swap3A_517 = vector.shape_cast %mul3A_510 : vector<16xf32> to vector<1x16xf32>
        tpu.vector_store %arg14[%swap3A_513, %swap3A_514], %swap3A_517 {strides = array<i32>} : memref<256x64xf32, #tpu.memory_space<vmem>>, vector<1x16xf32>,
        %add3A_518 = arith.constant 5 : i32
        %add3A_519 = arith.addi %mul3A_151, %add3A_518 : i32
        %get3A_520 = arith.index_cast %add3A_519 : i32 to index
        %get3A_521 = arith.constant 48 : index
        %get3A_522 = tpu.vector_load %arg12[%get3A_520, %get3A_521] {strides = array<i32>} : memref<256x64xf32, #tpu.memory_space<vmem>>, vector<1x16xf32>,
        %get3A_523 = vector.shape_cast %get3A_522 : vector<1x16xf32> to vector<16xf32>
        %mul3A_524 = arith.constant 8.000000e+00 : f32
        %mul3A_525 = vector.broadcast %mul3A_524 : f32 to vector<16xf32>
        %mul3A_526 = arith.mulf %get3A_523, %mul3A_525 : vector<16xf32>
        %add3A_527 = arith.constant 5 : i32
        %add3A_528 = arith.addi %mul3A_151, %add3A_527 : i32
        %swap3A_529 = arith.index_cast %add3A_528 : i32 to index
        %swap3A_530 = arith.constant 48 : index
        %swap3A_531 = tpu.vector_load %arg14[%swap3A_529, %swap3A_530] {strides = array<i32>} : memref<256x64xf32, #tpu.memory_space<vmem>>, vector<1x16xf32>,
        %swap3A_532 = vector.shape_cast %swap3A_531 : vector<1x16xf32> to vector<16xf32>
        %swap3A_533 = vector.shape_cast %mul3A_526 : vector<16xf32> to vector<1x16xf32>
        tpu.vector_store %arg14[%swap3A_529, %swap3A_530], %swap3A_533 {strides = array<i32>} : memref<256x64xf32, #tpu.memory_space<vmem>>, vector<1x16xf32>,
        %add3A_534 = arith.constant 6 : i32
        %add3A_535 = arith.addi %mul3A_151, %add3A_534 : i32
        %get3A_536 = arith.index_cast %add3A_535 : i32 to index
        %get3A_537 = arith.constant 0 : index
        %get3A_538 = tpu.vector_load %arg12[%get3A_536, %get3A_537] {strides = array<i32>} : memref<256x64xf32, #tpu.memory_space<vmem>>, vector<1x16xf32>,
        %get3A_539 = vector.shape_cast %get3A_538 : vector<1x16xf32> to vector<16xf32>
        %mul3A_540 = arith.constant 8.000000e+00 : f32
        %mul3A_541 = vector.broadcast %mul3A_540 : f32 to vector<16xf32>
        %mul3A_542 = arith.mulf %get3A_539, %mul3A_541 : vector<16xf32>
        %add3A_543 = arith.constant 6 : i32
        %add3A_544 = arith.addi %mul3A_151, %add3A_543 : i32
        %swap3A_545 = arith.index_cast %add3A_544 : i32 to index
        %swap3A_546 = arith.constant 0 : index
        %swap3A_547 = tpu.vector_load %arg14[%swap3A_545, %swap3A_546] {strides = array<i32>} : memref<256x64xf32, #tpu.memory_space<vmem>>, vector<1x16xf32>,
        %swap3A_548 = vector.shape_cast %swap3A_547 : vector<1x16xf32> to vector<16xf32>
        %swap3A_549 = vector.shape_cast %mul3A_542 : vector<16xf32> to vector<1x16xf32>
        tpu.vector_store %arg14[%swap3A_545, %swap3A_546], %swap3A_549 {strides = array<i32>} : memref<256x64xf32, #tpu.memory_space<vmem>>, vector<1x16xf32>,
        %add3A_550 = arith.constant 6 : i32
        %add3A_551 = arith.addi %mul3A_151, %add3A_550 : i32
        %get3A_552 = arith.index_cast %add3A_551 : i32 to index
        %get3A_553 = arith.constant 16 : index
        %get3A_554 = tpu.vector_load %arg12[%get3A_552, %get3A_553] {strides = array<i32>} : memref<256x64xf32, #tpu.memory_space<vmem>>, vector<1x16xf32>,
        %get3A_555 = vector.shape_cast %get3A_554 : vector<1x16xf32> to vector<16xf32>
        %mul3A_556 = arith.constant 8.000000e+00 : f32
        %mul3A_557 = vector.broadcast %mul3A_556 : f32 to vector<16xf32>
        %mul3A_558 = arith.mulf %get3A_555, %mul3A_557 : vector<16xf32>
        %add3A_559 = arith.constant 6 : i32
        %add3A_560 = arith.addi %mul3A_151, %add3A_559 : i32
        %swap3A_561 = arith.index_cast %add3A_560 : i32 to index
        %swap3A_562 = arith.constant 16 : index
        %swap3A_563 = tpu.vector_load %arg14[%swap3A_561, %swap3A_562] {strides = array<i32>} : memref<256x64xf32, #tpu.memory_space<vmem>>, vector<1x16xf32>,
        %swap3A_564 = vector.shape_cast %swap3A_563 : vector<1x16xf32> to vector<16xf32>
        %swap3A_565 = vector.shape_cast %mul3A_558 : vector<16xf32> to vector<1x16xf32>
        tpu.vector_store %arg14[%swap3A_561, %swap3A_562], %swap3A_565 {strides = array<i32>} : memref<256x64xf32, #tpu.memory_space<vmem>>, vector<1x16xf32>,
        %add3A_566 = arith.constant 6 : i32
        %add3A_567 = arith.addi %mul3A_151, %add3A_566 : i32
        %get3A_568 = arith.index_cast %add3A_567 : i32 to index
        %get3A_569 = arith.constant 32 : index
        %get3A_570 = tpu.vector_load %arg12[%get3A_568, %get3A_569] {strides = array<i32>} : memref<256x64xf32, #tpu.memory_space<vmem>>, vector<1x16xf32>,
        %get3A_571 = vector.shape_cast %get3A_570 : vector<1x16xf32> to vector<16xf32>
        %mul3A_572 = arith.constant 8.000000e+00 : f32
        %mul3A_573 = vector.broadcast %mul3A_572 : f32 to vector<16xf32>
        %mul3A_574 = arith.mulf %get3A_571, %mul3A_573 : vector<16xf32>
        %add3A_575 = arith.constant 6 : i32
        %add3A_576 = arith.addi %mul3A_151, %add3A_575 : i32
        %swap3A_577 = arith.index_cast %add3A_576 : i32 to index
        %swap3A_578 = arith.constant 32 : index
        %swap3A_579 = tpu.vector_load %arg14[%swap3A_577, %swap3A_578] {strides = array<i32>} : memref<256x64xf32, #tpu.memory_space<vmem>>, vector<1x16xf32>,
        %swap3A_580 = vector.shape_cast %swap3A_579 : vector<1x16xf32> to vector<16xf32>
        %swap3A_581 = vector.shape_cast %mul3A_574 : vector<16xf32> to vector<1x16xf32>
        tpu.vector_store %arg14[%swap3A_577, %swap3A_578], %swap3A_581 {strides = array<i32>} : memref<256x64xf32, #tpu.memory_space<vmem>>, vector<1x16xf32>,
        %add3A_582 = arith.constant 6 : i32
        %add3A_583 = arith.addi %mul3A_151, %add3A_582 : i32
        %get3A_584 = arith.index_cast %add3A_583 : i32 to index
        %get3A_585 = arith.constant 48 : index
        %get3A_586 = tpu.vector_load %arg12[%get3A_584, %get3A_585] {strides = array<i32>} : memref<256x64xf32, #tpu.memory_space<vmem>>, vector<1x16xf32>,
        %get3A_587 = vector.shape_cast %get3A_586 : vector<1x16xf32> to vector<16xf32>
        %mul3A_588 = arith.constant 8.000000e+00 : f32
        %mul3A_589 = vector.broadcast %mul3A_588 : f32 to vector<16xf32>
        %mul3A_590 = arith.mulf %get3A_587, %mul3A_589 : vector<16xf32>
        %add3A_591 = arith.constant 6 : i32
        %add3A_592 = arith.addi %mul3A_151, %add3A_591 : i32
        %swap3A_593 = arith.index_cast %add3A_592 : i32 to index
        %swap3A_594 = arith.constant 48 : index
        %swap3A_595 = tpu.vector_load %arg14[%swap3A_593, %swap3A_594] {strides = array<i32>} : memref<256x64xf32, #tpu.memory_space<vmem>>, vector<1x16xf32>,
        %swap3A_596 = vector.shape_cast %swap3A_595 : vector<1x16xf32> to vector<16xf32>
        %swap3A_597 = vector.shape_cast %mul3A_590 : vector<16xf32> to vector<1x16xf32>
        tpu.vector_store %arg14[%swap3A_593, %swap3A_594], %swap3A_597 {strides = array<i32>} : memref<256x64xf32, #tpu.memory_space<vmem>>, vector<1x16xf32>,
        %add3A_598 = arith.constant 7 : i32
        %add3A_599 = arith.addi %mul3A_151, %add3A_598 : i32
        %get3A_600 = arith.index_cast %add3A_599 : i32 to index
        %get3A_601 = arith.constant 0 : index
        %get3A_602 = tpu.vector_load %arg12[%get3A_600, %get3A_601] {strides = array<i32>} : memref<256x64xf32, #tpu.memory_space<vmem>>, vector<1x16xf32>,
        %get3A_603 = vector.shape_cast %get3A_602 : vector<1x16xf32> to vector<16xf32>
        %mul3A_604 = arith.constant 8.000000e+00 : f32
        %mul3A_605 = vector.broadcast %mul3A_604 : f32 to vector<16xf32>
        %mul3A_606 = arith.mulf %get3A_603, %mul3A_605 : vector<16xf32>
        %add3A_607 = arith.constant 7 : i32
        %add3A_608 = arith.addi %mul3A_151, %add3A_607 : i32
        %swap3A_609 = arith.index_cast %add3A_608 : i32 to index
        %swap3A_610 = arith.constant 0 : index
        %swap3A_611 = tpu.vector_load %arg14[%swap3A_609, %swap3A_610] {strides = array<i32>} : memref<256x64xf32, #tpu.memory_space<vmem>>, vector<1x16xf32>,
        %swap3A_612 = vector.shape_cast %swap3A_611 : vector<1x16xf32> to vector<16xf32>
        %swap3A_613 = vector.shape_cast %mul3A_606 : vector<16xf32> to vector<1x16xf32>
        tpu.vector_store %arg14[%swap3A_609, %swap3A_610], %swap3A_613 {strides = array<i32>} : memref<256x64xf32, #tpu.memory_space<vmem>>, vector<1x16xf32>,
        %add3A_614 = arith.constant 7 : i32
        %add3A_615 = arith.addi %mul3A_151, %add3A_614 : i32
        %get3A_616 = arith.index_cast %add3A_615 : i32 to index
        %get3A_617 = arith.constant 16 : index
        %get3A_618 = tpu.vector_load %arg12[%get3A_616, %get3A_617] {strides = array<i32>} : memref<256x64xf32, #tpu.memory_space<vmem>>, vector<1x16xf32>,
        %get3A_619 = vector.shape_cast %get3A_618 : vector<1x16xf32> to vector<16xf32>
        %mul3A_620 = arith.constant 8.000000e+00 : f32
        %mul3A_621 = vector.broadcast %mul3A_620 : f32 to vector<16xf32>
        %mul3A_622 = arith.mulf %get3A_619, %mul3A_621 : vector<16xf32>
        %add3A_623 = arith.constant 7 : i32
        %add3A_624 = arith.addi %mul3A_151, %add3A_623 : i32
        %swap3A_625 = arith.index_cast %add3A_624 : i32 to index
        %swap3A_626 = arith.constant 16 : index
        %swap3A_627 = tpu.vector_load %arg14[%swap3A_625, %swap3A_626] {strides = array<i32>} : memref<256x64xf32, #tpu.memory_space<vmem>>, vector<1x16xf32>,
        %swap3A_628 = vector.shape_cast %swap3A_627 : vector<1x16xf32> to vector<16xf32>
        %swap3A_629 = vector.shape_cast %mul3A_622 : vector<16xf32> to vector<1x16xf32>
        tpu.vector_store %arg14[%swap3A_625, %swap3A_626], %swap3A_629 {strides = array<i32>} : memref<256x64xf32, #tpu.memory_space<vmem>>, vector<1x16xf32>,
        %add3A_630 = arith.constant 7 : i32
        %add3A_631 = arith.addi %mul3A_151, %add3A_630 : i32
        %get3A_632 = arith.index_cast %add3A_631 : i32 to index
        %get3A_633 = arith.constant 32 : index
        %get3A_634 = tpu.vector_load %arg12[%get3A_632, %get3A_633] {strides = array<i32>} : memref<256x64xf32, #tpu.memory_space<vmem>>, vector<1x16xf32>,
        %get3A_635 = vector.shape_cast %get3A_634 : vector<1x16xf32> to vector<16xf32>
        %mul3A_636 = arith.constant 8.000000e+00 : f32
        %mul3A_637 = vector.broadcast %mul3A_636 : f32 to vector<16xf32>
        %mul3A_638 = arith.mulf %get3A_635, %mul3A_637 : vector<16xf32>
        %add3A_639 = arith.constant 7 : i32
        %add3A_640 = arith.addi %mul3A_151, %add3A_639 : i32
        %swap3A_641 = arith.index_cast %add3A_640 : i32 to index
        %swap3A_642 = arith.constant 32 : index
        %swap3A_643 = tpu.vector_load %arg14[%swap3A_641, %swap3A_642] {strides = array<i32>} : memref<256x64xf32, #tpu.memory_space<vmem>>, vector<1x16xf32>,
        %swap3A_644 = vector.shape_cast %swap3A_643 : vector<1x16xf32> to vector<16xf32>
        %swap3A_645 = vector.shape_cast %mul3A_638 : vector<16xf32> to vector<1x16xf32>
        tpu.vector_store %arg14[%swap3A_641, %swap3A_642], %swap3A_645 {strides = array<i32>} : memref<256x64xf32, #tpu.memory_space<vmem>>, vector<1x16xf32>,
        %add3A_646 = arith.constant 7 : i32
        %add3A_647 = arith.addi %mul3A_151, %add3A_646 : i32
        %get3A_648 = arith.index_cast %add3A_647 : i32 to index
        %get3A_649 = arith.constant 48 : index
        %get3A_650 = tpu.vector_load %arg12[%get3A_648, %get3A_649] {strides = array<i32>} : memref<256x64xf32, #tpu.memory_space<vmem>>, vector<1x16xf32>,
        %get3A_651 = vector.shape_cast %get3A_650 : vector<1x16xf32> to vector<16xf32>
        %mul3A_652 = arith.constant 8.000000e+00 : f32
        %mul3A_653 = vector.broadcast %mul3A_652 : f32 to vector<16xf32>
        %mul3A_654 = arith.mulf %get3A_651, %mul3A_653 : vector<16xf32>
        %add3A_655 = arith.constant 7 : i32
        %add3A_656 = arith.addi %mul3A_151, %add3A_655 : i32
        %swap3A_657 = arith.index_cast %add3A_656 : i32 to index
        %swap3A_658 = arith.constant 48 : index
        %swap3A_659 = tpu.vector_load %arg14[%swap3A_657, %swap3A_658] {strides = array<i32>} : memref<256x64xf32, #tpu.memory_space<vmem>>, vector<1x16xf32>,
        %swap3A_660 = vector.shape_cast %swap3A_659 : vector<1x16xf32> to vector<16xf32>
        %swap3A_661 = vector.shape_cast %mul3A_654 : vector<16xf32> to vector<1x16xf32>
        tpu.vector_store %arg14[%swap3A_657, %swap3A_658], %swap3A_661 {strides = array<i32>} : memref<256x64xf32, #tpu.memory_space<vmem>>, vector<1x16xf32>,
      }
      %scan3A_136 = arith.constant 32 : i32
      %mul3A_137 = arith.constant 256 : i32
      %mul3A_138 = arith.muli %add3A_123, %mul3A_137 : i32
      %add3A_139 = arith.addi %mul3A_2, %mul3A_138 : i32
      %dma_start3A_140 = arith.constant 0 : i32
      %dma_start3A_141 = tpu.memref_slice %arg4[%add3A_139, %dma_start3A_140] : memref<819200x64xf32, #tpu.memory_space<hbm>> -> memref<256x64xf32, #tpu.memory_space<hbm>>
      %dma_start3A_142 = arith.constant 0 : i32
      %dma_start3A_143 = tpu.memref_slice %arg4[%add3A_139, %dma_start3A_142] : memref<819200x64xf32, #tpu.memory_space<hbm>> -> memref<256x64xf32, #tpu.memory_space<hbm>>
      tpu.enqueue_dma source(%arg14 : memref<256x64xf32, #tpu.memory_space<vmem>>) target(%dma_start3A_143 : memref<256x64xf32, #tpu.memory_space<hbm>>) target_semaphore(%arg20 : memref<!tpu.dma_semaphore, #tpu.memory_space<semaphore_mem>>)
      %lt3A_144 = arith.constant 24 : i32
      %lt3A_145 = arith.cmpi slt, %scan3A_34, %lt3A_144 : i32
      %convert_element_type3A_146 = arith.extui %lt3A_145 : i1 to i32
      %cond3A_147 = arith.constant 0 : i32
      %cond3A_148 = arith.cmpi ne, %convert_element_type3A_146, %cond3A_147 : i32
      scf.if %cond3A_148 {
        %add3A_149 = arith.constant 4 : i32
        %add3A_150 = arith.addi %add3A_123, %add3A_149 : i32
        %mul3A_151 = arith.constant 256 : i32
        %mul3A_152 = arith.muli %add3A_150, %mul3A_151 : i32
        %add3A_153 = arith.addi %mul3A_2, %mul3A_152 : i32
        "tpu.region"() ({
          %run_scoped3A = tpu.sem_alloc : memref<!tpu.dma_semaphore, #tpu.memory_space<semaphore_mem>>
          %dma_start3A_157 = tpu.memref_slice %arg2[%add3A_153] : memref<819200xi32, #tpu.memory_space<hbm>> -> memref<256xi32, #tpu.memory_space<hbm>>
          %dma_start3A_158 = tpu.memref_slice %arg2[%add3A_153] : memref<819200xi32, #tpu.memory_space<hbm>> -> memref<256xi32, #tpu.memory_space<hbm>>
          tpu.enqueue_dma source(%dma_start3A_158 : memref<256xi32, #tpu.memory_space<hbm>>) target(%arg8 : memref<256xi32, #tpu.memory_space<vmem>>) target_semaphore(%run_scoped3A : memref<!tpu.dma_semaphore, #tpu.memory_space<semaphore_mem>>)
          %dma_wait3A_159 = tpu.memref_slice %arg2[%add3A_153] : memref<819200xi32, #tpu.memory_space<hbm>> -> memref<256xi32, #tpu.memory_space<hbm>>
          %dma_wait3A_160 = tpu.memref_slice %arg2[%add3A_153] : memref<819200xi32, #tpu.memory_space<hbm>> -> memref<256xi32, #tpu.memory_space<hbm>>
          tpu.wait_dma2 semaphore(%run_scoped3A : memref<!tpu.dma_semaphore, #tpu.memory_space<semaphore_mem>>) src(%dma_wait3A_160 : memref<256xi32, #tpu.memory_space<hbm>>) dst(%arg8 : memref<256xi32, #tpu.memory_space<vmem>>)
          tpu.yield
        }) : () -> ()
        %dma_start3A_154 = arith.constant 0 : i32
        %dma_start3A_155 = arith.constant 0 : i32
        %dma_start3A_156 = tpu.memref_slice %arg3[%dma_start3A_154, %dma_start3A_155] : memref<1000000x64xf32, #tpu.memory_space<hbm>> -> memref<1000000x64xf32, #tpu.memory_space<hbm>>
        tpu.enqueue_indirect_dma source(%dma_start3A_156 : memref<1000000x64xf32, #tpu.memory_space<hbm>>) target(%arg12 : memref<256x64xf32, #tpu.memory_space<vmem>>) offsets(%arg8 : memref<256xi32, #tpu.memory_space<vmem>>) semaphore(%arg18 : memref<!tpu.dma_semaphore, #tpu.memory_space<semaphore_mem>>)
      } else {
      }
    }
    %scan3A_26 = arith.constant 25 : i32
    %dma_wait3A = arith.constant 0 : i32
    %dma_wait3A_27 = tpu.memref_slice %arg4[%mul3A_2, %dma_wait3A] : memref<819200x64xf32, #tpu.memory_space<hbm>> -> memref<256x64xf32, #tpu.memory_space<hbm>>
    %dma_wait3A_28 = arith.constant 0 : i32
    %dma_wait3A_29 = tpu.memref_slice %arg4[%mul3A_2, %dma_wait3A_28] : memref<819200x64xf32, #tpu.memory_space<hbm>> -> memref<256x64xf32, #tpu.memory_space<hbm>>
    tpu.wait_dma2 semaphore(%arg19 : memref<!tpu.dma_semaphore, #tpu.memory_space<semaphore_mem>>) src(%arg13 : memref<256x64xf32, #tpu.memory_space<vmem>>) dst(%dma_wait3A_29 : memref<256x64xf32, #tpu.memory_space<hbm>>)
    %dma_wait3A_30 = arith.constant 0 : i32
    %dma_wait3A_31 = tpu.memref_slice %arg4[%mul3A_2, %dma_wait3A_30] : memref<819200x64xf32, #tpu.memory_space<hbm>> -> memref<256x64xf32, #tpu.memory_space<hbm>>
    %dma_wait3A_32 = arith.constant 0 : i32
    %dma_wait3A_33 = tpu.memref_slice %arg4[%mul3A_2, %dma_wait3A_32] : memref<819200x64xf32, #tpu.memory_space<hbm>> -> memref<256x64xf32, #tpu.memory_space<hbm>>
    tpu.wait_dma2 semaphore(%arg20 : memref<!tpu.dma_semaphore, #tpu.memory_space<semaphore_mem>>) src(%arg14 : memref<256x64xf32, #tpu.memory_space<vmem>>) dst(%dma_wait3A_33 : memref<256x64xf32, #tpu.memory_space<hbm>>)
    return
  }
}

</mosaic_0001>

<sc_bundles>
// kernel: kernel.3.cloned.1.call-start
scs
__scs_entry_jumppad:
0x0: {  	(pc) =	sbr.rel $0x88, $3  }
0x1: {  	(tag) =	ssettag $0x0;
	lr =	simm.s32 $0x1  }
0x2: {  	[smem:$0x3F9F] =	sst lr;
	_ =	strace $0xD0000000  }
0x3: {  	_ = 	snop  }
0x4: {  	_ = 	snop  }
0x5: {  	_ = 	snop  }
0x6: {  	_ = 	snop  }
0x7: {  	_ = 	snop  }
__scs_overlays_trampoline_lowered:
0x8: {  	[smem:$0x3FAE] =	sst s0  }
0x9: {  	[smem:$0x3FAF] =	sst s1  }
0xa: {  	[smem:$0x3FB0] =	sst s2  }
0xb: {  	[smem:$0x3FB1] =	sst s3  }
0xc: {  	[smem:$0x3FB2] =	sst s4  }
0xd: {  	[smem:$0x3FB3] =	sst s5  }
0xe: {  	[smem:$0x3FB4] =	sst s6  }
0xf: {  	[smem:$0x3FB5] =	sst s7  }
0x10: {  	[smem:$0x3FB6] =	sst s8  }
0x11: {  	[smem:$0x3FB7] =	sst s9;
	s0 =	simm.s32 @!p0 $0x0  }
0x12: {  	s1 =	sld [smem:$0x3F9D];
	s0 =	simm.s32 @p0 $0x1  }
0x13: {  	[smem:$0x3FB8] =	sst s0;
	s0 =	simm.s32 @!p1 $0x0  }
0x14: {  	s2 =	sld [smem:$0x3F9C];
	s0 =	simm.s32 @p1 $0x1  }
0x15: {  	[smem:$0x3FB9] =	sst s0;
	s0 =	simm.s32 @!p2 $0x0  }
0x16: {  	s3 =	sld [smem:$0x3FDB];
	s0 =	simm.s32 @p2 $0x1  }
0x17: {  	s4 =	simm.s32 $0x1BF5;
	[smem:$0x3FBB] =	sst s0  }
0x18: {  	s0 =	sld [smem:$0x3F9E];
	_ =	swait.ge [sflag:s4], $0x0  }
0x19: {  	s7 =	sld [smem:$0x3F9F]  }
0x1a: {  	s8 =	sadd.s32 $0xFFFFE003, lr  }
0x1b: {  	s9 =	sadd.s32 $0xFFFFFEF7, lr;
	s5 =	simm.s32 $0xFFFFFFFF;
	p2 =	slt.u32 s8, $0xFFFFF086  }
0x1c: {  	p1 =	slt.u32 s9, $0xF7A;
	s5 =	simm.s32 @!p2 $0x0  }
0x1d: {  	s5 =	simm.s32 @p1 $0x1;
	p0 =	seq.s32 s7, s2  }
0x1e: {  	s7 =	smul.u32 @!p0 $0xF7A, s2;
	p2 =	seq.s32 @!p0 s5, $0x0  }
0x1f: {  	s9 =	smul.u32 $0xF7A, s1;
	s8 =	simm.s32 @!p0 $0x1BF5;
	p2 =	por !p2, p0  }
0x20: {  	[sflag:s8] =	ssyncset.s32 @!p0 $0xFFFFF086;
	s6 =	sadd.s32 @!p0 s3, s7;
	s7 =	simm.s32 @!p0 $0x108  }
0x21: {  	s3 =	sadd.s32 s3, s9;
	s6 =	sadd.s32 @!p0 $0x88, s6;
	s7 =	simm.s32 @p2 $0x1082  }
0x22: {  	[simem:s7], [sflag:s8] =	dma.local @!p0 [hbm:s6], $0xF7A  }
0x23: {  	s9 =	sor.u32 $0xD0000000, s2;
	s6 =	simm.s32 $0x108;
	_ =	swait.ge @!p0 [sflag:s8], $0x0  }
0x24: {  	s3 =	sadd.s32 $0x88, s3;
	s6 =	simm.s32 @!p1 $0x1082;
	[sflag:s4] =	ssyncset.s32 $0xFFFFF086  }
0x25: {  	[simem:s6], [sflag:s4] =	dma.local [hbm:s3], $0xF7A  }
0x26: {  	[smem:$0x3F9F] =	sst s1;
	(tag) =	ssettag s2;
	_ =	strace s9  }
0x27: {  	s1 =	sld [smem:$0x3FAF]  }
0x28: {  	s2 =	sld [smem:$0x3FB0]  }
0x29: {  	s4 =	sld [smem:$0x3FB2]  }
0x2a: {  	p0 =	seq.s32 s5, $0x0;
	s5 =	sld [smem:$0x3FB3]  }
0x2b: {  	s6 =	sld [smem:$0x3FB4]  }
0x2c: {  	s7 =	sld [smem:$0x3FB5]  }
0x2d: {  	s3 =	simm.s32 $0x108;
	s8 =	sld [smem:$0x3FB6]  }
0x2e: {  	s3 =	simm.s32 @!p0 $0x1082;
	s9 =	sld [smem:$0x3FB7]  }
0x2f: {  	lr =	sadd.s32 s0, s3;
	s0 =	sld [smem:$0x3FAE]  }
0x30: {  	s3 =	sld [smem:$0x3FB1]  }
0x31: {  	[smem:$0x3FBA] =	sst s10  }
0x32: {  	s10 =	sld [smem:$0x3FB8];
	_ =	sdelay $0x3  }
0x33: {  	p0 =	seq.s32 s10, $0x1;
	s10 =	sld [smem:$0x3FBA];
	_ =	sdelay $0x3  }
0x34: {  	[smem:$0x3FBA] =	sst s10  }
0x35: {  	s10 =	sld [smem:$0x3FB9];
	_ =	sdelay $0x3  }
0x36: {  	p1 =	seq.s32 s10, $0x1;
	s10 =	sld [smem:$0x3FBA];
	_ =	sdelay $0x3  }
0x37: {  	[smem:$0x3FBA] =	sst s10  }
0x38: {  	s10 =	sld [smem:$0x3FBB]  }
0x39: {  	_ = 	snop;
	(pc) =	sbr.ind lr, $3  }
0x3a: {  	_ = 	snop  }
0x3b: {  	_ = 	snop  }
0x3c: {  	p2 =	seq.s32 s10, $0x1;
	s10 =	sld [smem:$0x3FBA]  }
0x3d: {  	_ =	shalt  }
0x3e: {  	_ =	shalt  }
0x3f: {  	_ =	shalt  }
0x40: {  	_ =	shalt  }
0x41: {  	_ =	shalt  }
0x42: {  	_ =	shalt  }
0x43: {  	_ =	shalt  }
0x44: {  	_ =	shalt  }
0x45: {  	_ =	shalt  }
0x46: {  	_ =	shalt  }
0x47: {  	_ =	shalt  }
0x48: {  	_ =	shalt  }
0x49: {  	_ =	shalt  }
0x4a: {  	_ =	shalt  }
0x4b: {  	_ =	shalt  }
0x4c: {  	_ =	shalt  }
0x4d: {  	_ =	shalt  }
0x4e: {  	_ =	shalt  }
0x4f: {  	_ =	shalt  }
0x50: {  	_ =	shalt  }
0x51: {  	_ =	shalt  }
0x52: {  	_ =	shalt  }
0x53: {  	_ =	shalt  }
0x54: {  	_ =	shalt  }
0x55: {  	_ =	shalt  }
0x56: {  	_ =	shalt  }
0x57: {  	_ =	shalt  }
0x58: {  	_ =	shalt  }
0x59: {  	_ =	shalt  }
0x5a: {  	_ =	shalt  }
0x5b: {  	_ =	shalt  }
0x5c: {  	_ =	shalt  }
0x5d: {  	_ =	shalt  }
0x5e: {  	_ =	shalt  }
0x5f: {  	_ =	shalt  }
0x60: {  	_ =	shalt  }
0x61: {  	_ =	shalt  }
0x62: {  	_ =	shalt  }
0x63: {  	_ =	shalt  }
0x64: {  	_ =	shalt  }
0x65: {  	_ =	shalt  }
0x66: {  	_ =	shalt  }
0x67: {  	_ =	shalt  }
0x68: {  	_ =	shalt  }
0x69: {  	_ =	shalt  }
0x6a: {  	_ =	shalt  }
0x6b: {  	_ =	shalt  }
0x6c: {  	_ =	shalt  }
0x6d: {  	_ =	shalt  }
0x6e: {  	_ =	shalt  }
0x6f: {  	_ =	shalt  }
0x70: {  	_ =	shalt  }
0x71: {  	_ =	shalt  }
0x72: {  	_ =	shalt  }
0x73: {  	_ =	shalt  }
0x74: {  	_ =	shalt  }
0x75: {  	_ =	shalt  }
0x76: {  	_ =	shalt  }
0x77: {  	_ =	shalt  }
0x78: {  	_ =	shalt  }
0x79: {  	_ =	shalt  }
0x7a: {  	_ =	shalt  }
0x7b: {  	_ =	shalt  }
0x7c: {  	_ =	shalt  }
0x7d: {  	_ =	shalt  }
0x7e: {  	_ =	shalt  }
0x7f: {  	_ =	shalt  }
0x80: {  	_ =	shalt  }
0x81: {  	_ =	shalt  }
0x82: {  	_ =	shalt  }
0x83: {  	_ =	shalt  }
0x84: {  	_ =	shalt  }
0x85: {  	_ =	shalt  }
0x86: {  	_ =	shalt  }
0x87: {  	_ =	shalt  }
.Lfunc_end0:
.L_simem_size_0:
called_computation.1_lowered:
.L_overlay_start_0:
0x88: {  	s2 =	sld [smem:$0x3FD9]  }
0x89: {  	s3 =	sld [smem:$0x3FFE];
	_ =	sdelay $0x1  }
0x8a: {  	s1 =	srdreg.scid  }
0x8b: {  	s0 =	sand.u32 $0x1, s1  }
0x8c: {  	s17 =	sshll.u32 s0, $0xA;
	s2 =	sadd.s32 s3, s2  }
0x8d: {  	s2 =	sadd.s32 s2, s17  }
0x8e: {  	[smem:$0x3FC6] =	sst s2  }
0x8f: {  	_ = 	snop  }
0x90: {  	s2 =	sld [smem:$0x3FD0];
	(tm) =	ssettm $0x1  }
0x91: {  	s18 =	sld [smem:$0x3FFB];
	_ =	sdelay $0x3  }
0x92: {  	_ =	strace s18  }
0x93: {  	s3 =	sld [smem:$0x3FFC];
	_ =	sdelay $0x3  }
0x94: {  	_ =	strace s3  }
0x95: {  	s3 =	sld [smem:$0x3FFD];
	_ =	sdelay $0x3  }
0x96: {  	_ =	strace s3  }
0x97: {  	_ =	strace $0x8FFFFFFF  }
0x98: {  	s19 =	sld [smem:$0x3FDB];
	_ =	sdelay $0x1  }
0x99: {  	s4 =	simm.s32 $_scs_section_size  }
0x9a: {  	s5 =	simm.s32 $_size__tile_overlayer_lowered;
	s6 =	simm.s32 $_tile_overlayer_lowered  }
0x9b: {  	s22 =	simm.s32 $0x1BFF;
	s21 =	sshll.u32 s6, $0x1;
	s3 =	sadd.s32 s4, s19  }
0x9c: {  	s7 =	simm.s32 $0x0;
	s20 =	sshll.u32 s5, $0x1;
	s5 =	sadd.s32 s21, s3  }
0x9d: {  	[timem:s7], [sflag:s22] =	dma.local [hbm:s5], s20  }
0x9e: {  	_ =	swait.ge [sflag:s22], s20  }
0x9f: {  	s4 =	ssub.s32 $0x0, s20;
	[sflag:s22] =	ssyncset.done $0x0  }
0xa0: {  	[sflag:s22] =	ssyncadd.s32 s4;
	_ =	sdelay $0x1  }
0xa1: {  	s23 =	simm.s32 $0x1B8B  }
0xa2: {  	_ =	swait.ge [sflag:s23], $0x1  }
0xa3: {  	[sflag:s23] =	ssyncset.done $0x0  }
0xa4: {  	s25 =	simm.s32 $0x1B8E;
	s24 =	sld [smem:$0x3FFE];
	[sflag:s23] =	ssyncadd.s32 $0xFFFFFFFF  }
0xa5: {  	s26 =	simm.s32 $execute0_lowered;
	[smem:$0x3FD2] =	sst s25  }
0xa6: {  	s5 =	sshll.u32 s26, $0x1;
	_ =	strace $0x80000046;
	[dreg:$0x1] =	wrdreg $0xFFFFFFFF  }
0xa7: {  	s28 =	simm.s32 $_size_execute0_lowered;
	s3 =	sadd.s32 s3, s5;
	[dreg:$0x0] =	wrdreg $0x0  }
0xa8: {  	s5 =	sshll.u32 s28, $0x1;
	[dreg:$0x2] =	wrdreg s3  }
0xa9: {  	[dreg:$0x3] =	wrdreg s5  }
0xaa: {  	[dreg:$0x4] =	wrdreg $0xC0  }
0xab: {  	_ =	task [dreg:s7], $0x5FFFF  }
0xac: {  	[dreg:$0x1] =	wrdreg $0xFFFFFFFF  }
0xad: {  	[dreg:$0x0] =	wrdreg $0x60  }
0xae: {  	[dreg:$0x2] =	wrdreg s24  }
0xaf: {  	[dreg:$0x3] =	wrdreg s2  }
0xb0: {  	[dreg:$0x4] =	wrdreg $0x9  }
0xb1: {  	_ =	task.clear_ibuf [dreg:s7], $0x5FFFF;
	_ =	strace $0x90000046  }
0xb2: {  	s29 =	simm.s32 $0x9;
	_ =	strace $0x80000048  }
0xb3: {  	_ =	swait.ge [sflag:s29], $0x1  }
0xb4: {  	[sflag:s29] =	ssyncadd.s32 $0xFFFFFFFF  }
0xb5: {  	_ =	strace $0x90000048  }
0xb6: {  	_ =	sfence  }
0xb7: {  	s30 =	sld [smem:$0x0];
	_ =	sdelay $0x2  }
0xb8: {  	s31 =	sshll.u32 s1, $0xD;
	s1 =	sshrl.u32 s1, $0x2  }
0xb9: {  	s3 =	sand.u32 $0x4000, s31;
	s1 =	sadd.s32 s1, s30  }
0xba: {  	s0 =	sor.u32 s3, s0;
	s1 =	sshll.u32 s1, $0x11  }
0xbb: {  	s0 =	sor.u32 s1, s0  }
0xbc: {  	s0 =	sadd.s32 $0x8F2B, s0  }
0xbd: {  	[sflag:s0] =	ssyncadd.remote.s32 $0x1  }
0xbe: {  	_ =	sfence.sel $0xFFFF  }
0xbf: {  	[dreg:$0x0] =	wrdreg $0xFFFFFFFF;
	(pc) =	sbr.abs _section_cstart, $3  }
0xc0: {  	[dreg:$0x1] =	wrdreg $0xFFFFFFFF  }
0xc1: {  	_ =	task.clear_ibuf [dreg:s7], $0x2FFFF;
	_ =	strace $0x9FFFFFFF  }
0xc2: {  	(tm) =	ssettm $0x7FFFFFFF  }
0xc3: {  	_ =	shalt  }
tec
execute0_lowered:
.L_overlay_start_1:
0x0: {  	(tag) =	ssettag $0x1  }
0x1: {  	s0 =	rddreg [dreg:$0x0];
	s1 =	srdreg.scid  }
0x2: {  	s3 =	stileid.u32;
	s2 =	rddreg [dreg:$0x1];
	s19 =	simm.s32 $0x7  }
0x3: {  	s20 =	simm.s32 $0x100;
	s21 =	simm.s32 $0x400;
	s28 =	simm.s32 $0x1  }
0x4: {  	s29 =	simm.s32 $0x10400;
	s30 =	simm.s32 $0x2;
	s31 =	simm.s32 $0x6  }
0x5: {  	s22 =	simm.s32 $0x5;
	s1 =	sand.u32 $0x1, s1;
	s4 =	sshll.u32 s3, $0x1  }
0x6: {  	s3 =	simm.s32 $0x0;
	s5 =	sadd.s32 $0xF42E00, s0;
	s6 =	sor.u32 s1, s4  }
0x7: {  	[smem:$0x7FF] =	sst s3;
	s4 =	sadd.s32 $0xA00, s0;
	s1 =	ssub.s32 $0x2, s1  }
0x8: {  	s7 =	smul.u32 $0x6400, s6;
	_ =	strace $0x80000047;
	s23 =	sshrl.u32 s1, $0x1  }
0x9: {  	s10 =	smul.u32 $0x190000, s6;
	s0 =	ssub.s32 s1, s23;
	s1 =	simm.s32 $0x14400  }
0xa: {  	s23 =	simm.s32 $0x0;
	s8 =	sshrl.u32 s7, $0x3;
	s11 =	sadd.s32 $0x400, s7  }
0xb: {  	s12 =	sor.u32 $0x100, s7;
	s13 =	sadd.s32 $0x500, s7;
	s0 =	smax.u32 s0, $0x1  }
0xc: {  	s14 =	sor.u32 $0x200, s7;
	s8 =	sadd.s32 s4, s8;
	[dreg:$0x7] =	wrdreg s0  }
.Ltmp0:
0xd: {  	s24 =	sadd.s32 $0x20, s8;
	[dreg:$0x3] =	wrdreg s8;
	(pc) =	sbr.rel .LBB2_1-.Ltmp0, $4  }
0xe: {  	s15 =	sadd.s32 $0x600, s7;
	s25 =	sadd.s32 $0x40, s8;
	[dreg:$0x4] =	wrdreg s24  }
0xf: {  	s16 =	sor.u32 $0x300, s7;
	s26 =	sadd.s32 $0x60, s8;
	[dreg:$0x5] =	wrdreg s25  }
0x10: {  	s17 =	sadd.s32 $0x700, s7;
	s0 =	simm.s32 $0x3;
	[dreg:$0x6] =	wrdreg s26  }
0x11: {  	s25 =	simm.s32 $0x300;
	s26 =	simm.s32 $0xC400;
	s24 =	simm.s32 $0x4  }
.LBB2_16:
0x12: {  	_ =	swait.ge [sflag:s22], $0x4000  }
0x13: {  	[sflag:s22] =	ssyncset.done $0x0  }
0x14: {  	[sflag:s22] =	ssyncadd.s32 $0xFFFFC000  }
0x15: {  	_ =	swait.ge [sflag:s31], $0x4000  }
0x16: {  	s23 =	sadd.s32 $0x1, s23;
	s6 =	rddreg [dreg:$0x7]  }
0x17: {  	p0 =	sne.s32 s23, s6  }
.Ltmp1:
0x18: {  	_ = 	snop;
	(pc) =	sbr.rel @!p0 .LBB2_17-.Ltmp1, $3  }
0x19: {  	_ =	sdelay $0x1  }
0x1a: {  	[sflag:s31] =	ssyncset.done $0x0  }
0x1b: {  	[sflag:s31] =	ssyncadd.s32 $0xFFFFC000  }
.LBB2_1:
0x1c: {  	s6 =	rddreg [dreg:$0x3]  }
0x1d: {  	[tilespmem:s3], [sflag:$0x7] =	stream.linear.gather [hbm4b:s6+s3], $0x100, $0x38;
	[tilespmem:$0x18400] =	vst v63  }
0x1e: {  	_ =	swait.ge [sflag:s19], $0x100  }
0x1f: {  	[sflag:s19] =	ssyncset.done $0x0  }
0x20: {  	[sflag:s19] =	ssyncadd.s32 $0xFFFFFF00  }
0x21: {  	[tilespmem:s21], [sflag:$0x1] =	stream.indirect.gather [hbm4b:s5+s20], $0x40, s3, s20, $0xb8;
	[tilespmem:$0x18400] =	vst v63  }
0x22: {  	s18 =	rddreg [dreg:$0x4]  }
0x23: {  	[tilespmem:s20], [sflag:$0x7] =	stream.linear.gather [hbm4b:s18+s3], $0x100, $0x38;
	[tilespmem:$0x18400] =	vst v63  }
0x24: {  	_ =	swait.ge [sflag:s19], $0x100  }
0x25: {  	[sflag:s19] =	ssyncset.done $0x0  }
0x26: {  	s7 =	simm.s32 $0x4400;
	[sflag:s19] =	ssyncadd.s32 $0xFFFFFF00  }
0x27: {  	[tilespmem:s7], [sflag:$0x2] =	stream.indirect.gather [hbm4b:s5+s20], $0x40, s20, s20, $0xb8;
	[tilespmem:$0x18400] =	vst v63  }
0x28: {  	s8 =	rddreg [dreg:$0x5];
	s7 =	simm.s32 $0x200  }
0x29: {  	[tilespmem:s7], [sflag:$0x7] =	stream.linear.gather [hbm4b:s8+s3], $0x100, $0x38;
	[tilespmem:$0x18400] =	vst v63  }
0x2a: {  	_ =	swait.ge [sflag:s19], $0x100  }
0x2b: {  	[sflag:s19] =	ssyncset.done $0x0  }
0x2c: {  	s9 =	simm.s32 $0x8400;
	[sflag:s19] =	ssyncadd.s32 $0xFFFFFF00  }
0x2d: {  	[tilespmem:s9], [sflag:$0x3] =	stream.indirect.gather [hbm4b:s5+s20], $0x40, s7, s20, $0xb8;
	[tilespmem:$0x18400] =	vst v63  }
0x2e: {  	s18 =	rddreg [dreg:$0x6]  }
0x2f: {  	[tilespmem:s25], [sflag:$0x7] =	stream.linear.gather [hbm4b:s18+s3], $0x100, $0x38;
	[tilespmem:$0x18400] =	vst v63  }
0x30: {  	_ =	swait.ge [sflag:s19], $0x100  }
0x31: {  	[sflag:s19] =	ssyncset.done $0x0  }
0x32: {  	s7 =	simm.s32 $0x0;
	[sflag:s19] =	ssyncadd.s32 $0xFFFFFF00  }
0x33: {  	[tilespmem:s26], [sflag:$0x4] =	stream.indirect.gather [hbm4b:s5+s20], $0x40, s25, s20, $0xb8;
	[tilespmem:$0x18400] =	vst v63  }
.LBB2_2:
0x34: {  	_ =	swait.ge [sflag:s28], $0x4000  }
0x35: {  	p0 =	seq.s32 s7, $0x0;
	[sflag:s28] =	ssyncset.done $0x0  }
0x36: {  	s6 =	simm.s32 @!p0 $0x5;
	[sflag:s28] =	ssyncadd.s32 $0xFFFFC000  }
0x37: {  	_ =	swait.ge @!p0 [sflag:s6], $0x4000  }
0x38: {  	[sflag:s6] =	ssyncset.done @!p0 $0x0  }
0x39: {  	s9 =	simm.s32 $0x0;
	[sflag:s6] =	ssyncadd.s32 @!p0 $0xFFFFC000  }
0x3a: {  	v0 =	vld [tilespmem:s9+$0x5F0]  }
0x3b: {  	v1 =	vld [tilespmem:s9+$0x400];
	_ =	sdelay $0x1  }
0x3c: {  	v2 =	vld [tilespmem:s9+$0x410]  }
0x3d: {  	v3 =	vld [tilespmem:s9+$0x420]  }
0x3e: {  	v4 =	vld [tilespmem:s9+$0x430];
	v0 =	vmul.f32 $8.000000000e+00, v0  }
0x3f: {  	v5 =	vld [tilespmem:s9+$0x440];
	v1 =	vmul.f32 $8.000000000e+00, v1  }
0x40: {  	v6 =	vld [tilespmem:s9+$0x450];
	[tilespmem:s9+$0x105F0] =	vst v0  }
0x41: {  	v0 =	vmul.f32 $8.000000000e+00, v2;
	[tilespmem:s9+$0x10400] =	vst v1;
	v1 =	vld [tilespmem:s9+$0x470]  }
0x42: {  	v7 =	vld [tilespmem:s9+$0x460];
	v2 =	vmul.f32 $8.000000000e+00, v3  }
0x43: {  	v3 =	vmul.f32 $8.000000000e+00, v4;
	[tilespmem:s9+$0x10410] =	vst v0;
	v0 =	vld [tilespmem:s9+$0x480]  }
0x44: {  	v4 =	vmul.f32 $8.000000000e+00, v5;
	[tilespmem:s9+$0x10420] =	vst v2;
	v2 =	vld [tilespmem:s9+$0x490]  }
0x45: {  	v5 =	vmul.f32 $8.000000000e+00, v6;
	[tilespmem:s9+$0x10430] =	vst v3;
	v3 =	vld [tilespmem:s9+$0x4A0]  }
0x46: {  	[tilespmem:s9+$0x10440] =	vst v4;
	v4 =	vld [tilespmem:s9+$0x4B0];
	v1 =	vmul.f32 $8.000000000e+00, v1  }
0x47: {  	v6 =	vmul.f32 $8.000000000e+00, v7;
	[tilespmem:s9+$0x10450] =	vst v5;
	v5 =	vld [tilespmem:s9+$0x4C0]  }
0x48: {  	v0 =	vmul.f32 $8.000000000e+00, v0;
	[tilespmem:s9+$0x10470] =	vst v1;
	v1 =	vld [tilespmem:s9+$0x4E0]  }
0x49: {  	[tilespmem:s9+$0x10460] =	vst v6;
	v6 =	vld [tilespmem:s9+$0x4D0];
	v2 =	vmul.f32 $8.000000000e+00, v2  }
0x4a: {  	v3 =	vmul.f32 $8.000000000e+00, v3;
	[tilespmem:s9+$0x10480] =	vst v0;
	v0 =	vld [tilespmem:s9+$0x4F0]  }
0x4b: {  	v4 =	vmul.f32 $8.000000000e+00, v4;
	[tilespmem:s9+$0x10490] =	vst v2;
	v2 =	vld [tilespmem:s9+$0x500]  }
0x4c: {  	v5 =	vmul.f32 $8.000000000e+00, v5;
	[tilespmem:s9+$0x104A0] =	vst v3;
	v3 =	vld [tilespmem:s9+$0x510]  }
0x4d: {  	[tilespmem:s9+$0x104B0] =	vst v4;
	v4 =	vld [tilespmem:s9+$0x520];
	v1 =	vmul.f32 $8.000000000e+00, v1  }
0x4e: {  	v6 =	vmul.f32 $8.000000000e+00, v6;
	[tilespmem:s9+$0x104C0] =	vst v5;
	v5 =	vld [tilespmem:s9+$0x530]  }
0x4f: {  	v0 =	vmul.f32 $8.000000000e+00, v0;
	[tilespmem:s9+$0x104E0] =	vst v1;
	v1 =	vld [tilespmem:s9+$0x550]  }
0x50: {  	[tilespmem:s9+$0x104D0] =	vst v6;
	v6 =	vld [tilespmem:s9+$0x540];
	v2 =	vmul.f32 $8.000000000e+00, v2  }
0x51: {  	[tilespmem:s9+$0x104F0] =	vst v0;
	v0 =	vmul.f32 $8.000000000e+00, v3;
	v3 =	vld [tilespmem:s9+$0x570]  }
0x52: {  	v7 =	vld [tilespmem:s9+$0x560];
	[tilespmem:s9+$0x10500] =	vst v2;
	v2 =	vmul.f32 $8.000000000e+00, v4  }
0x53: {  	v4 =	vld [tilespmem:s9+$0x580];
	[tilespmem:s9+$0x10510] =	vst v0;
	v0 =	vmul.f32 $8.000000000e+00, v5  }
0x54: {  	v8 =	vld [tilespmem:s9+$0x590];
	[tilespmem:s9+$0x10520] =	vst v2;
	v5 =	vmul.f32 $8.000000000e+00, v1  }
0x55: {  	v2 =	vmul.f32 $8.000000000e+00, v6;
	[tilespmem:s9+$0x10530] =	vst v0;
	v0 =	vld [tilespmem:s9+$0x5A0]  }
0x56: {  	v1 =	vld [tilespmem:s9+$0x5B0];
	[tilespmem:s9+$0x10550] =	vst v5;
	v5 =	vmul.f32 $8.000000000e+00, v3  }
0x57: {  	v6 =	vmul.f32 $8.000000000e+00, v7;
	[tilespmem:s9+$0x10540] =	vst v2;
	v2 =	vld [tilespmem:s9+$0x5C0]  }
0x58: {  	v3 =	vld [tilespmem:s9+$0x5D0];
	[tilespmem:s9+$0x10570] =	vst v5;
	v5 =	vmul.f32 $8.000000000e+00, v4  }
0x59: {  	s8 =	sshll.u32 s7, $0xA;
	s18 =	simm.s32 $0x200;
	s6 =	simm.s32 $0x1000;
	[tilespmem:s9+$0x10560] =	vst v6;
	v6 =	vmul.f32 $8.000000000e+00, v8;
	v4 =	vld [tilespmem:s9+$0x5E0]  }
.LBB2_3:
0x5a: {  	p1 =	sne.s32 s6, $0xF800;
	v7 =	vld [tilespmem:s18+$0x5F0];
	[tilespmem:s9+$0x10580] =	vst v5;
	v0 =	vmul.f32 $8.000000000e+00, v0  }
0x5b: {  	v5 =	vld [tilespmem:s18+$0x400];
	[tilespmem:s9+$0x10590] =	vst v6;
	v1 =	vmul.f32 $8.000000000e+00, v1  }
0x5c: {  	v6 =	vld [tilespmem:s18+$0x410];
	[tilespmem:s9+$0x105A0] =	vst v0;
	v0 =	vmul.f32 $8.000000000e+00, v2  }
0x5d: {  	v2 =	vld [tilespmem:s18+$0x420];
	[tilespmem:s9+$0x105B0] =	vst v1;
	v1 =	vmul.f32 $8.000000000e+00, v3  }
0x5e: {  	v3 =	vld [tilespmem:s18+$0x430];
	[tilespmem:s9+$0x105C0] =	vst v0;
	v0 =	vmul.f32 $8.000000000e+00, v4  }
0x5f: {  	v4 =	vld [tilespmem:s18+$0x440];
	v7 =	vmul.f32 $8.000000000e+00, v7;
	[tilespmem:s9+$0x105D0] =	vst v1  }
0x60: {  	v1 =	vmul.f32 $8.000000000e+00, v5;
	v5 =	vld [tilespmem:s18+$0x450];
	[tilespmem:s9+$0x105E0] =	vst v0;
	s9 =	smov.u32 s18  }
0x61: {  	v0 =	vmul.f32 $8.000000000e+00, v6;
	v6 =	vld [tilespmem:s9+$0x460];
	[tilespmem:s9+$0x105F0] =	vst v7  }
0x62: {  	[tilespmem:s9+$0x10400] =	vst v1;
	v1 =	vmul.f32 $8.000000000e+00, v2;
	v2 =	vld [tilespmem:s9+$0x470]  }
0x63: {  	[tilespmem:s9+$0x10410] =	vst v0;
	v0 =	vmul.f32 $8.000000000e+00, v3;
	v3 =	vld [tilespmem:s9+$0x480]  }
0x64: {  	[tilespmem:s9+$0x10420] =	vst v1;
	v1 =	vmul.f32 $8.000000000e+00, v4;
	v4 =	vld [tilespmem:s9+$0x490]  }
0x65: {  	[tilespmem:s9+$0x10430] =	vst v0;
	v0 =	vmul.f32 $8.000000000e+00, v5;
	v5 =	vld [tilespmem:s9+$0x4A0]  }
0x66: {  	[tilespmem:s9+$0x10440] =	vst v1;
	v1 =	vmul.f32 $8.000000000e+00, v6;
	v6 =	vld [tilespmem:s9+$0x4B0]  }
0x67: {  	[tilespmem:s9+$0x10450] =	vst v0;
	v0 =	vmul.f32 $8.000000000e+00, v2;
	v2 =	vld [tilespmem:s9+$0x4C0]  }
0x68: {  	[tilespmem:s9+$0x10460] =	vst v1;
	v1 =	vmul.f32 $8.000000000e+00, v3;
	v3 =	vld [tilespmem:s9+$0x4D0]  }
0x69: {  	[tilespmem:s9+$0x10470] =	vst v0;
	v0 =	vmul.f32 $8.000000000e+00, v4;
	v4 =	vld [tilespmem:s9+$0x4E0]  }
0x6a: {  	[tilespmem:s9+$0x10480] =	vst v1;
	v1 =	vmul.f32 $8.000000000e+00, v5;
	v5 =	vld [tilespmem:s9+$0x4F0]  }
0x6b: {  	[tilespmem:s9+$0x10490] =	vst v0;
	v0 =	vmul.f32 $8.000000000e+00, v6;
	v6 =	vld [tilespmem:s9+$0x500]  }
0x6c: {  	[tilespmem:s9+$0x104A0] =	vst v1;
	v1 =	vmul.f32 $8.000000000e+00, v2;
	v2 =	vld [tilespmem:s9+$0x510]  }
0x6d: {  	[tilespmem:s9+$0x104B0] =	vst v0;
	v0 =	vmul.f32 $8.000000000e+00, v3;
	v3 =	vld [tilespmem:s9+$0x520]  }
0x6e: {  	[tilespmem:s9+$0x104C0] =	vst v1;
	v1 =	vmul.f32 $8.000000000e+00, v4;
	v4 =	vld [tilespmem:s9+$0x530]  }
0x6f: {  	[tilespmem:s9+$0x104D0] =	vst v0;
	v0 =	vmul.f32 $8.000000000e+00, v5;
	v5 =	vld [tilespmem:s9+$0x540]  }
0x70: {  	[tilespmem:s9+$0x104E0] =	vst v1;
	v1 =	vmul.f32 $8.000000000e+00, v6;
	v6 =	vld [tilespmem:s9+$0x550]  }
0x71: {  	[tilespmem:s9+$0x104F0] =	vst v0;
	v0 =	vmul.f32 $8.000000000e+00, v2;
	v2 =	vld [tilespmem:s9+$0x560]  }
0x72: {  	[tilespmem:s9+$0x10500] =	vst v1;
	v1 =	vmul.f32 $8.000000000e+00, v3;
	v3 =	vld [tilespmem:s9+$0x570]  }
0x73: {  	[tilespmem:s9+$0x10510] =	vst v0;
	v0 =	vmul.f32 $8.000000000e+00, v4;
	v4 =	vld [tilespmem:s9+$0x580]  }
0x74: {  	[tilespmem:s9+$0x10520] =	vst v1;
	v1 =	vmul.f32 $8.000000000e+00, v5;
	v7 =	vld [tilespmem:s9+$0x590]  }
.Ltmp2:
0x75: {  	[tilespmem:s9+$0x10530] =	vst v0;
	v5 =	vmul.f32 $8.000000000e+00, v6;
	v0 =	vld [tilespmem:s9+$0x5A0];
	(pc) =	sbr.rel @p1 .LBB2_3-.Ltmp2, $4  }
0x76: {  	[tilespmem:s9+$0x10540] =	vst v1;
	v6 =	vmul.f32 $8.000000000e+00, v2;
	v1 =	vld [tilespmem:s9+$0x5B0]  }
0x77: {  	[tilespmem:s9+$0x10550] =	vst v5;
	v8 =	vmul.f32 $8.000000000e+00, v3;
	v2 =	vld [tilespmem:s9+$0x5C0]  }
0x78: {  	[tilespmem:s9+$0x10560] =	vst v6;
	v5 =	vmul.f32 $8.000000000e+00, v4;
	v3 =	vld [tilespmem:s9+$0x5D0]  }
0x79: {  	s18 =	sshra.s32 s6, $0x2;
	s6 =	sadd.s32 $0x800, s6;
	[tilespmem:s9+$0x10570] =	vst v8;
	v6 =	vmul.f32 $8.000000000e+00, v7;
	v4 =	vld [tilespmem:s9+$0x5E0]  }
0x7a: {  	v7 =	vld [tilespmem:s18+$0x5F0];
	[tilespmem:s9+$0x10580] =	vst v5;
	v0 =	vmul.f32 $8.000000000e+00, v0  }
0x7b: {  	v5 =	vld [tilespmem:s18+$0x400];
	[tilespmem:s9+$0x10590] =	vst v6;
	v1 =	vmul.f32 $8.000000000e+00, v1  }
0x7c: {  	v6 =	vld [tilespmem:s18+$0x410];
	[tilespmem:s9+$0x105A0] =	vst v0;
	v2 =	vmul.f32 $8.000000000e+00, v2  }
0x7d: {  	v0 =	vld [tilespmem:s18+$0x420];
	[tilespmem:s9+$0x105B0] =	vst v1;
	v3 =	vmul.f32 $8.000000000e+00, v3  }
0x7e: {  	v1 =	vld [tilespmem:s18+$0x430];
	[tilespmem:s9+$0x105C0] =	vst v2;
	v4 =	vmul.f32 $8.000000000e+00, v4  }
0x7f: {  	v2 =	vld [tilespmem:s18+$0x440];
	[tilespmem:s9+$0x105D0] =	vst v3;
	v7 =	vmul.f32 $8.000000000e+00, v7  }
0x80: {  	v3 =	vld [tilespmem:s18+$0x450];
	[tilespmem:s9+$0x105E0] =	vst v4;
	v32 =	vmul.f32 $8.000000000e+00, v5  }
0x81: {  	v33 =	vld [tilespmem:s18+$0x460];
	[tilespmem:s18+$0x105F0] =	vst v7;
	v6 =	vmul.f32 $8.000000000e+00, v6  }
0x82: {  	v34 =	vld [tilespmem:s18+$0x470];
	[tilespmem:s18+$0x10400] =	vst v32;
	v0 =	vmul.f32 $8.000000000e+00, v0  }
0x83: {  	v35 =	vld [tilespmem:s18+$0x480];
	[tilespmem:s18+$0x10410] =	vst v6;
	v1 =	vmul.f32 $8.000000000e+00, v1  }
0x84: {  	v36 =	vld [tilespmem:s18+$0x490];
	[tilespmem:s18+$0x10420] =	vst v0;
	v2 =	vmul.f32 $8.000000000e+00, v2  }
0x85: {  	v37 =	vld [tilespmem:s18+$0x4A0];
	[tilespmem:s18+$0x10430] =	vst v1;
	v3 =	vmul.f32 $8.000000000e+00, v3  }
0x86: {  	v38 =	vld [tilespmem:s18+$0x4B0];
	[tilespmem:s18+$0x10440] =	vst v2;
	v5 =	vmul.f32 $8.000000000e+00, v33  }
0x87: {  	v52 =	vld [tilespmem:s18+$0x590];
	v4 =	vmul.f32 $8.000000000e+00, v34;
	[tilespmem:s18+$0x10450] =	vst v3  }
0x88: {  	v53 =	vld [tilespmem:s18+$0x5A0];
	v6 =	vmul.f32 $8.000000000e+00, v35;
	[tilespmem:s18+$0x10460] =	vst v5  }
0x89: {  	v54 =	vld [tilespmem:s18+$0x5B0];
	v0 =	vmul.f32 $8.000000000e+00, v36;
	[tilespmem:s18+$0x10470] =	vst v4  }
0x8a: {  	v55 =	vld [tilespmem:s18+$0x5C0];
	v1 =	vmul.f32 $8.000000000e+00, v37;
	[tilespmem:s18+$0x10480] =	vst v6  }
0x8b: {  	v56 =	vld [tilespmem:s18+$0x5D0];
	v2 =	vmul.f32 $8.000000000e+00, v38;
	[tilespmem:s18+$0x10490] =	vst v0  }
0x8c: {  	v58 =	vld [tilespmem:s18+$0x5E0];
	v57 =	vmul.f32 $8.000000000e+00, v52;
	[tilespmem:s18+$0x104A0] =	vst v1  }
0x8d: {  	v39 =	vld [tilespmem:s18+$0x4C0];
	v59 =	vmul.f32 $8.000000000e+00, v53;
	[tilespmem:s18+$0x104B0] =	vst v2  }
0x8e: {  	v40 =	vld [tilespmem:s18+$0x4D0];
	v60 =	vmul.f32 $8.000000000e+00, v54;
	[tilespmem:s18+$0x10590] =	vst v57  }
0x8f: {  	v41 =	vld [tilespmem:s18+$0x4E0];
	v61 =	vmul.f32 $8.000000000e+00, v55;
	[tilespmem:s18+$0x105A0] =	vst v59  }
0x90: {  	v42 =	vld [tilespmem:s18+$0x4F0];
	v62 =	vmul.f32 $8.000000000e+00, v56;
	[tilespmem:s18+$0x105B0] =	vst v60  }
0x91: {  	v43 =	vld [tilespmem:s18+$0x500];
	v63 =	vmul.f32 $8.000000000e+00, v58;
	[tilespmem:s18+$0x105C0] =	vst v61  }
0x92: {  	v44 =	vld [tilespmem:s18+$0x510];
	v3 =	vmul.f32 $8.000000000e+00, v39;
	[tilespmem:s18+$0x105D0] =	vst v62  }
0x93: {  	v45 =	vld [tilespmem:s18+$0x520];
	v5 =	vmul.f32 $8.000000000e+00, v40;
	[tilespmem:s18+$0x105E0] =	vst v63  }
0x94: {  	v46 =	vld [tilespmem:s18+$0x530];
	v4 =	vmul.f32 $8.000000000e+00, v41;
	[tilespmem:s18+$0x104C0] =	vst v3  }
0x95: {  	v47 =	vld [tilespmem:s18+$0x540];
	v6 =	vmul.f32 $8.000000000e+00, v42;
	[tilespmem:s18+$0x104D0] =	vst v5  }
0x96: {  	v48 =	vld [tilespmem:s18+$0x550];
	v0 =	vmul.f32 $8.000000000e+00, v43;
	[tilespmem:s18+$0x104E0] =	vst v4  }
0x97: {  	v49 =	vld [tilespmem:s18+$0x560];
	v1 =	vmul.f32 $8.000000000e+00, v44;
	[tilespmem:s18+$0x104F0] =	vst v6  }
0x98: {  	v50 =	vld [tilespmem:s18+$0x570];
	v2 =	vmul.f32 $8.000000000e+00, v45;
	[tilespmem:s18+$0x10500] =	vst v0  }
0x99: {  	v51 =	vld [tilespmem:s18+$0x580];
	v3 =	vmul.f32 $8.000000000e+00, v46;
	[tilespmem:s18+$0x10510] =	vst v1  }
0x9a: {  	[tilespmem:s18+$0x10520] =	vst v2;
	v5 =	vmul.f32 $8.000000000e+00, v47  }
0x9b: {  	v4 =	vmul.f32 $8.000000000e+00, v48;
	[tilespmem:s18+$0x10530] =	vst v3  }
0x9c: {  	p1 =	sne.s32 s7, $0x18;
	v6 =	vmul.f32 $8.000000000e+00, v49;
	[tilespmem:s18+$0x10540] =	vst v5  }
.Ltmp3:
0x9d: {  	s6 =	sshll.u32 s7, $0x10;
	v0 =	vmul.f32 $8.000000000e+00, v50;
	[tilespmem:s18+$0x10550] =	vst v4;
	(pc) =	sbr.rel @p1 .LBB2_6-.Ltmp3, $4  }
0x9e: {  	s6 =	sadd.s32 s10, s6;
	v1 =	vmul.f32 $8.000000000e+00, v51;
	[tilespmem:s18+$0x10560] =	vst v6  }
0x9f: {  	s6 =	sshrl.u32 s6, $0x3;
	[tilespmem:s18+$0x10570] =	vst v0  }
0xa0: {  	s6 =	sadd.s32 s2, s6;
	[tilespmem:s18+$0x10580] =	vst v1  }
0xa1: {  	[hbm4b:s6+s3] =	stream.linear.scatter [tilespmem:s29], [sflag:$0x5], $0x4000, $0x38;
	[tilespmem:$0x18400] =	vst v63  }
.Ltmp4:
0xa2: {  	(pc) =	sbr.rel .LBB2_7-.Ltmp4, $4  }
0xa3: {  	_ = 	snop  }
0xa4: {  	_ =	swait.ge [sflag:s30], $0x4000  }
0xa5: {  	[sflag:s30] =	ssyncset.done $0x0  }
0xa6: {  	[sflag:s30] =	ssyncadd.s32 $0xFFFFC000  }
.LBB2_6:
0xa7: {  	s6 =	sadd.s32 s8, s11  }
0xa8: {  	s6 =	sshrl.u32 s6, $0x3  }
0xa9: {  	s6 =	sadd.s32 s4, s6  }
0xaa: {  	[tilespmem:s3], [sflag:$0x7] =	stream.linear.gather [hbm4b:s6+s3], $0x100, $0x38;
	[tilespmem:$0x18400] =	vst v63  }
0xab: {  	_ =	swait.ge [sflag:s19], $0x100  }
0xac: {  	[sflag:s19] =	ssyncset.done $0x0  }
.Ltmp5:
0xad: {  	[sflag:s19] =	ssyncadd.s32 $0xFFFFFF00;
	(pc) =	sbr.rel @p0 .LBB2_8-.Ltmp5, $4  }
0xae: {  	[tilespmem:s21], [sflag:$0x1] =	stream.indirect.gather [hbm4b:s5+s20], $0x40, s3, s20, $0xb8;
	[tilespmem:$0x18400] =	vst v63  }
0xaf: {  	_ =	swait.ge [sflag:s30], $0x4000  }
0xb0: {  	[sflag:s30] =	ssyncset.done $0x0  }
0xb1: {  	[sflag:s30] =	ssyncadd.s32 $0xFFFFC000  }
.LBB2_7:
0xb2: {  	_ =	swait.ge [sflag:s31], $0x4000  }
0xb3: {  	[sflag:s31] =	ssyncset.done $0x0  }
0xb4: {  	[sflag:s31] =	ssyncadd.s32 $0xFFFFC000  }
.LBB2_8:
0xb5: {  	s9 =	simm.s32 $0x0  }
0xb6: {  	v0 =	vld [tilespmem:s9+$0x45F0]  }
0xb7: {  	v1 =	vld [tilespmem:s9+$0x4400];
	_ =	sdelay $0x1  }
0xb8: {  	v2 =	vld [tilespmem:s9+$0x4410]  }
0xb9: {  	v3 =	vld [tilespmem:s9+$0x4420]  }
0xba: {  	v4 =	vld [tilespmem:s9+$0x4430];
	v0 =	vmul.f32 $8.000000000e+00, v0  }
0xbb: {  	v5 =	vld [tilespmem:s9+$0x4440];
	v1 =	vmul.f32 $8.000000000e+00, v1  }
0xbc: {  	v6 =	vld [tilespmem:s9+$0x4450];
	[tilespmem:s9+$0x145F0] =	vst v0  }
0xbd: {  	v0 =	vmul.f32 $8.000000000e+00, v2;
	[tilespmem:s9+$0x14400] =	vst v1;
	v1 =	vld [tilespmem:s9+$0x4470]  }
0xbe: {  	v7 =	vld [tilespmem:s9+$0x4460];
	v2 =	vmul.f32 $8.000000000e+00, v3  }
0xbf: {  	v3 =	vmul.f32 $8.000000000e+00, v4;
	[tilespmem:s9+$0x14410] =	vst v0;
	v0 =	vld [tilespmem:s9+$0x4480]  }
0xc0: {  	v4 =	vmul.f32 $8.000000000e+00, v5;
	[tilespmem:s9+$0x14420] =	vst v2;
	v2 =	vld [tilespmem:s9+$0x4490]  }
0xc1: {  	v5 =	vmul.f32 $8.000000000e+00, v6;
	[tilespmem:s9+$0x14430] =	vst v3;
	v3 =	vld [tilespmem:s9+$0x44A0]  }
0xc2: {  	[tilespmem:s9+$0x14440] =	vst v4;
	v4 =	vld [tilespmem:s9+$0x44B0];
	v1 =	vmul.f32 $8.000000000e+00, v1  }
0xc3: {  	v6 =	vmul.f32 $8.000000000e+00, v7;
	[tilespmem:s9+$0x14450] =	vst v5;
	v5 =	vld [tilespmem:s9+$0x44C0]  }
0xc4: {  	v0 =	vmul.f32 $8.000000000e+00, v0;
	[tilespmem:s9+$0x14470] =	vst v1;
	v1 =	vld [tilespmem:s9+$0x44E0]  }
0xc5: {  	[tilespmem:s9+$0x14460] =	vst v6;
	v6 =	vld [tilespmem:s9+$0x44D0];
	v2 =	vmul.f32 $8.000000000e+00, v2  }
0xc6: {  	v3 =	vmul.f32 $8.000000000e+00, v3;
	[tilespmem:s9+$0x14480] =	vst v0;
	v0 =	vld [tilespmem:s9+$0x44F0]  }
0xc7: {  	v4 =	vmul.f32 $8.000000000e+00, v4;
	[tilespmem:s9+$0x14490] =	vst v2;
	v2 =	vld [tilespmem:s9+$0x4500]  }
0xc8: {  	v5 =	vmul.f32 $8.000000000e+00, v5;
	[tilespmem:s9+$0x144A0] =	vst v3;
	v3 =	vld [tilespmem:s9+$0x4510]  }
0xc9: {  	[tilespmem:s9+$0x144B0] =	vst v4;
	v4 =	vld [tilespmem:s9+$0x4520];
	v1 =	vmul.f32 $8.000000000e+00, v1  }
0xca: {  	v6 =	vmul.f32 $8.000000000e+00, v6;
	[tilespmem:s9+$0x144C0] =	vst v5;
	v5 =	vld [tilespmem:s9+$0x4530]  }
0xcb: {  	v0 =	vmul.f32 $8.000000000e+00, v0;
	[tilespmem:s9+$0x144E0] =	vst v1;
	v1 =	vld [tilespmem:s9+$0x4550]  }
0xcc: {  	[tilespmem:s9+$0x144D0] =	vst v6;
	v6 =	vld [tilespmem:s9+$0x4540];
	v2 =	vmul.f32 $8.000000000e+00, v2  }
0xcd: {  	[tilespmem:s9+$0x144F0] =	vst v0;
	v0 =	vmul.f32 $8.000000000e+00, v3;
	v3 =	vld [tilespmem:s9+$0x4570]  }
0xce: {  	v7 =	vld [tilespmem:s9+$0x4560];
	[tilespmem:s9+$0x14500] =	vst v2;
	v2 =	vmul.f32 $8.000000000e+00, v4  }
0xcf: {  	v4 =	vld [tilespmem:s9+$0x4580];
	[tilespmem:s9+$0x14510] =	vst v0;
	v0 =	vmul.f32 $8.000000000e+00, v5  }
0xd0: {  	v8 =	vld [tilespmem:s9+$0x4590];
	[tilespmem:s9+$0x14520] =	vst v2;
	v5 =	vmul.f32 $8.000000000e+00, v1  }
0xd1: {  	v2 =	vmul.f32 $8.000000000e+00, v6;
	[tilespmem:s9+$0x14530] =	vst v0;
	v0 =	vld [tilespmem:s9+$0x45A0]  }
0xd2: {  	v1 =	vld [tilespmem:s9+$0x45B0];
	[tilespmem:s9+$0x14550] =	vst v5;
	v5 =	vmul.f32 $8.000000000e+00, v3  }
0xd3: {  	v6 =	vmul.f32 $8.000000000e+00, v7;
	[tilespmem:s9+$0x14540] =	vst v2;
	v2 =	vld [tilespmem:s9+$0x45C0]  }
0xd4: {  	v3 =	vld [tilespmem:s9+$0x45D0];
	[tilespmem:s9+$0x14570] =	vst v5;
	v5 =	vmul.f32 $8.000000000e+00, v4  }
0xd5: {  	s18 =	simm.s32 $0x200;
	s6 =	simm.s32 $0x1000;
	[tilespmem:s9+$0x14560] =	vst v6;
	v6 =	vmul.f32 $8.000000000e+00, v8;
	v4 =	vld [tilespmem:s9+$0x45E0]  }
.LBB2_9:
0xd6: {  	p0 =	sne.s32 s6, $0xF800;
	v7 =	vld [tilespmem:s18+$0x45F0];
	[tilespmem:s9+$0x14580] =	vst v5;
	v0 =	vmul.f32 $8.000000000e+00, v0  }
0xd7: {  	v5 =	vld [tilespmem:s18+$0x4400];
	[tilespmem:s9+$0x14590] =	vst v6;
	v1 =	vmul.f32 $8.000000000e+00, v1  }
0xd8: {  	v6 =	vld [tilespmem:s18+$0x4410];
	[tilespmem:s9+$0x145A0] =	vst v0;
	v0 =	vmul.f32 $8.000000000e+00, v2  }
0xd9: {  	v2 =	vld [tilespmem:s18+$0x4420];
	[tilespmem:s9+$0x145B0] =	vst v1;
	v1 =	vmul.f32 $8.000000000e+00, v3  }
0xda: {  	v3 =	vld [tilespmem:s18+$0x4430];
	[tilespmem:s9+$0x145C0] =	vst v0;
	v0 =	vmul.f32 $8.000000000e+00, v4  }
0xdb: {  	v4 =	vld [tilespmem:s18+$0x4440];
	v7 =	vmul.f32 $8.000000000e+00, v7;
	[tilespmem:s9+$0x145D0] =	vst v1  }
0xdc: {  	v1 =	vmul.f32 $8.000000000e+00, v5;
	v5 =	vld [tilespmem:s18+$0x4450];
	[tilespmem:s9+$0x145E0] =	vst v0;
	s9 =	smov.u32 s18  }
0xdd: {  	v0 =	vmul.f32 $8.000000000e+00, v6;
	v6 =	vld [tilespmem:s9+$0x4460];
	[tilespmem:s9+$0x145F0] =	vst v7  }
0xde: {  	[tilespmem:s9+$0x14400] =	vst v1;
	v1 =	vmul.f32 $8.000000000e+00, v2;
	v2 =	vld [tilespmem:s9+$0x4470]  }
0xdf: {  	[tilespmem:s9+$0x14410] =	vst v0;
	v0 =	vmul.f32 $8.000000000e+00, v3;
	v3 =	vld [tilespmem:s9+$0x4480]  }
0xe0: {  	[tilespmem:s9+$0x14420] =	vst v1;
	v1 =	vmul.f32 $8.000000000e+00, v4;
	v4 =	vld [tilespmem:s9+$0x4490]  }
0xe1: {  	[tilespmem:s9+$0x14430] =	vst v0;
	v0 =	vmul.f32 $8.000000000e+00, v5;
	v5 =	vld [tilespmem:s9+$0x44A0]  }
0xe2: {  	[tilespmem:s9+$0x14440] =	vst v1;
	v1 =	vmul.f32 $8.000000000e+00, v6;
	v6 =	vld [tilespmem:s9+$0x44B0]  }
0xe3: {  	[tilespmem:s9+$0x14450] =	vst v0;
	v0 =	vmul.f32 $8.000000000e+00, v2;
	v2 =	vld [tilespmem:s9+$0x44C0]  }
0xe4: {  	[tilespmem:s9+$0x14460] =	vst v1;
	v1 =	vmul.f32 $8.000000000e+00, v3;
	v3 =	vld [tilespmem:s9+$0x44D0]  }
0xe5: {  	[tilespmem:s9+$0x14470] =	vst v0;
	v0 =	vmul.f32 $8.000000000e+00, v4;
	v4 =	vld [tilespmem:s9+$0x44E0]  }
0xe6: {  	[tilespmem:s9+$0x14480] =	vst v1;
	v1 =	vmul.f32 $8.000000000e+00, v5;
	v5 =	vld [tilespmem:s9+$0x44F0]  }
0xe7: {  	[tilespmem:s9+$0x14490] =	vst v0;
	v0 =	vmul.f32 $8.000000000e+00, v6;
	v6 =	vld [tilespmem:s9+$0x4500]  }
0xe8: {  	[tilespmem:s9+$0x144A0] =	vst v1;
	v1 =	vmul.f32 $8.000000000e+00, v2;
	v2 =	vld [tilespmem:s9+$0x4510]  }
0xe9: {  	[tilespmem:s9+$0x144B0] =	vst v0;
	v0 =	vmul.f32 $8.000000000e+00, v3;
	v3 =	vld [tilespmem:s9+$0x4520]  }
0xea: {  	[tilespmem:s9+$0x144C0] =	vst v1;
	v1 =	vmul.f32 $8.000000000e+00, v4;
	v4 =	vld [tilespmem:s9+$0x4530]  }
0xeb: {  	[tilespmem:s9+$0x144D0] =	vst v0;
	v0 =	vmul.f32 $8.000000000e+00, v5;
	v5 =	vld [tilespmem:s9+$0x4540]  }
0xec: {  	[tilespmem:s9+$0x144E0] =	vst v1;
	v1 =	vmul.f32 $8.000000000e+00, v6;
	v6 =	vld [tilespmem:s9+$0x4550]  }
0xed: {  	[tilespmem:s9+$0x144F0] =	vst v0;
	v0 =	vmul.f32 $8.000000000e+00, v2;
	v2 =	vld [tilespmem:s9+$0x4560]  }
0xee: {  	[tilespmem:s9+$0x14500] =	vst v1;
	v1 =	vmul.f32 $8.000000000e+00, v3;
	v3 =	vld [tilespmem:s9+$0x4570]  }
0xef: {  	[tilespmem:s9+$0x14510] =	vst v0;
	v0 =	vmul.f32 $8.000000000e+00, v4;
	v4 =	vld [tilespmem:s9+$0x4580]  }
0xf0: {  	[tilespmem:s9+$0x14520] =	vst v1;
	v1 =	vmul.f32 $8.000000000e+00, v5;
	v7 =	vld [tilespmem:s9+$0x4590]  }
.Ltmp6:
0xf1: {  	[tilespmem:s9+$0x14530] =	vst v0;
	v5 =	vmul.f32 $8.000000000e+00, v6;
	v0 =	vld [tilespmem:s9+$0x45A0];
	(pc) =	sbr.rel @p0 .LBB2_9-.Ltmp6, $4  }
0xf2: {  	[tilespmem:s9+$0x14540] =	vst v1;
	v6 =	vmul.f32 $8.000000000e+00, v2;
	v1 =	vld [tilespmem:s9+$0x45B0]  }
0xf3: {  	[tilespmem:s9+$0x14550] =	vst v5;
	v8 =	vmul.f32 $8.000000000e+00, v3;
	v2 =	vld [tilespmem:s9+$0x45C0]  }
0xf4: {  	[tilespmem:s9+$0x14560] =	vst v6;
	v5 =	vmul.f32 $8.000000000e+00, v4;
	v3 =	vld [tilespmem:s9+$0x45D0]  }
0xf5: {  	s18 =	sshra.s32 s6, $0x2;
	s6 =	sadd.s32 $0x800, s6;
	[tilespmem:s9+$0x14570] =	vst v8;
	v6 =	vmul.f32 $8.000000000e+00, v7;
	v4 =	vld [tilespmem:s9+$0x45E0]  }
0xf6: {  	v7 =	vld [tilespmem:s18+$0x45F0];
	[tilespmem:s9+$0x14580] =	vst v5;
	v0 =	vmul.f32 $8.000000000e+00, v0  }
0xf7: {  	v5 =	vld [tilespmem:s18+$0x4400];
	[tilespmem:s9+$0x14590] =	vst v6;
	v1 =	vmul.f32 $8.000000000e+00, v1  }
0xf8: {  	v6 =	vld [tilespmem:s18+$0x4410];
	[tilespmem:s9+$0x145A0] =	vst v0;
	v2 =	vmul.f32 $8.000000000e+00, v2  }
0xf9: {  	v0 =	vld [tilespmem:s18+$0x4420];
	[tilespmem:s9+$0x145B0] =	vst v1;
	v3 =	vmul.f32 $8.000000000e+00, v3  }
0xfa: {  	v1 =	vld [tilespmem:s18+$0x4430];
	[tilespmem:s9+$0x145C0] =	vst v2;
	v4 =	vmul.f32 $8.000000000e+00, v4  }
0xfb: {  	v2 =	vld [tilespmem:s18+$0x4440];
	[tilespmem:s9+$0x145D0] =	vst v3;
	v7 =	vmul.f32 $8.000000000e+00, v7  }
0xfc: {  	v3 =	vld [tilespmem:s18+$0x4450];
	[tilespmem:s9+$0x145E0] =	vst v4;
	v4 =	vmul.f32 $8.000000000e+00, v5  }
0xfd: {  	v5 =	vld [tilespmem:s18+$0x4460];
	[tilespmem:s18+$0x145F0] =	vst v7;
	v6 =	vmul.f32 $8.000000000e+00, v6  }
0xfe: {  	[tilespmem:s18+$0x14400] =	vst v4;
	v4 =	vld [tilespmem:s18+$0x4470];
	v0 =	vmul.f32 $8.000000000e+00, v0  }
0xff: {  	[tilespmem:s18+$0x14410] =	vst v6;
	v6 =	vld [tilespmem:s18+$0x4480];
	v1 =	vmul.f32 $8.000000000e+00, v1  }
0x100: {  	[tilespmem:s18+$0x14420] =	vst v0;
	v0 =	vld [tilespmem:s18+$0x4490];
	v2 =	vmul.f32 $8.000000000e+00, v2  }
0x101: {  	[tilespmem:s18+$0x14430] =	vst v1;
	v1 =	vld [tilespmem:s18+$0x44A0];
	v3 =	vmul.f32 $8.000000000e+00, v3  }
0x102: {  	[tilespmem:s18+$0x14440] =	vst v2;
	v2 =	vld [tilespmem:s18+$0x44B0];
	v5 =	vmul.f32 $8.000000000e+00, v5  }
0x103: {  	[tilespmem:s18+$0x14450] =	vst v3;
	v3 =	vld [tilespmem:s18+$0x44C0];
	v4 =	vmul.f32 $8.000000000e+00, v4  }
0x104: {  	[tilespmem:s18+$0x14460] =	vst v5;
	v5 =	vld [tilespmem:s18+$0x44D0];
	v6 =	vmul.f32 $8.000000000e+00, v6  }
0x105: {  	[tilespmem:s18+$0x14470] =	vst v4;
	v4 =	vld [tilespmem:s18+$0x44E0];
	v0 =	vmul.f32 $8.000000000e+00, v0  }
0x106: {  	[tilespmem:s18+$0x14480] =	vst v6;
	v6 =	vld [tilespmem:s18+$0x44F0];
	v1 =	vmul.f32 $8.000000000e+00, v1  }
0x107: {  	[tilespmem:s18+$0x14490] =	vst v0;
	v0 =	vld [tilespmem:s18+$0x4500];
	v2 =	vmul.f32 $8.000000000e+00, v2  }
0x108: {  	[tilespmem:s18+$0x144A0] =	vst v1;
	v1 =	vld [tilespmem:s18+$0x4510];
	v3 =	vmul.f32 $8.000000000e+00, v3  }
0x109: {  	[tilespmem:s18+$0x144B0] =	vst v2;
	v2 =	vld [tilespmem:s18+$0x4520];
	v5 =	vmul.f32 $8.000000000e+00, v5  }
0x10a: {  	[tilespmem:s18+$0x144C0] =	vst v3;
	v3 =	vld [tilespmem:s18+$0x4530];
	v4 =	vmul.f32 $8.000000000e+00, v4  }
0x10b: {  	[tilespmem:s18+$0x144D0] =	vst v5;
	v5 =	vld [tilespmem:s18+$0x4540];
	v6 =	vmul.f32 $8.000000000e+00, v6  }
0x10c: {  	[tilespmem:s18+$0x144E0] =	vst v4;
	v4 =	vld [tilespmem:s18+$0x4550];
	v0 =	vmul.f32 $8.000000000e+00, v0  }
0x10d: {  	[tilespmem:s18+$0x144F0] =	vst v6;
	v6 =	vld [tilespmem:s18+$0x4560];
	v1 =	vmul.f32 $8.000000000e+00, v1  }
0x10e: {  	[tilespmem:s18+$0x14500] =	vst v0;
	v0 =	vld [tilespmem:s18+$0x4570];
	v2 =	vmul.f32 $8.000000000e+00, v2  }
0x10f: {  	[tilespmem:s18+$0x14510] =	vst v1;
	v1 =	vld [tilespmem:s18+$0x4580];
	v3 =	vmul.f32 $8.000000000e+00, v3  }
0x110: {  	[tilespmem:s18+$0x14520] =	vst v2;
	v2 =	vld [tilespmem:s18+$0x4590];
	v5 =	vmul.f32 $8.000000000e+00, v5  }
0x111: {  	[tilespmem:s18+$0x14530] =	vst v3;
	v3 =	vld [tilespmem:s18+$0x45A0];
	v4 =	vmul.f32 $8.000000000e+00, v4  }
0x112: {  	[tilespmem:s18+$0x14540] =	vst v5;
	v5 =	vld [tilespmem:s18+$0x45B0];
	v6 =	vmul.f32 $8.000000000e+00, v6  }
0x113: {  	[tilespmem:s18+$0x14550] =	vst v4;
	v4 =	vld [tilespmem:s18+$0x45C0];
	v0 =	vmul.f32 $8.000000000e+00, v0  }
0x114: {  	[tilespmem:s18+$0x14560] =	vst v6;
	v6 =	vld [tilespmem:s18+$0x45D0];
	v1 =	vmul.f32 $8.000000000e+00, v1  }
0x115: {  	[tilespmem:s18+$0x14570] =	vst v0;
	v0 =	vmul.f32 $8.000000000e+00, v2;
	v2 =	vld [tilespmem:s18+$0x45E0]  }
0x116: {  	[tilespmem:s18+$0x14580] =	vst v1;
	v1 =	vmul.f32 $8.000000000e+00, v3  }
0x117: {  	[tilespmem:s18+$0x14590] =	vst v0;
	v0 =	vmul.f32 $8.000000000e+00, v5  }
0x118: {  	[tilespmem:s18+$0x145A0] =	vst v1;
	v1 =	vmul.f32 $8.000000000e+00, v4  }
0x119: {  	s6 =	sadd.s32 s8, s12;
	[tilespmem:s18+$0x145B0] =	vst v0;
	v0 =	vmul.f32 $8.000000000e+00, v6  }
0x11a: {  	s6 =	sshll.u32 s6, $0x3;
	[tilespmem:s18+$0x145C0] =	vst v1;
	v1 =	vmul.f32 $8.000000000e+00, v2  }
0x11b: {  	s6 =	sand.u32 $0x1FFFE800, s6;
	[tilespmem:s18+$0x145D0] =	vst v0  }
0x11c: {  	p0 =	seq.s32 s7, $0x18;
	s6 =	sadd.s32 s2, s6;
	[tilespmem:s18+$0x145E0] =	vst v1  }
0x11d: {  	[hbm4b:s6+s3] =	stream.linear.scatter [tilespmem:s1], [sflag:$0x6], $0x4000, $0x38;
	[tilespmem:$0x18400] =	vst v63  }
0x11e: {  	s6 =	sadd.s32 @!p0 s8, s13  }
0x11f: {  	s6 =	sshrl.u32 @!p0 s6, $0x3  }
0x120: {  	s9 =	simm.s32 @!p0 $0x0;
	s18 =	simm.s32 @!p0 $0x100;
	s6 =	sadd.s32 @!p0 s4, s6  }
0x121: {  	[tilespmem:s18], [sflag:$0x7] =	stream.linear.gather @!p0 [hbm4b:s6+s9], $0x100, $0x38;
	[tilespmem:$0x18400] =	vst v63  }
0x122: {  	s6 =	simm.s32 @!p0 $0x7  }
0x123: {  	_ =	swait.ge @!p0 [sflag:s6], $0x100  }
0x124: {  	[sflag:s6] =	ssyncset.done @!p0 $0x0  }
0x125: {  	[sflag:s6] =	ssyncadd.s32 @!p0 $0xFFFFFF00;
	s6 =	simm.s32 @!p0 $0x4400  }
0x126: {  	[tilespmem:s6], [sflag:$0x2] =	stream.indirect.gather @!p0 [hbm4b:s5+s18], $0x40, s18, s18, $0xb8;
	[tilespmem:$0x18400] =	vst v63  }
0x127: {  	_ =	swait.ge [sflag:s0], $0x4000  }
0x128: {  	[sflag:s0] =	ssyncset.done $0x0  }
0x129: {  	[sflag:s0] =	ssyncadd.s32 $0xFFFFC000  }
0x12a: {  	_ =	swait.ge [sflag:s22], $0x4000  }
0x12b: {  	[sflag:s22] =	ssyncset.done $0x0  }
0x12c: {  	s9 =	simm.s32 $0x0;
	[sflag:s22] =	ssyncadd.s32 $0xFFFFC000  }
0x12d: {  	v0 =	vld [tilespmem:s9+$0x85F0]  }
0x12e: {  	v1 =	vld [tilespmem:s9+$0x8400];
	_ =	sdelay $0x1  }
0x12f: {  	v2 =	vld [tilespmem:s9+$0x8410]  }
0x130: {  	v3 =	vld [tilespmem:s9+$0x8420]  }
0x131: {  	v4 =	vld [tilespmem:s9+$0x8430];
	v0 =	vmul.f32 $8.000000000e+00, v0  }
0x132: {  	v5 =	vld [tilespmem:s9+$0x8440];
	v1 =	vmul.f32 $8.000000000e+00, v1  }
0x133: {  	v6 =	vld [tilespmem:s9+$0x8450];
	[tilespmem:s9+$0x105F0] =	vst v0  }
0x134: {  	v0 =	vmul.f32 $8.000000000e+00, v2;
	[tilespmem:s9+$0x10400] =	vst v1;
	v1 =	vld [tilespmem:s9+$0x8470]  }
0x135: {  	v7 =	vld [tilespmem:s9+$0x8460];
	v2 =	vmul.f32 $8.000000000e+00, v3  }
0x136: {  	v3 =	vmul.f32 $8.000000000e+00, v4;
	[tilespmem:s9+$0x10410] =	vst v0;
	v0 =	vld [tilespmem:s9+$0x8480]  }
0x137: {  	v4 =	vmul.f32 $8.000000000e+00, v5;
	[tilespmem:s9+$0x10420] =	vst v2;
	v2 =	vld [tilespmem:s9+$0x8490]  }
0x138: {  	v5 =	vmul.f32 $8.000000000e+00, v6;
	[tilespmem:s9+$0x10430] =	vst v3;
	v3 =	vld [tilespmem:s9+$0x84A0]  }
0x139: {  	[tilespmem:s9+$0x10440] =	vst v4;
	v4 =	vld [tilespmem:s9+$0x84B0];
	v1 =	vmul.f32 $8.000000000e+00, v1  }
0x13a: {  	v6 =	vmul.f32 $8.000000000e+00, v7;
	[tilespmem:s9+$0x10450] =	vst v5;
	v5 =	vld [tilespmem:s9+$0x84C0]  }
0x13b: {  	v0 =	vmul.f32 $8.000000000e+00, v0;
	[tilespmem:s9+$0x10470] =	vst v1;
	v1 =	vld [tilespmem:s9+$0x84E0]  }
0x13c: {  	[tilespmem:s9+$0x10460] =	vst v6;
	v6 =	vld [tilespmem:s9+$0x84D0];
	v2 =	vmul.f32 $8.000000000e+00, v2  }
0x13d: {  	v3 =	vmul.f32 $8.000000000e+00, v3;
	[tilespmem:s9+$0x10480] =	vst v0;
	v0 =	vld [tilespmem:s9+$0x84F0]  }
0x13e: {  	v4 =	vmul.f32 $8.000000000e+00, v4;
	[tilespmem:s9+$0x10490] =	vst v2;
	v2 =	vld [tilespmem:s9+$0x8500]  }
0x13f: {  	v5 =	vmul.f32 $8.000000000e+00, v5;
	[tilespmem:s9+$0x104A0] =	vst v3;
	v3 =	vld [tilespmem:s9+$0x8510]  }
0x140: {  	[tilespmem:s9+$0x104B0] =	vst v4;
	v4 =	vld [tilespmem:s9+$0x8520];
	v1 =	vmul.f32 $8.000000000e+00, v1  }
0x141: {  	v6 =	vmul.f32 $8.000000000e+00, v6;
	[tilespmem:s9+$0x104C0] =	vst v5;
	v5 =	vld [tilespmem:s9+$0x8530]  }
0x142: {  	v0 =	vmul.f32 $8.000000000e+00, v0;
	[tilespmem:s9+$0x104E0] =	vst v1;
	v1 =	vld [tilespmem:s9+$0x8550]  }
0x143: {  	[tilespmem:s9+$0x104D0] =	vst v6;
	v6 =	vld [tilespmem:s9+$0x8540];
	v2 =	vmul.f32 $8.000000000e+00, v2  }
0x144: {  	[tilespmem:s9+$0x104F0] =	vst v0;
	v0 =	vmul.f32 $8.000000000e+00, v3;
	v3 =	vld [tilespmem:s9+$0x8570]  }
0x145: {  	v7 =	vld [tilespmem:s9+$0x8560];
	[tilespmem:s9+$0x10500] =	vst v2;
	v2 =	vmul.f32 $8.000000000e+00, v4  }
0x146: {  	v4 =	vld [tilespmem:s9+$0x8580];
	[tilespmem:s9+$0x10510] =	vst v0;
	v0 =	vmul.f32 $8.000000000e+00, v5  }
0x147: {  	v8 =	vld [tilespmem:s9+$0x8590];
	[tilespmem:s9+$0x10520] =	vst v2;
	v5 =	vmul.f32 $8.000000000e+00, v1  }
0x148: {  	v2 =	vmul.f32 $8.000000000e+00, v6;
	[tilespmem:s9+$0x10530] =	vst v0;
	v0 =	vld [tilespmem:s9+$0x85A0]  }
0x149: {  	v1 =	vld [tilespmem:s9+$0x85B0];
	[tilespmem:s9+$0x10550] =	vst v5;
	v5 =	vmul.f32 $8.000000000e+00, v3  }
0x14a: {  	v6 =	vmul.f32 $8.000000000e+00, v7;
	[tilespmem:s9+$0x10540] =	vst v2;
	v2 =	vld [tilespmem:s9+$0x85C0]  }
0x14b: {  	v3 =	vld [tilespmem:s9+$0x85D0];
	[tilespmem:s9+$0x10570] =	vst v5;
	v5 =	vmul.f32 $8.000000000e+00, v4  }
0x14c: {  	s18 =	simm.s32 $0x200;
	s6 =	simm.s32 $0x1000;
	[tilespmem:s9+$0x10560] =	vst v6;
	v6 =	vmul.f32 $8.000000000e+00, v8;
	v4 =	vld [tilespmem:s9+$0x85E0]  }
.LBB2_11:
0x14d: {  	p1 =	sne.s32 s6, $0xF800;
	v7 =	vld [tilespmem:s18+$0x85F0];
	[tilespmem:s9+$0x10580] =	vst v5;
	v0 =	vmul.f32 $8.000000000e+00, v0  }
0x14e: {  	v5 =	vld [tilespmem:s18+$0x8400];
	[tilespmem:s9+$0x10590] =	vst v6;
	v1 =	vmul.f32 $8.000000000e+00, v1  }
0x14f: {  	v6 =	vld [tilespmem:s18+$0x8410];
	[tilespmem:s9+$0x105A0] =	vst v0;
	v0 =	vmul.f32 $8.000000000e+00, v2  }
0x150: {  	v2 =	vld [tilespmem:s18+$0x8420];
	[tilespmem:s9+$0x105B0] =	vst v1;
	v1 =	vmul.f32 $8.000000000e+00, v3  }
0x151: {  	v3 =	vld [tilespmem:s18+$0x8430];
	[tilespmem:s9+$0x105C0] =	vst v0;
	v0 =	vmul.f32 $8.000000000e+00, v4  }
0x152: {  	v4 =	vld [tilespmem:s18+$0x8440];
	v7 =	vmul.f32 $8.000000000e+00, v7;
	[tilespmem:s9+$0x105D0] =	vst v1  }
0x153: {  	v1 =	vmul.f32 $8.000000000e+00, v5;
	v5 =	vld [tilespmem:s18+$0x8450];
	[tilespmem:s9+$0x105E0] =	vst v0;
	s9 =	smov.u32 s18  }
0x154: {  	v0 =	vmul.f32 $8.000000000e+00, v6;
	v6 =	vld [tilespmem:s9+$0x8460];
	[tilespmem:s9+$0x105F0] =	vst v7  }
0x155: {  	[tilespmem:s9+$0x10400] =	vst v1;
	v1 =	vmul.f32 $8.000000000e+00, v2;
	v2 =	vld [tilespmem:s9+$0x8470]  }
0x156: {  	[tilespmem:s9+$0x10410] =	vst v0;
	v0 =	vmul.f32 $8.000000000e+00, v3;
	v3 =	vld [tilespmem:s9+$0x8480]  }
0x157: {  	[tilespmem:s9+$0x10420] =	vst v1;
	v1 =	vmul.f32 $8.000000000e+00, v4;
	v4 =	vld [tilespmem:s9+$0x8490]  }
0x158: {  	[tilespmem:s9+$0x10430] =	vst v0;
	v0 =	vmul.f32 $8.000000000e+00, v5;
	v5 =	vld [tilespmem:s9+$0x84A0]  }
0x159: {  	[tilespmem:s9+$0x10440] =	vst v1;
	v1 =	vmul.f32 $8.000000000e+00, v6;
	v6 =	vld [tilespmem:s9+$0x84B0]  }
0x15a: {  	[tilespmem:s9+$0x10450] =	vst v0;
	v0 =	vmul.f32 $8.000000000e+00, v2;
	v2 =	vld [tilespmem:s9+$0x84C0]  }
0x15b: {  	[tilespmem:s9+$0x10460] =	vst v1;
	v1 =	vmul.f32 $8.000000000e+00, v3;
	v3 =	vld [tilespmem:s9+$0x84D0]  }
0x15c: {  	[tilespmem:s9+$0x10470] =	vst v0;
	v0 =	vmul.f32 $8.000000000e+00, v4;
	v4 =	vld [tilespmem:s9+$0x84E0]  }
0x15d: {  	[tilespmem:s9+$0x10480] =	vst v1;
	v1 =	vmul.f32 $8.000000000e+00, v5;
	v5 =	vld [tilespmem:s9+$0x84F0]  }
0x15e: {  	[tilespmem:s9+$0x10490] =	vst v0;
	v0 =	vmul.f32 $8.000000000e+00, v6;
	v6 =	vld [tilespmem:s9+$0x8500]  }
0x15f: {  	[tilespmem:s9+$0x104A0] =	vst v1;
	v1 =	vmul.f32 $8.000000000e+00, v2;
	v2 =	vld [tilespmem:s9+$0x8510]  }
0x160: {  	[tilespmem:s9+$0x104B0] =	vst v0;
	v0 =	vmul.f32 $8.000000000e+00, v3;
	v3 =	vld [tilespmem:s9+$0x8520]  }
0x161: {  	[tilespmem:s9+$0x104C0] =	vst v1;
	v1 =	vmul.f32 $8.000000000e+00, v4;
	v4 =	vld [tilespmem:s9+$0x8530]  }
0x162: {  	[tilespmem:s9+$0x104D0] =	vst v0;
	v0 =	vmul.f32 $8.000000000e+00, v5;
	v5 =	vld [tilespmem:s9+$0x8540]  }
0x163: {  	[tilespmem:s9+$0x104E0] =	vst v1;
	v1 =	vmul.f32 $8.000000000e+00, v6;
	v6 =	vld [tilespmem:s9+$0x8550]  }
0x164: {  	[tilespmem:s9+$0x104F0] =	vst v0;
	v0 =	vmul.f32 $8.000000000e+00, v2;
	v2 =	vld [tilespmem:s9+$0x8560]  }
0x165: {  	[tilespmem:s9+$0x10500] =	vst v1;
	v1 =	vmul.f32 $8.000000000e+00, v3;
	v3 =	vld [tilespmem:s9+$0x8570]  }
0x166: {  	[tilespmem:s9+$0x10510] =	vst v0;
	v0 =	vmul.f32 $8.000000000e+00, v4;
	v4 =	vld [tilespmem:s9+$0x8580]  }
0x167: {  	[tilespmem:s9+$0x10520] =	vst v1;
	v1 =	vmul.f32 $8.000000000e+00, v5;
	v7 =	vld [tilespmem:s9+$0x8590]  }
.Ltmp7:
0x168: {  	[tilespmem:s9+$0x10530] =	vst v0;
	v5 =	vmul.f32 $8.000000000e+00, v6;
	v0 =	vld [tilespmem:s9+$0x85A0];
	(pc) =	sbr.rel @p1 .LBB2_11-.Ltmp7, $4  }
0x169: {  	[tilespmem:s9+$0x10540] =	vst v1;
	v6 =	vmul.f32 $8.000000000e+00, v2;
	v1 =	vld [tilespmem:s9+$0x85B0]  }
0x16a: {  	[tilespmem:s9+$0x10550] =	vst v5;
	v8 =	vmul.f32 $8.000000000e+00, v3;
	v2 =	vld [tilespmem:s9+$0x85C0]  }
0x16b: {  	[tilespmem:s9+$0x10560] =	vst v6;
	v5 =	vmul.f32 $8.000000000e+00, v4;
	v3 =	vld [tilespmem:s9+$0x85D0]  }
0x16c: {  	s18 =	sshra.s32 s6, $0x2;
	s6 =	sadd.s32 $0x800, s6;
	[tilespmem:s9+$0x10570] =	vst v8;
	v6 =	vmul.f32 $8.000000000e+00, v7;
	v4 =	vld [tilespmem:s9+$0x85E0]  }
0x16d: {  	v7 =	vld [tilespmem:s18+$0x85F0];
	[tilespmem:s9+$0x10580] =	vst v5;
	v0 =	vmul.f32 $8.000000000e+00, v0  }
0x16e: {  	v5 =	vld [tilespmem:s18+$0x8400];
	[tilespmem:s9+$0x10590] =	vst v6;
	v1 =	vmul.f32 $8.000000000e+00, v1  }
0x16f: {  	v6 =	vld [tilespmem:s18+$0x8410];
	[tilespmem:s9+$0x105A0] =	vst v0;
	v2 =	vmul.f32 $8.000000000e+00, v2  }
0x170: {  	v0 =	vld [tilespmem:s18+$0x8420];
	[tilespmem:s9+$0x105B0] =	vst v1;
	v3 =	vmul.f32 $8.000000000e+00, v3  }
0x171: {  	v1 =	vld [tilespmem:s18+$0x8430];
	[tilespmem:s9+$0x105C0] =	vst v2;
	v4 =	vmul.f32 $8.000000000e+00, v4  }
0x172: {  	v2 =	vld [tilespmem:s18+$0x8440];
	[tilespmem:s9+$0x105D0] =	vst v3;
	v7 =	vmul.f32 $8.000000000e+00, v7  }
0x173: {  	v3 =	vld [tilespmem:s18+$0x8450];
	[tilespmem:s9+$0x105E0] =	vst v4;
	v4 =	vmul.f32 $8.000000000e+00, v5  }
0x174: {  	v5 =	vld [tilespmem:s18+$0x8460];
	[tilespmem:s18+$0x105F0] =	vst v7;
	v6 =	vmul.f32 $8.000000000e+00, v6  }
0x175: {  	[tilespmem:s18+$0x10400] =	vst v4;
	v4 =	vld [tilespmem:s18+$0x8470];
	v0 =	vmul.f32 $8.000000000e+00, v0  }
0x176: {  	[tilespmem:s18+$0x10410] =	vst v6;
	v6 =	vld [tilespmem:s18+$0x8480];
	v1 =	vmul.f32 $8.000000000e+00, v1  }
0x177: {  	[tilespmem:s18+$0x10420] =	vst v0;
	v0 =	vld [tilespmem:s18+$0x8490];
	v2 =	vmul.f32 $8.000000000e+00, v2  }
0x178: {  	[tilespmem:s18+$0x10430] =	vst v1;
	v1 =	vld [tilespmem:s18+$0x84A0];
	v3 =	vmul.f32 $8.000000000e+00, v3  }
0x179: {  	[tilespmem:s18+$0x10440] =	vst v2;
	v2 =	vld [tilespmem:s18+$0x84B0];
	v5 =	vmul.f32 $8.000000000e+00, v5  }
0x17a: {  	[tilespmem:s18+$0x10450] =	vst v3;
	v3 =	vld [tilespmem:s18+$0x84C0];
	v4 =	vmul.f32 $8.000000000e+00, v4  }
0x17b: {  	[tilespmem:s18+$0x10460] =	vst v5;
	v5 =	vld [tilespmem:s18+$0x84D0];
	v6 =	vmul.f32 $8.000000000e+00, v6  }
0x17c: {  	[tilespmem:s18+$0x10470] =	vst v4;
	v4 =	vld [tilespmem:s18+$0x84E0];
	v0 =	vmul.f32 $8.000000000e+00, v0  }
0x17d: {  	[tilespmem:s18+$0x10480] =	vst v6;
	v6 =	vld [tilespmem:s18+$0x84F0];
	v1 =	vmul.f32 $8.000000000e+00, v1  }
0x17e: {  	[tilespmem:s18+$0x10490] =	vst v0;
	v0 =	vld [tilespmem:s18+$0x8500];
	v2 =	vmul.f32 $8.000000000e+00, v2  }
0x17f: {  	[tilespmem:s18+$0x104A0] =	vst v1;
	v1 =	vld [tilespmem:s18+$0x8510];
	v3 =	vmul.f32 $8.000000000e+00, v3  }
0x180: {  	[tilespmem:s18+$0x104B0] =	vst v2;
	v2 =	vld [tilespmem:s18+$0x8520];
	v5 =	vmul.f32 $8.000000000e+00, v5  }
0x181: {  	[tilespmem:s18+$0x104C0] =	vst v3;
	v3 =	vld [tilespmem:s18+$0x8530];
	v4 =	vmul.f32 $8.000000000e+00, v4  }
0x182: {  	[tilespmem:s18+$0x104D0] =	vst v5;
	v5 =	vld [tilespmem:s18+$0x8540];
	v6 =	vmul.f32 $8.000000000e+00, v6  }
0x183: {  	[tilespmem:s18+$0x104E0] =	vst v4;
	v4 =	vld [tilespmem:s18+$0x8550];
	v0 =	vmul.f32 $8.000000000e+00, v0  }
0x184: {  	[tilespmem:s18+$0x104F0] =	vst v6;
	v6 =	vld [tilespmem:s18+$0x8560];
	v1 =	vmul.f32 $8.000000000e+00, v1  }
0x185: {  	[tilespmem:s18+$0x10500] =	vst v0;
	v0 =	vld [tilespmem:s18+$0x8570];
	v2 =	vmul.f32 $8.000000000e+00, v2  }
0x186: {  	[tilespmem:s18+$0x10510] =	vst v1;
	v1 =	vld [tilespmem:s18+$0x8580];
	v3 =	vmul.f32 $8.000000000e+00, v3  }
0x187: {  	[tilespmem:s18+$0x10520] =	vst v2;
	v2 =	vld [tilespmem:s18+$0x8590];
	v5 =	vmul.f32 $8.000000000e+00, v5  }
0x188: {  	[tilespmem:s18+$0x10530] =	vst v3;
	v3 =	vld [tilespmem:s18+$0x85A0];
	v4 =	vmul.f32 $8.000000000e+00, v4  }
0x189: {  	[tilespmem:s18+$0x10540] =	vst v5;
	v5 =	vld [tilespmem:s18+$0x85B0];
	v6 =	vmul.f32 $8.000000000e+00, v6  }
0x18a: {  	[tilespmem:s18+$0x10550] =	vst v4;
	v4 =	vld [tilespmem:s18+$0x85C0];
	v0 =	vmul.f32 $8.000000000e+00, v0  }
0x18b: {  	[tilespmem:s18+$0x10560] =	vst v6;
	v6 =	vld [tilespmem:s18+$0x85D0];
	v1 =	vmul.f32 $8.000000000e+00, v1  }
0x18c: {  	[tilespmem:s18+$0x10570] =	vst v0;
	v0 =	vmul.f32 $8.000000000e+00, v2;
	v2 =	vld [tilespmem:s18+$0x85E0]  }
0x18d: {  	[tilespmem:s18+$0x10580] =	vst v1;
	v1 =	vmul.f32 $8.000000000e+00, v3  }
0x18e: {  	[tilespmem:s18+$0x10590] =	vst v0;
	v0 =	vmul.f32 $8.000000000e+00, v5  }
0x18f: {  	[tilespmem:s18+$0x105A0] =	vst v1;
	v1 =	vmul.f32 $8.000000000e+00, v4  }
0x190: {  	s6 =	sadd.s32 s8, s14;
	[tilespmem:s18+$0x105B0] =	vst v0;
	v0 =	vmul.f32 $8.000000000e+00, v6  }
0x191: {  	s6 =	sshll.u32 s6, $0x3;
	[tilespmem:s18+$0x105C0] =	vst v1;
	v1 =	vmul.f32 $8.000000000e+00, v2  }
0x192: {  	s6 =	sand.u32 $0x1FFFF000, s6;
	[tilespmem:s18+$0x105D0] =	vst v0  }
0x193: {  	s6 =	sadd.s32 s2, s6;
	[tilespmem:s18+$0x105E0] =	vst v1  }
0x194: {  	[hbm4b:s6+s3] =	stream.linear.scatter [tilespmem:s29], [sflag:$0x5], $0x4000, $0x38;
	[tilespmem:$0x18400] =	vst v63  }
0x195: {  	s6 =	sadd.s32 @!p0 s8, s15  }
0x196: {  	s6 =	sshrl.u32 @!p0 s6, $0x3  }
0x197: {  	s9 =	simm.s32 @!p0 $0x0;
	s18 =	simm.s32 @!p0 $0x200;
	s6 =	sadd.s32 @!p0 s4, s6  }
0x198: {  	[tilespmem:s18], [sflag:$0x7] =	stream.linear.gather @!p0 [hbm4b:s6+s9], $0x100, $0x38;
	[tilespmem:$0x18400] =	vst v63  }
0x199: {  	s6 =	simm.s32 @!p0 $0x7  }
0x19a: {  	_ =	swait.ge @!p0 [sflag:s6], $0x100  }
0x19b: {  	[sflag:s6] =	ssyncset.done @!p0 $0x0  }
0x19c: {  	s9 =	simm.s32 @!p0 $0x8400;
	[sflag:s6] =	ssyncadd.s32 @!p0 $0xFFFFFF00;
	s6 =	simm.s32 @!p0 $0x100  }
0x19d: {  	[tilespmem:s9], [sflag:$0x3] =	stream.indirect.gather @!p0 [hbm4b:s5+s6], $0x40, s18, s6, $0xb8;
	[tilespmem:$0x18400] =	vst v63  }
0x19e: {  	_ =	swait.ge [sflag:s24], $0x4000  }
0x19f: {  	[sflag:s24] =	ssyncset.done $0x0  }
0x1a0: {  	[sflag:s24] =	ssyncadd.s32 $0xFFFFC000  }
0x1a1: {  	_ =	swait.ge [sflag:s31], $0x4000  }
0x1a2: {  	[sflag:s31] =	ssyncset.done $0x0  }
0x1a3: {  	s9 =	simm.s32 $0x0;
	[sflag:s31] =	ssyncadd.s32 $0xFFFFC000  }
0x1a4: {  	v0 =	vld [tilespmem:s9+$0xC5F0]  }
0x1a5: {  	v1 =	vld [tilespmem:s9+$0xC400];
	_ =	sdelay $0x1  }
0x1a6: {  	v2 =	vld [tilespmem:s9+$0xC410]  }
0x1a7: {  	v3 =	vld [tilespmem:s9+$0xC420]  }
0x1a8: {  	v4 =	vld [tilespmem:s9+$0xC430];
	v0 =	vmul.f32 $8.000000000e+00, v0  }
0x1a9: {  	v5 =	vld [tilespmem:s9+$0xC440];
	v1 =	vmul.f32 $8.000000000e+00, v1  }
0x1aa: {  	v6 =	vld [tilespmem:s9+$0xC450];
	[tilespmem:s9+$0x145F0] =	vst v0  }
0x1ab: {  	v0 =	vmul.f32 $8.000000000e+00, v2;
	[tilespmem:s9+$0x14400] =	vst v1;
	v1 =	vld [tilespmem:s9+$0xC470]  }
0x1ac: {  	v7 =	vld [tilespmem:s9+$0xC460];
	v2 =	vmul.f32 $8.000000000e+00, v3  }
0x1ad: {  	v3 =	vmul.f32 $8.000000000e+00, v4;
	[tilespmem:s9+$0x14410] =	vst v0;
	v0 =	vld [tilespmem:s9+$0xC480]  }
0x1ae: {  	v4 =	vmul.f32 $8.000000000e+00, v5;
	[tilespmem:s9+$0x14420] =	vst v2;
	v2 =	vld [tilespmem:s9+$0xC490]  }
0x1af: {  	v5 =	vmul.f32 $8.000000000e+00, v6;
	[tilespmem:s9+$0x14430] =	vst v3;
	v3 =	vld [tilespmem:s9+$0xC4A0]  }
0x1b0: {  	[tilespmem:s9+$0x14440] =	vst v4;
	v4 =	vld [tilespmem:s9+$0xC4B0];
	v1 =	vmul.f32 $8.000000000e+00, v1  }
0x1b1: {  	v6 =	vmul.f32 $8.000000000e+00, v7;
	[tilespmem:s9+$0x14450] =	vst v5;
	v5 =	vld [tilespmem:s9+$0xC4C0]  }
0x1b2: {  	v0 =	vmul.f32 $8.000000000e+00, v0;
	[tilespmem:s9+$0x14470] =	vst v1;
	v1 =	vld [tilespmem:s9+$0xC4E0]  }
0x1b3: {  	[tilespmem:s9+$0x14460] =	vst v6;
	v6 =	vld [tilespmem:s9+$0xC4D0];
	v2 =	vmul.f32 $8.000000000e+00, v2  }
0x1b4: {  	v3 =	vmul.f32 $8.000000000e+00, v3;
	[tilespmem:s9+$0x14480] =	vst v0;
	v0 =	vld [tilespmem:s9+$0xC4F0]  }
0x1b5: {  	v4 =	vmul.f32 $8.000000000e+00, v4;
	[tilespmem:s9+$0x14490] =	vst v2;
	v2 =	vld [tilespmem:s9+$0xC500]  }
0x1b6: {  	v5 =	vmul.f32 $8.000000000e+00, v5;
	[tilespmem:s9+$0x144A0] =	vst v3;
	v3 =	vld [tilespmem:s9+$0xC510]  }
0x1b7: {  	[tilespmem:s9+$0x144B0] =	vst v4;
	v4 =	vld [tilespmem:s9+$0xC520];
	v1 =	vmul.f32 $8.000000000e+00, v1  }
0x1b8: {  	v6 =	vmul.f32 $8.000000000e+00, v6;
	[tilespmem:s9+$0x144C0] =	vst v5;
	v5 =	vld [tilespmem:s9+$0xC530]  }
0x1b9: {  	v0 =	vmul.f32 $8.000000000e+00, v0;
	[tilespmem:s9+$0x144E0] =	vst v1;
	v1 =	vld [tilespmem:s9+$0xC550]  }
0x1ba: {  	[tilespmem:s9+$0x144D0] =	vst v6;
	v6 =	vld [tilespmem:s9+$0xC540];
	v2 =	vmul.f32 $8.000000000e+00, v2  }
0x1bb: {  	[tilespmem:s9+$0x144F0] =	vst v0;
	v0 =	vmul.f32 $8.000000000e+00, v3;
	v3 =	vld [tilespmem:s9+$0xC570]  }
0x1bc: {  	v7 =	vld [tilespmem:s9+$0xC560];
	[tilespmem:s9+$0x14500] =	vst v2;
	v2 =	vmul.f32 $8.000000000e+00, v4  }
0x1bd: {  	v4 =	vld [tilespmem:s9+$0xC580];
	[tilespmem:s9+$0x14510] =	vst v0;
	v0 =	vmul.f32 $8.000000000e+00, v5  }
0x1be: {  	v8 =	vld [tilespmem:s9+$0xC590];
	[tilespmem:s9+$0x14520] =	vst v2;
	v5 =	vmul.f32 $8.000000000e+00, v1  }
0x1bf: {  	v2 =	vmul.f32 $8.000000000e+00, v6;
	[tilespmem:s9+$0x14530] =	vst v0;
	v0 =	vld [tilespmem:s9+$0xC5A0]  }
0x1c0: {  	v1 =	vld [tilespmem:s9+$0xC5B0];
	[tilespmem:s9+$0x14550] =	vst v5;
	v5 =	vmul.f32 $8.000000000e+00, v3  }
0x1c1: {  	v6 =	vmul.f32 $8.000000000e+00, v7;
	[tilespmem:s9+$0x14540] =	vst v2;
	v2 =	vld [tilespmem:s9+$0xC5C0]  }
0x1c2: {  	v3 =	vld [tilespmem:s9+$0xC5D0];
	[tilespmem:s9+$0x14570] =	vst v5;
	v5 =	vmul.f32 $8.000000000e+00, v4  }
0x1c3: {  	s18 =	simm.s32 $0x200;
	s6 =	simm.s32 $0x1000;
	[tilespmem:s9+$0x14560] =	vst v6;
	v6 =	vmul.f32 $8.000000000e+00, v8;
	v4 =	vld [tilespmem:s9+$0xC5E0]  }
.LBB2_13:
0x1c4: {  	p1 =	sne.s32 s6, $0xF800;
	v7 =	vld [tilespmem:s18+$0xC5F0];
	[tilespmem:s9+$0x14580] =	vst v5;
	v0 =	vmul.f32 $8.000000000e+00, v0  }
0x1c5: {  	v5 =	vld [tilespmem:s18+$0xC400];
	[tilespmem:s9+$0x14590] =	vst v6;
	v1 =	vmul.f32 $8.000000000e+00, v1  }
0x1c6: {  	v6 =	vld [tilespmem:s18+$0xC410];
	[tilespmem:s9+$0x145A0] =	vst v0;
	v0 =	vmul.f32 $8.000000000e+00, v2  }
0x1c7: {  	v2 =	vld [tilespmem:s18+$0xC420];
	[tilespmem:s9+$0x145B0] =	vst v1;
	v1 =	vmul.f32 $8.000000000e+00, v3  }
0x1c8: {  	v3 =	vld [tilespmem:s18+$0xC430];
	[tilespmem:s9+$0x145C0] =	vst v0;
	v0 =	vmul.f32 $8.000000000e+00, v4  }
0x1c9: {  	v4 =	vld [tilespmem:s18+$0xC440];
	v7 =	vmul.f32 $8.000000000e+00, v7;
	[tilespmem:s9+$0x145D0] =	vst v1  }
0x1ca: {  	v1 =	vmul.f32 $8.000000000e+00, v5;
	v5 =	vld [tilespmem:s18+$0xC450];
	[tilespmem:s9+$0x145E0] =	vst v0;
	s9 =	smov.u32 s18  }
0x1cb: {  	v0 =	vmul.f32 $8.000000000e+00, v6;
	v6 =	vld [tilespmem:s9+$0xC460];
	[tilespmem:s9+$0x145F0] =	vst v7  }
0x1cc: {  	[tilespmem:s9+$0x14400] =	vst v1;
	v1 =	vmul.f32 $8.000000000e+00, v2;
	v2 =	vld [tilespmem:s9+$0xC470]  }
0x1cd: {  	[tilespmem:s9+$0x14410] =	vst v0;
	v0 =	vmul.f32 $8.000000000e+00, v3;
	v3 =	vld [tilespmem:s9+$0xC480]  }
0x1ce: {  	[tilespmem:s9+$0x14420] =	vst v1;
	v1 =	vmul.f32 $8.000000000e+00, v4;
	v4 =	vld [tilespmem:s9+$0xC490]  }
0x1cf: {  	[tilespmem:s9+$0x14430] =	vst v0;
	v0 =	vmul.f32 $8.000000000e+00, v5;
	v5 =	vld [tilespmem:s9+$0xC4A0]  }
0x1d0: {  	[tilespmem:s9+$0x14440] =	vst v1;
	v1 =	vmul.f32 $8.000000000e+00, v6;
	v6 =	vld [tilespmem:s9+$0xC4B0]  }
0x1d1: {  	[tilespmem:s9+$0x14450] =	vst v0;
	v0 =	vmul.f32 $8.000000000e+00, v2;
	v2 =	vld [tilespmem:s9+$0xC4C0]  }
0x1d2: {  	[tilespmem:s9+$0x14460] =	vst v1;
	v1 =	vmul.f32 $8.000000000e+00, v3;
	v3 =	vld [tilespmem:s9+$0xC4D0]  }
0x1d3: {  	[tilespmem:s9+$0x14470] =	vst v0;
	v0 =	vmul.f32 $8.000000000e+00, v4;
	v4 =	vld [tilespmem:s9+$0xC4E0]  }
0x1d4: {  	[tilespmem:s9+$0x14480] =	vst v1;
	v1 =	vmul.f32 $8.000000000e+00, v5;
	v5 =	vld [tilespmem:s9+$0xC4F0]  }
0x1d5: {  	[tilespmem:s9+$0x14490] =	vst v0;
	v0 =	vmul.f32 $8.000000000e+00, v6;
	v6 =	vld [tilespmem:s9+$0xC500]  }
0x1d6: {  	[tilespmem:s9+$0x144A0] =	vst v1;
	v1 =	vmul.f32 $8.000000000e+00, v2;
	v2 =	vld [tilespmem:s9+$0xC510]  }
0x1d7: {  	[tilespmem:s9+$0x144B0] =	vst v0;
	v0 =	vmul.f32 $8.000000000e+00, v3;
	v3 =	vld [tilespmem:s9+$0xC520]  }
0x1d8: {  	[tilespmem:s9+$0x144C0] =	vst v1;
	v1 =	vmul.f32 $8.000000000e+00, v4;
	v4 =	vld [tilespmem:s9+$0xC530]  }
0x1d9: {  	[tilespmem:s9+$0x144D0] =	vst v0;
	v0 =	vmul.f32 $8.000000000e+00, v5;
	v5 =	vld [tilespmem:s9+$0xC540]  }
0x1da: {  	[tilespmem:s9+$0x144E0] =	vst v1;
	v1 =	vmul.f32 $8.000000000e+00, v6;
	v6 =	vld [tilespmem:s9+$0xC550]  }
0x1db: {  	[tilespmem:s9+$0x144F0] =	vst v0;
	v0 =	vmul.f32 $8.000000000e+00, v2;
	v2 =	vld [tilespmem:s9+$0xC560]  }
0x1dc: {  	[tilespmem:s9+$0x14500] =	vst v1;
	v1 =	vmul.f32 $8.000000000e+00, v3;
	v3 =	vld [tilespmem:s9+$0xC570]  }
0x1dd: {  	[tilespmem:s9+$0x14510] =	vst v0;
	v0 =	vmul.f32 $8.000000000e+00, v4;
	v4 =	vld [tilespmem:s9+$0xC580]  }
0x1de: {  	[tilespmem:s9+$0x14520] =	vst v1;
	v1 =	vmul.f32 $8.000000000e+00, v5;
	v7 =	vld [tilespmem:s9+$0xC590]  }
.Ltmp8:
0x1df: {  	[tilespmem:s9+$0x14530] =	vst v0;
	v5 =	vmul.f32 $8.000000000e+00, v6;
	v0 =	vld [tilespmem:s9+$0xC5A0];
	(pc) =	sbr.rel @p1 .LBB2_13-.Ltmp8, $4  }
0x1e0: {  	[tilespmem:s9+$0x14540] =	vst v1;
	v6 =	vmul.f32 $8.000000000e+00, v2;
	v1 =	vld [tilespmem:s9+$0xC5B0]  }
0x1e1: {  	[tilespmem:s9+$0x14550] =	vst v5;
	v8 =	vmul.f32 $8.000000000e+00, v3;
	v2 =	vld [tilespmem:s9+$0xC5C0]  }
0x1e2: {  	[tilespmem:s9+$0x14560] =	vst v6;
	v5 =	vmul.f32 $8.000000000e+00, v4;
	v3 =	vld [tilespmem:s9+$0xC5D0]  }
0x1e3: {  	s18 =	sshra.s32 s6, $0x2;
	s6 =	sadd.s32 $0x800, s6;
	[tilespmem:s9+$0x14570] =	vst v8;
	v6 =	vmul.f32 $8.000000000e+00, v7;
	v4 =	vld [tilespmem:s9+$0xC5E0]  }
0x1e4: {  	v7 =	vld [tilespmem:s18+$0xC5F0];
	[tilespmem:s9+$0x14580] =	vst v5;
	v0 =	vmul.f32 $8.000000000e+00, v0  }
0x1e5: {  	v5 =	vld [tilespmem:s18+$0xC400];
	[tilespmem:s9+$0x14590] =	vst v6;
	v1 =	vmul.f32 $8.000000000e+00, v1  }
0x1e6: {  	v6 =	vld [tilespmem:s18+$0xC410];
	[tilespmem:s9+$0x145A0] =	vst v0;
	v2 =	vmul.f32 $8.000000000e+00, v2  }
0x1e7: {  	v0 =	vld [tilespmem:s18+$0xC420];
	[tilespmem:s9+$0x145B0] =	vst v1;
	v3 =	vmul.f32 $8.000000000e+00, v3  }
0x1e8: {  	v1 =	vld [tilespmem:s18+$0xC430];
	[tilespmem:s9+$0x145C0] =	vst v2;
	v4 =	vmul.f32 $8.000000000e+00, v4  }
0x1e9: {  	v2 =	vld [tilespmem:s18+$0xC440];
	[tilespmem:s9+$0x145D0] =	vst v3;
	v7 =	vmul.f32 $8.000000000e+00, v7  }
0x1ea: {  	v3 =	vld [tilespmem:s18+$0xC450];
	[tilespmem:s9+$0x145E0] =	vst v4;
	v32 =	vmul.f32 $8.000000000e+00, v5  }
0x1eb: {  	v33 =	vld [tilespmem:s18+$0xC460];
	[tilespmem:s18+$0x145F0] =	vst v7;
	v6 =	vmul.f32 $8.000000000e+00, v6  }
0x1ec: {  	v34 =	vld [tilespmem:s18+$0xC470];
	[tilespmem:s18+$0x14400] =	vst v32;
	v0 =	vmul.f32 $8.000000000e+00, v0  }
0x1ed: {  	v35 =	vld [tilespmem:s18+$0xC480];
	[tilespmem:s18+$0x14410] =	vst v6;
	v1 =	vmul.f32 $8.000000000e+00, v1  }
0x1ee: {  	v36 =	vld [tilespmem:s18+$0xC490];
	[tilespmem:s18+$0x14420] =	vst v0;
	v2 =	vmul.f32 $8.000000000e+00, v2  }
0x1ef: {  	v37 =	vld [tilespmem:s18+$0xC4A0];
	[tilespmem:s18+$0x14430] =	vst v1;
	v3 =	vmul.f32 $8.000000000e+00, v3  }
0x1f0: {  	v38 =	vld [tilespmem:s18+$0xC4B0];
	[tilespmem:s18+$0x14440] =	vst v2;
	v5 =	vmul.f32 $8.000000000e+00, v33  }
0x1f1: {  	v52 =	vld [tilespmem:s18+$0xC590];
	v4 =	vmul.f32 $8.000000000e+00, v34;
	[tilespmem:s18+$0x14450] =	vst v3  }
0x1f2: {  	v53 =	vld [tilespmem:s18+$0xC5A0];
	v6 =	vmul.f32 $8.000000000e+00, v35;
	[tilespmem:s18+$0x14460] =	vst v5  }
0x1f3: {  	v54 =	vld [tilespmem:s18+$0xC5B0];
	v0 =	vmul.f32 $8.000000000e+00, v36;
	[tilespmem:s18+$0x14470] =	vst v4  }
0x1f4: {  	v55 =	vld [tilespmem:s18+$0xC5C0];
	v1 =	vmul.f32 $8.000000000e+00, v37;
	[tilespmem:s18+$0x14480] =	vst v6  }
0x1f5: {  	v56 =	vld [tilespmem:s18+$0xC5D0];
	v2 =	vmul.f32 $8.000000000e+00, v38;
	[tilespmem:s18+$0x14490] =	vst v0  }
0x1f6: {  	v58 =	vld [tilespmem:s18+$0xC5E0];
	v57 =	vmul.f32 $8.000000000e+00, v52;
	[tilespmem:s18+$0x144A0] =	vst v1  }
0x1f7: {  	v39 =	vld [tilespmem:s18+$0xC4C0];
	v59 =	vmul.f32 $8.000000000e+00, v53;
	[tilespmem:s18+$0x144B0] =	vst v2  }
0x1f8: {  	v40 =	vld [tilespmem:s18+$0xC4D0];
	v60 =	vmul.f32 $8.000000000e+00, v54;
	[tilespmem:s18+$0x14590] =	vst v57  }
0x1f9: {  	v41 =	vld [tilespmem:s18+$0xC4E0];
	v61 =	vmul.f32 $8.000000000e+00, v55;
	[tilespmem:s18+$0x145A0] =	vst v59  }
0x1fa: {  	v42 =	vld [tilespmem:s18+$0xC4F0];
	v62 =	vmul.f32 $8.000000000e+00, v56;
	[tilespmem:s18+$0x145B0] =	vst v60  }
0x1fb: {  	v43 =	vld [tilespmem:s18+$0xC500];
	v63 =	vmul.f32 $8.000000000e+00, v58;
	[tilespmem:s18+$0x145C0] =	vst v61  }
0x1fc: {  	v44 =	vld [tilespmem:s18+$0xC510];
	v3 =	vmul.f32 $8.000000000e+00, v39;
	[tilespmem:s18+$0x145D0] =	vst v62  }
0x1fd: {  	v45 =	vld [tilespmem:s18+$0xC520];
	v5 =	vmul.f32 $8.000000000e+00, v40;
	[tilespmem:s18+$0x145E0] =	vst v63  }
0x1fe: {  	v46 =	vld [tilespmem:s18+$0xC530];
	v4 =	vmul.f32 $8.000000000e+00, v41;
	[tilespmem:s18+$0x144C0] =	vst v3  }
0x1ff: {  	v47 =	vld [tilespmem:s18+$0xC540];
	v6 =	vmul.f32 $8.000000000e+00, v42;
	[tilespmem:s18+$0x144D0] =	vst v5  }
0x200: {  	v48 =	vld [tilespmem:s18+$0xC550];
	v0 =	vmul.f32 $8.000000000e+00, v43;
	[tilespmem:s18+$0x144E0] =	vst v4  }
0x201: {  	v49 =	vld [tilespmem:s18+$0xC560];
	v1 =	vmul.f32 $8.000000000e+00, v44;
	[tilespmem:s18+$0x144F0] =	vst v6  }
0x202: {  	v50 =	vld [tilespmem:s18+$0xC570];
	v2 =	vmul.f32 $8.000000000e+00, v45;
	[tilespmem:s18+$0x14500] =	vst v0  }
0x203: {  	v51 =	vld [tilespmem:s18+$0xC580];
	v3 =	vmul.f32 $8.000000000e+00, v46;
	[tilespmem:s18+$0x14510] =	vst v1  }
0x204: {  	[tilespmem:s18+$0x14520] =	vst v2;
	v5 =	vmul.f32 $8.000000000e+00, v47  }
0x205: {  	v4 =	vmul.f32 $8.000000000e+00, v48;
	[tilespmem:s18+$0x14530] =	vst v3  }
0x206: {  	v6 =	vmul.f32 $8.000000000e+00, v49;
	[tilespmem:s18+$0x14540] =	vst v5  }
.Ltmp9:
0x207: {  	s6 =	sadd.s32 s8, s16;
	v0 =	vmul.f32 $8.000000000e+00, v50;
	[tilespmem:s18+$0x14550] =	vst v4;
	(pc) =	sbr.rel @p0 .LBB2_16-.Ltmp9, $4  }
0x208: {  	s6 =	sshll.u32 s6, $0x3;
	v1 =	vmul.f32 $8.000000000e+00, v51;
	[tilespmem:s18+$0x14560] =	vst v6  }
0x209: {  	s6 =	sand.u32 $0x1FFFF800, s6;
	[tilespmem:s18+$0x14570] =	vst v0  }
0x20a: {  	s6 =	sadd.s32 s2, s6;
	[tilespmem:s18+$0x14580] =	vst v1  }
0x20b: {  	[hbm4b:s6+s3] =	stream.linear.scatter [tilespmem:s1], [sflag:$0x6], $0x4000, $0x38;
	[tilespmem:$0x18400] =	vst v63  }
0x20c: {  	s6 =	sadd.s32 s8, s17  }
0x20d: {  	s6 =	sshrl.u32 s6, $0x3  }
0x20e: {  	s6 =	sadd.s32 s4, s6  }
0x20f: {  	[tilespmem:s25], [sflag:$0x7] =	stream.linear.gather [hbm4b:s6+s3], $0x100, $0x38;
	[tilespmem:$0x18400] =	vst v63  }
.Ltmp10:
0x210: {  	_ = 	snop;
	(pc) =	sbr.rel .LBB2_2-.Ltmp10, $4  }
0x211: {  	_ =	swait.ge [sflag:s19], $0x100  }
0x212: {  	[sflag:s19] =	ssyncset.done $0x0  }
0x213: {  	s7 =	sadd.s32 $0x1, s7;
	[sflag:s19] =	ssyncadd.s32 $0xFFFFFF00  }
0x214: {  	[tilespmem:s26], [sflag:$0x4] =	stream.indirect.gather [hbm4b:s5+s20], $0x40, s25, s20, $0xb8;
	[tilespmem:$0x18400] =	vst v63  }
.LBB2_17:
0x215: {  	_ =	sfence.sel $0x180000  }
0x216: {  	[bflag:$0x0] =	sbarrier.arrive $0xFFFF  }
0x217: {  	_ =	strace $0x90000047  }
0x218: {  	s0 =	stileid.u32;
	[bflag:$0x2] =	sbarrier.arrive $0xFFFF  }
0x219: {  	p0 =	sne.s32 s0, $0x0;
	s0 =	rddreg [dreg:$0x2]  }
0x21a: {  	s0 =	sadd.s32 @!p0 $0x100000, s0  }
0x21b: {  	[sflag:s0] =	ssyncadd.tile.s32 @!p0 $0x1;
	_ =	shalt  }
.Lfunc_end2:
_tile_overlayer_lowered:
.L_overlay_start_2:
0x21c: {  	(tag) =	ssettag $0x2  }
0x21d: {  	s0 =	rddreg [dreg:$0x0];
	s2 =	stileid.u32  }
0x21e: {  	s1 =	rddreg [dreg:$0x1];
	p0 =	sne.s32 s2, $0x0  }
0x21f: {  	s3 =	rddreg [dreg:$0x2];
	[bflag:$0x3] =	sbarrier.arrive $0xFFFF;
	s2 =	simm.s32 @!p0 $0x1C07  }
0x220: {  	[timem:s3], [sflag:s2] =	dma.local @!p0 [hbm:s0], s1  }
0x221: {  	s0 =	simm.s32 @!p0 $0x7  }
0x222: {  	_ =	swait.ge @!p0 [sflag:s0], s1  }
0x223: {  	s1 =	ssub.s32 @!p0 $0x0, s1;
	[sflag:s0] =	ssyncset.done @!p0 $0x0  }
0x224: {  	[sflag:s0] =	ssyncadd.s32 @!p0 s1  }
0x225: {  	[bflag:$0x3] =	sbarrier.arrive $0xFFFF  }
0x226: {  	_ =	shalt  }

// kernel: sparse-core-data-format-call.cloned.1.call-start
scs
called_computation_lowered:
.L_overlay_start_0:
0x0: {  	s2 =	sld [smem:$0x3FD9]  }
0x1: {  	s3 =	sld [smem:$0x3FFE];
	_ =	sdelay $0x1  }
0x2: {  	s1 =	srdreg.scid  }
0x3: {  	s0 =	sand.u32 $0x1, s1  }
0x4: {  	s18 =	sshll.u32 s0, $0xA;
	s2 =	sadd.s32 s3, s2  }
0x5: {  	s2 =	sadd.s32 s2, s18  }
0x6: {  	[smem:$0x3FC6] =	sst s2  }
0x7: {  	_ = 	snop  }
0x8: {  	s2 =	sld [smem:$0x3FD0];
	(tm) =	ssettm $0x1  }
0x9: {  	s19 =	sld [smem:$0x3FFB];
	_ =	sdelay $0x3  }
0xa: {  	_ =	strace s19  }
0xb: {  	s3 =	sld [smem:$0x3FFC];
	_ =	sdelay $0x3  }
0xc: {  	_ =	strace s3  }
0xd: {  	s3 =	sld [smem:$0x3FFD];
	_ =	sdelay $0x3  }
0xe: {  	_ =	strace s3  }
0xf: {  	_ =	strace $0x8FFFFFFF  }
0x10: {  	s20 =	sld [smem:$0x3FDB];
	_ =	sdelay $0x1  }
0x11: {  	s4 =	simm.s32 $_scs_section_size  }
0x12: {  	s5 =	simm.s32 $_size__tile_overlayer_lowered;
	s6 =	simm.s32 $_tile_overlayer_lowered  }
0x13: {  	s23 =	simm.s32 $0x1BFF;
	s22 =	sshll.u32 s6, $0x1;
	s3 =	sadd.s32 s4, s20  }
0x14: {  	s7 =	simm.s32 $0x0;
	s21 =	sshll.u32 s5, $0x1;
	s5 =	sadd.s32 s22, s3  }
0x15: {  	[timem:s7], [sflag:s23] =	dma.local [hbm:s5], s21  }
0x16: {  	_ =	swait.ge [sflag:s23], s21  }
0x17: {  	s4 =	ssub.s32 $0x0, s21;
	[sflag:s23] =	ssyncset.done $0x0  }
0x18: {  	[sflag:s23] =	ssyncadd.s32 s4;
	_ =	sdelay $0x1  }
0x19: {  	s24 =	simm.s32 $0x1B8B  }
0x1a: {  	_ =	swait.ge [sflag:s24], $0x1  }
0x1b: {  	[sflag:s24] =	ssyncset.done $0x0  }
0x1c: {  	s26 =	simm.s32 $0x1B8E;
	s25 =	sld [smem:$0x3FFE];
	[sflag:s24] =	ssyncadd.s32 $0xFFFFFFFF  }
0x1d: {  	s27 =	simm.s32 $execute0_lowered;
	[smem:$0x3FD2] =	sst s26  }
0x1e: {  	s5 =	sshll.u32 s27, $0x1;
	_ =	strace $0x80000049;
	[dreg:$0x1] =	wrdreg $0xFFFFFFFF  }
0x1f: {  	s28 =	simm.s32 $_size_execute0_lowered;
	s3 =	sadd.s32 s3, s5;
	[dreg:$0x0] =	wrdreg $0x0  }
0x20: {  	s5 =	sshll.u32 s28, $0x1;
	[dreg:$0x2] =	wrdreg s3  }
0x21: {  	[dreg:$0x3] =	wrdreg s5  }
0x22: {  	[dreg:$0x4] =	wrdreg $0xC0  }
0x23: {  	_ =	task [dreg:s7], $0x5FFFF  }
0x24: {  	[dreg:$0x1] =	wrdreg $0xFFFFFFFF  }
0x25: {  	[dreg:$0x0] =	wrdreg $0x60  }
0x26: {  	[dreg:$0x2] =	wrdreg s25  }
0x27: {  	[dreg:$0x3] =	wrdreg s2  }
0x28: {  	[dreg:$0x4] =	wrdreg $0x9  }
0x29: {  	_ =	task.clear_ibuf [dreg:s7], $0x5FFFF;
	_ =	strace $0x90000049  }
0x2a: {  	s29 =	simm.s32 $0x9;
	_ =	strace $0x8000004B  }
0x2b: {  	_ =	swait.ge [sflag:s29], $0x1  }
0x2c: {  	[sflag:s29] =	ssyncadd.s32 $0xFFFFFFFF  }
0x2d: {  	_ =	strace $0x9000004B  }
0x2e: {  	_ =	sfence  }
0x2f: {  	s30 =	sld [smem:$0x0];
	_ =	sdelay $0x2  }
0x30: {  	s31 =	sshll.u32 s1, $0xD;
	s1 =	sshrl.u32 s1, $0x2  }
0x31: {  	s3 =	sand.u32 $0x4000, s31;
	s1 =	sadd.s32 s1, s30  }
0x32: {  	s0 =	sor.u32 s3, s0;
	s1 =	sshll.u32 s1, $0x11  }
0x33: {  	s0 =	sor.u32 s1, s0  }
0x34: {  	s0 =	sadd.s32 $0x8F2B, s0  }
0x35: {  	[sflag:s0] =	ssyncadd.remote.s32 $0x1  }
0x36: {  	_ =	sfence.sel $0xFFFF  }
0x37: {  	[dreg:$0x0] =	wrdreg $0xFFFFFFFF;
	(pc) =	sbr.abs _section_cstart, $3  }
0x38: {  	[dreg:$0x1] =	wrdreg $0xFFFFFFFF  }
0x39: {  	_ =	task.clear_ibuf [dreg:s7], $0x2FFFF;
	_ =	strace $0x9FFFFFFF  }
0x3a: {  	(tm) =	ssettm $0x7FFFFFFF  }
0x3b: {  	_ =	shalt  }
tec
execute0_lowered:
.L_overlay_start_1:
0x0: {  	(tag) =	ssettag $0x1  }
0x1: {  	s0 =	srdreg.scid  }
0x2: {  	s1 =	sshll.u32 s0, $0x4  }
0x3: {  	s0 =	stileid.u32;
	s1 =	sand.u32 $0x10, s1  }
0x4: {  	s1 =	sor.u32 s0, s1  }
0x5: {  	s6 =	rddreg [dreg:$0x0];
	s4 =	simm.s32 $0x1;
	s2 =	sshll.u32 s1, $0x7  }
0x6: {  	s7 =	simm.s32 $0x2;
	s12 =	simm.s32 $0x0;
	s1 =	ssub.s32 $0x1000, s2  }
0x7: {  	s8 =	simm.s32 $0x8000;
	s13 =	simm.s32 $0x0;
	s3 =	sand.u32 $0xF80, s1  }
0x8: {  	s9 =	simm.s32 $0x0;
	s5 =	sshrl.u32 s1, $0xC;
	p0 =	sne.s32 s3, $0x0  }
.Ltmp0:
0x9: {  	s1 =	rddreg [dreg:$0x2];
	s4 =	simm.s32 @!p0 $0x0;
	(pc) =	sbr.rel .LBB1_1-.Ltmp0, $4  }
0xa: {  	s11 =	simm.s32 $0x0;
	s3 =	rddreg [dreg:$0x1];
	s5 =	sadd.s32 s4, s5  }
0xb: {  	_ =	strace $0x8000004A;
	s4 =	simm.s32 $0x1;
	s5 =	smul.u32 $0xC8, s5  }
0xc: {  	s6 =	sadd.s32 $0xA00, s6;
	s10 =	smov.u32 s2;
	[sflag:s4] =	ssyncpa.u1 $0x0  }
0xd: {  	p0 =	por $0x0, $0x0;
	[sflag:s7] =	ssyncpa.u1 $0x0;
	s7 =	sor.u32 $0x1, s5  }
.LBB1_4:
0xe: {  	s16 =	sshll.u32 s13, $0x3;
	s17 =	sand.u32 $0x78, s13  }
0xf: {  	s30 =	sand.u32 $0x7E00, s13;
	s12 =	sshll.u32 s12, $0xF;
	s16 =	sand.u32 $0xC00, s16  }
0x10: {  	[tilespmem:s15+$0x810 ss:$0x81] =	vst.msk $0xffff, v2;
	s31 =	sand.u32 $0x7, s13;
	s16 =	sor.u32 s17, s16;
	s17 =	sadd.s32 s3, s30  }
0x11: {  	[tilespmem:s15+$0x1020 ss:$0x81] =	vst.msk $0xffff, v0;
	s13 =	sshll.u32 s31, $0x12;
	s12 =	sadd.s32 s12, s17;
	s16 =	sshrl.u32 s16, $0x3  }
0x12: {  	[tilespmem:s15+$0x0 ss:$0x81] =	vst.msk $0xffff, v1;
	s13 =	sor.u32 $0x400, s13;
	s12 =	sadd.s32 s16, s12  }
0x13: {  	[hbm4b:s12+s13] =	stream.strided.scatter [tilespmem:s14], [sflag:$0x2], $0x2000, s8, s13, $0x20;
	[tilespmem:$0x8080] =	vst v63  }
.LBB1_5:
0x14: {  	s14 =	sadd.s32 $0x1, s9  }
0x15: {  	s12 =	sadd.s32 $0x1000, s10;
	s16 =	smov.u32 s10;
	p2 =	sgt.s32 s14, $0xC7  }
0x16: {  	s16 =	smov.u32 @p2 s12  }
0x17: {  	s14 =	simm.s32 @p2 $0x0;
	p2 =	sgt.s32 s16, $0xFFF  }
0x18: {  	s16 =	smov.u32 @p2 s2;
	p2 =	sne.s32 s11, s7  }
.Ltmp1:
0x19: {  	p1 =	slt.u32 s11, $0x2;
	(pc) =	sbr.rel @!p2 .LBB1_6-.Ltmp1, $4  }
0x1a: {  	s15 =	simm.s32 @!p1 $0x2  }
0x1b: {  	s13 =	smov.u32 s10;
	p0 =	por !p0, !p0;
	_ =	swait.ge @!p1 [sflag:s15], $0x2000  }
0x1c: {  	s12 =	smov.u32 s9;
	[sflag:s15] =	ssyncset.done @!p1 $0x0;
	s9 =	smov.u32 s14  }
0x1d: {  	s11 =	sadd.s32 $0x1, s11;
	[sflag:s15] =	ssyncadd.s32 @!p1 $0xFFFFE000;
	s10 =	smov.u32 s16  }
.LBB1_1:
0x1e: {  	p1 =	sge.u32 s11, s5  }
0x1f: {  	s14 =	sand.u32 @!p1 $0x1FFFFFF, s9  }
0x20: {  	s15 =	smulhi.u32 @!p1 $0x147AE15, s14;
	_ =	sdelay $0x1  }
0x21: {  	s15 =	smul.u32 @!p1 $0xC8, s15  }
0x22: {  	s16 =	sxor.u32 @!p1 $0xFFFFFFFF, s11;
	s17 =	smul.u32 @!p1 $0xC80, s10  }
0x23: {  	s31 =	sadd.s32 $0xFFFFFFFF, s11;
	s16 =	sshll.u32 @!p1 s16, $0xD;
	s14 =	ssub.s32 @!p1 s14, s15  }
0x24: {  	s15 =	sand.u32 @!p1 $0x2000, s16;
	s16 =	sadd.s32 @!p1 s6, s17;
	s14 =	sshll.u32 @!p1 s14, $0x4  }
0x25: {  	s17 =	simm.s32 @!p1 $0x6400;
	s14 =	sadd.s32 @!p1 s14, s16;
	s16 =	simm.s32 @!p1 $0x40  }
0x26: {  	[tilespmem:s15], [sflag:$0x1] =	stream.strided.gather @!p1 [hbm4b:s14+s16], $0x2000, s17, s16, $0x38;
	[tilespmem:$0x8080] =	vst v63  }
0x27: {  	p1 =	sge.u32 s31, s5  }
.Ltmp2:
0x28: {  	_ = 	snop;
	(pc) =	sbr.rel @p1 .LBB1_5-.Ltmp2, $1  }
0x29: {  	_ =	sdelay $0x3  }
0x2a: {  	s14 =	simm.s32 $0x1  }
0x2b: {  	_ =	swait.ge [sflag:s4], $0x2000;
	s14 =	simm.s32 @!p0 $0x0  }
0x2c: {  	[sflag:s4] =	ssyncset.done $0x0;
	s15 =	sshll.u32 s14, $0xD  }
0x2d: {  	[sflag:s4] =	ssyncadd.s32 $0xFFFFE000;
	s18 =	sor.u32 $0x20, s15  }
0x2e: {  	s14 =	smul.u32 $0x8100, s14;
	v3 =	vld [tilespmem:s18+$0x10]  }
0x2f: {  	s30 =	sand.u32 $0x1, s11;
	v2 =	vld [tilespmem:s18+$0xFFFFFFF0]  }
0x30: {  	s15 =	smul.u32 $0x8100, s30;
	s14 =	sshrl.u32 s14, $0x2;
	v0 =	vld [tilespmem:s18+$0x0]  }
0x31: {  	v1 =	vld [tilespmem:s18+$0xFFFFFFE0];
	s16 =	sor.u32 $0x4000, s14  }
0x32: {  	s31 =	sshrl.u32 s15, $0x2;
	s15 =	sadd.s32 $0x0, s16  }
0x33: {  	s17 =	simm.s32 $0x4;
	s18 =	sadd.s32 $0x40, s18;
	s14 =	sor.u32 $0x4000, s31;
	[tilespmem:s15+$0x1830 ss:$0x81] =	vst.msk $0xffff, v3  }
.LBB1_3:
0x34: {  	v3 =	vld [tilespmem:s18+$0x10];
	p1 =	sne.s32 s17, $0x1FC;
	[tilespmem:s15+$0x810 ss:$0x81] =	vst.msk $0xffff, v2;
	s19 =	smov.u32 s17;
	s17 =	sadd.s32 $0x4, s17  }
.Ltmp3:
0x35: {  	v2 =	vld [tilespmem:s18+$0xFFFFFFF0];
	[tilespmem:s15+$0x1020 ss:$0x81] =	vst.msk $0xffff, v0;
	(pc) =	sbr.rel @p1 .LBB1_3-.Ltmp3, $4  }
0x36: {  	v0 =	vld [tilespmem:s18+$0x0];
	[tilespmem:s15+$0x0 ss:$0x81] =	vst.msk $0xffff, v1  }
0x37: {  	s15 =	sshra.s32 s19, $0x2;
	v1 =	vld [tilespmem:s18+$0xFFFFFFE0]  }
0x38: {  	s15 =	sadd.s32 s15, s16  }
0x39: {  	s18 =	sadd.s32 $0x40, s18;
	[tilespmem:s15+$0x1830 ss:$0x81] =	vst.msk $0xffff, v3  }
.Ltmp4:
0x3a: {  	_ = 	snop;
	(pc) =	sbr.rel .LBB1_4-.Ltmp4, $1  }
0x3b: {  	_ =	sdelay $0x3  }
.LBB1_6:
0x3c: {  	_ =	sfence.sel $0x180000  }
0x3d: {  	s2 =	simm.s32 $0x1;
	[bflag:$0x0] =	sbarrier.arrive $0xFFFF  }
0x3e: {  	s31 =	simm.s32 $0x2;
	[sflag:s2] =	ssyncpa.u1 $0x1  }
0x3f: {  	[sflag:s31] =	ssyncpa.u1 $0x1  }
0x40: {  	p0 =	sne.s32 s0, $0x0;
	_ =	strace $0x9000004A  }
0x41: {  	s0 =	sadd.s32 @!p0 $0x100000, s1;
	[bflag:$0x2] =	sbarrier.arrive $0xFFFF  }
0x42: {  	[sflag:s0] =	ssyncadd.tile.s32 @!p0 $0x1;
	_ =	shalt  }
.Lfunc_end1:
_tile_overlayer_lowered:
.L_overlay_start_2:
0x43: {  	(tag) =	ssettag $0x2  }
0x44: {  	s0 =	rddreg [dreg:$0x0];
	s2 =	stileid.u32  }
0x45: {  	s1 =	rddreg [dreg:$0x1];
	p0 =	sne.s32 s2, $0x0  }
0x46: {  	s3 =	rddreg [dreg:$0x2];
	[bflag:$0x3] =	sbarrier.arrive $0xFFFF;
	s2 =	simm.s32 @!p0 $0x1C01  }
0x47: {  	[timem:s3], [sflag:s2] =	dma.local @!p0 [hbm:s0], s1  }
0x48: {  	s0 =	simm.s32 @!p0 $0x1  }
0x49: {  	_ =	swait.ge @!p0 [sflag:s0], s1  }
0x4a: {  	s1 =	ssub.s32 @!p0 $0x0, s1;
	[sflag:s0] =	ssyncset.done @!p0 $0x0  }
0x4b: {  	[sflag:s0] =	ssyncadd.s32 @!p0 s1  }
0x4c: {  	[bflag:$0x3] =	sbarrier.arrive $0xFFFF  }
0x4d: {  	_ =	shalt  }

</sc_bundles>
